<compile_context>
chip_gen: v7x
topology: tpu7x:2x2x1
jax: 0.10.2.dev20260603
libtpu: 0.0.44.dev20260713+nightly
codegen_flags: <defaults>
</compile_context>

<pallas_src>
import jax
import jax.numpy as jnp
from jax import lax
from jax.experimental import pallas as pl
from jax.experimental.pallas import tpu as pltpu
from jax.experimental.pallas import tpu_sc as plsc

_N_DENSE = 13
_N_SPARSE = 26
_VOCAB = 100000
_DIM = 32
_B = 16384
_ROW = _N_DENSE + _N_SPARSE * _DIM

_NC = 2
_NS = 16
_CHUNK = 4096
_NCHUNK = _B // _CHUNK
_SEGS = _CHUNK // 16
_UNROLL = 16


def _body(xt_hbm, tt_hbm, out_hbm, slab_v, idx_v, res_v, slab_sem,
          idx_sem, res_sem):
    d = lax.axis_index("s") * _NC + lax.axis_index("c")

    def idx_start(t, k, buf):
        return pltpu.async_copy(
            xt_hbm.at[_N_DENSE + t, pl.ds(k * _CHUNK, _CHUNK)],
            idx_v.at[buf], idx_sem)

    def slab_start(t):
        return pltpu.async_copy(tt_hbm.at[t, d], slab_v, slab_sem)

    def slab_wait(t):
        pltpu.make_async_copy(tt_hbm.at[t, d], slab_v, slab_sem).wait()

    slab_start(0)
    idx_start(0, 0, 0)
    idx_start(0, 1, 1)

    def field_body(t, carry):
        orow = _N_DENSE + t * _DIM + d
        slab_wait(t)

        for k in range(_NCHUNK):
            buf = k % 2
            pltpu.make_async_copy(
                xt_hbm.at[_N_DENSE + t, pl.ds(k * _CHUNK, _CHUNK)],
                idx_v.at[buf], idx_sem).wait()
            if k >= 2:
                pltpu.make_async_copy(
                    res_v.at[buf],
                    out_hbm.at[orow, pl.ds((k - 2) * _CHUNK, _CHUNK)],
                    res_sem).wait()
            else:
                @pl.when(t > 0)
                def _():
                    pltpu.make_async_copy(
                        res_v.at[buf],
                        out_hbm.at[orow - _DIM,
                                   pl.ds((k + 2) * _CHUNK, _CHUNK)],
                        res_sem).wait()

            def seg_body(i, c2):
                s0 = i * _UNROLL
                for u in range(_UNROLL):
                    off = (s0 + u) * 16
                    iv = idx_v[buf, pl.ds(off, 16)]
                    ev = plsc.load_gather(slab_v, [iv.astype(jnp.int32)])
                    res_v[buf, pl.ds(off, 16)] = ev
                return c2

            lax.fori_loop(0, _SEGS // _UNROLL, seg_body, 0)

            if k == _NCHUNK - 1:
                @pl.when(t + 1 < _N_SPARSE)
                def _():
                    slab_start(t + 1)
            nk = k + 2
            if nk < _NCHUNK:
                idx_start(t, nk, nk % 2)
            else:
                @pl.when(t + 1 < _N_SPARSE)
                def _():
                    idx_start(t + 1, nk - _NCHUNK, nk % 2)
            pltpu.async_copy(
                res_v.at[buf],
                out_hbm.at[orow, pl.ds(k * _CHUNK, _CHUNK)], res_sem)
        return carry

    lax.fori_loop(0, _N_SPARSE, field_body, 0)

    last_row = _N_DENSE + (_N_SPARSE - 1) * _DIM + d
    for k in (_NCHUNK - 2, _NCHUNK - 1):
        pltpu.make_async_copy(
            res_v.at[k % 2],
            out_hbm.at[last_row, pl.ds(k * _CHUNK, _CHUNK)], res_sem).wait()

    @pl.when(d < _N_DENSE)
    def _():
        def dchunk(k, carry):
            pltpu.sync_copy(xt_hbm.at[d, pl.ds(k * _CHUNK, _CHUNK)],
                            res_v.at[0])
            pltpu.sync_copy(res_v.at[0],
                            out_hbm.at[d, pl.ds(k * _CHUNK, _CHUNK)])
            return carry

        lax.fori_loop(0, _NCHUNK, dchunk, 0)


@jax.jit
def kernel(x, tables):
    xt = x.T
    tt = jnp.transpose(tables, (0, 2, 1))
    mesh = plsc.VectorSubcoreMesh(core_axis_name="c", subcore_axis_name="s")
    out_t = pl.kernel(
        _body,
        mesh=mesh,
        compiler_params=pltpu.CompilerParams(
            needs_layout_passes=False, use_tc_tiling_on_sc=True
        ),
        out_type=jax.ShapeDtypeStruct((_ROW, _B), jnp.float32),
        scratch_types=[
            pltpu.VMEM((_VOCAB,), jnp.float32),
            pltpu.VMEM((2, _CHUNK), jnp.float32),
            pltpu.VMEM((2, _CHUNK), jnp.float32),
            pltpu.SemaphoreType.DMA,
            pltpu.SemaphoreType.DMA,
            pltpu.SemaphoreType.DMA,
        ],
    )(xt, tt)
    return out_t.T

# --- scband reference (transcript-rebuilt; emitter-appended) ---
"""Pipeline reference for scband-base-model-43026982371729 (READ-ONLY COPY).

The authoritative reference and input builder live on the scoring server;
editing this copy changes nothing except your own understanding.
"""

import jax, jax.numpy as jnp
import numpy as np

N_DENSE = 13
N_SPARSE = 26
VOCAB = 100000
DIM = 32
B = 16384


def setup_inputs(seed: int = 0) -> dict:
    key = jax.random.key(seed)
    k1, k2 = jax.random.split(key, 2)
    # x holds 13 dense columns followed by 26 sparse index columns, stored as float32
    # (the torch module casts sparse columns with .long() inside build_inputs)
    x = jax.random.randint(k1, (B, N_DENSE + N_SPARSE), 0, VOCAB).astype(jnp.float32)
    # 26 distinct embedding tables (emb_name t0..t25), each [VOCAB, DIM],
    # initialized uniform(emb_init_lower, emb_init_upper) = uniform(-0.01, 0.01)
    tables = jax.random.uniform(k2, (N_SPARSE, VOCAB, DIM), minval=-0.01, maxval=0.01, dtype=jnp.float32)
    return {"x": x, "tables": tables}


def reference(x, tables):
    # build_inputs: dense features are sliced columns x[:, i:i+1]
    dense = x[:, :N_DENSE]  # [B, 13] (packing of the 13 [B,1] dense slices)
    # sparse features: embedding_dict[emb_name](x[:, idx].long())
    idx = x[:, N_DENSE:].astype(jnp.int32)  # [B, 26]
    field = jnp.arange(N_SPARSE)[None, :]  # [1, 26]
    emb = tables[field, idx]  # gather -> [B, 26, 32]
    # pack the dict of inputs into a single array: [B, 13 + 26*32]
    return jnp.concatenate([dense, emb.reshape(emb.shape[0], -1)], axis=1)

if __name__ == "__main__":
    import jax
    _d = setup_inputs()
    print(jax.jit(kernel)(*tuple(_d.values())))

</pallas_src>

<mosaic_0001>
#map = affine_map<(d0, d1) -> (0, 0)>
#map1 = affine_map<(d0, d1) -> (0, 0, 0)>
module attributes {stable_mosaic.version = 14 : i64} {
  func.func @_body(%arg0: i32, %arg1: i32, %arg2: memref<39x16384xf32, #tpu.memory_space<hbm>>, %arg3: memref<26x32x100000xf32, #tpu.memory_space<hbm>>, %arg4: memref<845x16384xf32, #tpu.memory_space<hbm>>, %arg5: memref<100000xf32, #tpu.memory_space<vmem>>, %arg6: memref<2x4096xf32, #tpu.memory_space<vmem>>, %arg7: memref<2x4096xf32, #tpu.memory_space<vmem>>, %arg8: memref<!tpu.dma_semaphore, #tpu.memory_space<semaphore_mem>>, %arg9: memref<!tpu.dma_semaphore, #tpu.memory_space<semaphore_mem>>, %arg10: memref<!tpu.dma_semaphore, #tpu.memory_space<semaphore_mem>>) attributes {dimension_semantics = [#tpu.dimension_semantics<core_parallel>, #tpu.dimension_semantics<subcore_parallel>], iteration_bounds = array<i64: 2, 16>, scalar_prefetch = 0 : i64, scratch_operands = 6 : i64, tpu.core_type = #tpu.core_type<sc_vector_subcore>, window_params = [{transform_indices = #map}, {transform_indices = #map1}, {transform_indices = #map}]} {
    %mul3A = arith.constant 2 : i32
    %mul3A_0 = arith.muli %arg1, %mul3A : i32
    %add3A = arith.addi %mul3A_0, %arg0 : i32
    %dma_start3A = arith.constant 0 : i32
    %dma_start3A_1 = arith.constant 0 : i32
    %dma_start3A_2 = tpu.memref_slice %arg3[%dma_start3A, %add3A, %dma_start3A_1] : memref<26x32x100000xf32, #tpu.memory_space<hbm>> -> memref<1x1x100000xf32, #tpu.memory_space<hbm>>
    %dma_start3A_3 = tpu.memref_squeeze %dma_start3A_2 : memref<1x1x100000xf32, #tpu.memory_space<hbm>> -> memref<100000xf32, #tpu.memory_space<hbm>>
    %dma_start3A_4 = arith.constant 0 : i32
    %dma_start3A_5 = tpu.memref_slice %arg3[%dma_start3A, %add3A, %dma_start3A_4] : memref<26x32x100000xf32, #tpu.memory_space<hbm>> -> memref<1x1x100000xf32, #tpu.memory_space<hbm>>
    %dma_start3A_6 = tpu.memref_squeeze %dma_start3A_5 : memref<1x1x100000xf32, #tpu.memory_space<hbm>> -> memref<100000xf32, #tpu.memory_space<hbm>>
    tpu.enqueue_dma source(%dma_start3A_6 : memref<100000xf32, #tpu.memory_space<hbm>>) target(%arg5 : memref<100000xf32, #tpu.memory_space<vmem>>) target_semaphore(%arg8 : memref<!tpu.dma_semaphore, #tpu.memory_space<semaphore_mem>>)
    %dma_start3A_7 = arith.constant 13 : i32
    %dma_start3A_8 = arith.constant 0 : i32
    %dma_start3A_9 = arith.constant 0 : i32
    %dma_start3A_10 = tpu.memref_slice %arg6[%dma_start3A_8, %dma_start3A_9] : memref<2x4096xf32, #tpu.memory_space<vmem>> -> memref<1x4096xf32, #tpu.memory_space<vmem>>
    %dma_start3A_11 = tpu.memref_squeeze %dma_start3A_10 : memref<1x4096xf32, #tpu.memory_space<vmem>> -> memref<4096xf32, #tpu.memory_space<vmem>>
    %dma_start3A_12 = arith.constant 0 : i32
    %dma_start3A_13 = tpu.memref_slice %arg2[%dma_start3A_7, %dma_start3A_12] : memref<39x16384xf32, #tpu.memory_space<hbm>> -> memref<1x4096xf32, #tpu.memory_space<hbm>>
    %dma_start3A_14 = tpu.memref_squeeze %dma_start3A_13 : memref<1x4096xf32, #tpu.memory_space<hbm>> -> memref<4096xf32, #tpu.memory_space<hbm>>
    %dma_start3A_15 = arith.constant 0 : i32
    %dma_start3A_16 = tpu.memref_slice %arg6[%dma_start3A_8, %dma_start3A_15] : memref<2x4096xf32, #tpu.memory_space<vmem>> -> memref<1x4096xf32, #tpu.memory_space<vmem>>
    %dma_start3A_17 = tpu.memref_squeeze %dma_start3A_16 : memref<1x4096xf32, #tpu.memory_space<vmem>> -> memref<4096xf32, #tpu.memory_space<vmem>>
    %dma_start3A_18 = arith.constant 0 : i32
    %dma_start3A_19 = tpu.memref_slice %arg2[%dma_start3A_7, %dma_start3A_18] : memref<39x16384xf32, #tpu.memory_space<hbm>> -> memref<1x4096xf32, #tpu.memory_space<hbm>>
    %dma_start3A_20 = tpu.memref_squeeze %dma_start3A_19 : memref<1x4096xf32, #tpu.memory_space<hbm>> -> memref<4096xf32, #tpu.memory_space<hbm>>
    tpu.enqueue_dma source(%dma_start3A_20 : memref<4096xf32, #tpu.memory_space<hbm>>) target(%dma_start3A_17 : memref<4096xf32, #tpu.memory_space<vmem>>) target_semaphore(%arg9 : memref<!tpu.dma_semaphore, #tpu.memory_space<semaphore_mem>>)
    %dma_start3A_21 = arith.constant 13 : i32
    %dma_start3A_22 = arith.constant 1 : i32
    %dma_start3A_23 = arith.constant 0 : i32
    %dma_start3A_24 = tpu.memref_slice %arg6[%dma_start3A_22, %dma_start3A_23] : memref<2x4096xf32, #tpu.memory_space<vmem>> -> memref<1x4096xf32, #tpu.memory_space<vmem>>
    %dma_start3A_25 = tpu.memref_squeeze %dma_start3A_24 : memref<1x4096xf32, #tpu.memory_space<vmem>> -> memref<4096xf32, #tpu.memory_space<vmem>>
    %dma_start3A_26 = arith.constant 4096 : i32
    %dma_start3A_27 = tpu.memref_slice %arg2[%dma_start3A_21, %dma_start3A_26] : memref<39x16384xf32, #tpu.memory_space<hbm>> -> memref<1x4096xf32, #tpu.memory_space<hbm>>
    %dma_start3A_28 = tpu.memref_squeeze %dma_start3A_27 : memref<1x4096xf32, #tpu.memory_space<hbm>> -> memref<4096xf32, #tpu.memory_space<hbm>>
    %dma_start3A_29 = arith.constant 0 : i32
    %dma_start3A_30 = tpu.memref_slice %arg6[%dma_start3A_22, %dma_start3A_29] : memref<2x4096xf32, #tpu.memory_space<vmem>> -> memref<1x4096xf32, #tpu.memory_space<vmem>>
    %dma_start3A_31 = tpu.memref_squeeze %dma_start3A_30 : memref<1x4096xf32, #tpu.memory_space<vmem>> -> memref<4096xf32, #tpu.memory_space<vmem>>
    %dma_start3A_32 = arith.constant 4096 : i32
    %dma_start3A_33 = tpu.memref_slice %arg2[%dma_start3A_21, %dma_start3A_32] : memref<39x16384xf32, #tpu.memory_space<hbm>> -> memref<1x4096xf32, #tpu.memory_space<hbm>>
    %dma_start3A_34 = tpu.memref_squeeze %dma_start3A_33 : memref<1x4096xf32, #tpu.memory_space<hbm>> -> memref<4096xf32, #tpu.memory_space<hbm>>
    tpu.enqueue_dma source(%dma_start3A_34 : memref<4096xf32, #tpu.memory_space<hbm>>) target(%dma_start3A_31 : memref<4096xf32, #tpu.memory_space<vmem>>) target_semaphore(%arg9 : memref<!tpu.dma_semaphore, #tpu.memory_space<semaphore_mem>>)
    %scan3A = arith.constant 0 : i32
    %scan3A_35 = arith.constant 0 : i32
    %scan3A_36 = arith.constant 26 : i32
    %scan3A_37 = arith.addi %scan3A_35, %scan3A_36 : i32
    %scan3A_38 = arith.constant 1 : i32
    scf.for %scan3A_69 = %scan3A_35 to %scan3A_37 step %scan3A_38  : i32 {
      %mul3A_70 = arith.constant 32 : i32
      %mul3A_71 = arith.muli %scan3A_69, %mul3A_70 : i32
      %add3A_72 = arith.constant 13 : i32
      %add3A_73 = arith.addi %add3A_72, %mul3A_71 : i32
      %add3A_74 = arith.addi %add3A_73, %add3A : i32
      %dma_wait3A_75 = arith.constant 0 : i32
      %dma_wait3A_76 = tpu.memref_slice %arg3[%scan3A_69, %add3A, %dma_wait3A_75] : memref<26x32x100000xf32, #tpu.memory_space<hbm>> -> memref<1x1x100000xf32, #tpu.memory_space<hbm>>
      %dma_wait3A_77 = tpu.memref_squeeze %dma_wait3A_76 : memref<1x1x100000xf32, #tpu.memory_space<hbm>> -> memref<100000xf32, #tpu.memory_space<hbm>>
      %dma_wait3A_78 = arith.constant 0 : i32
      %dma_wait3A_79 = tpu.memref_slice %arg3[%scan3A_69, %add3A, %dma_wait3A_78] : memref<26x32x100000xf32, #tpu.memory_space<hbm>> -> memref<1x1x100000xf32, #tpu.memory_space<hbm>>
      %dma_wait3A_80 = tpu.memref_squeeze %dma_wait3A_79 : memref<1x1x100000xf32, #tpu.memory_space<hbm>> -> memref<100000xf32, #tpu.memory_space<hbm>>
      tpu.wait_dma2 semaphore(%arg8 : memref<!tpu.dma_semaphore, #tpu.memory_space<semaphore_mem>>) src(%dma_wait3A_80 : memref<100000xf32, #tpu.memory_space<hbm>>) dst(%arg5 : memref<100000xf32, #tpu.memory_space<vmem>>)
      %add3A_81 = arith.constant 13 : i32
      %add3A_82 = arith.addi %add3A_81, %scan3A_69 : i32
      %dma_wait3A_83 = arith.constant 0 : i32
      %dma_wait3A_84 = arith.constant 0 : i32
      %dma_wait3A_85 = tpu.memref_slice %arg6[%dma_wait3A_83, %dma_wait3A_84] : memref<2x4096xf32, #tpu.memory_space<vmem>> -> memref<1x4096xf32, #tpu.memory_space<vmem>>
      %dma_wait3A_86 = tpu.memref_squeeze %dma_wait3A_85 : memref<1x4096xf32, #tpu.memory_space<vmem>> -> memref<4096xf32, #tpu.memory_space<vmem>>
      %dma_wait3A_87 = arith.constant 0 : i32
      %dma_wait3A_88 = tpu.memref_slice %arg2[%add3A_82, %dma_wait3A_87] : memref<39x16384xf32, #tpu.memory_space<hbm>> -> memref<1x4096xf32, #tpu.memory_space<hbm>>
      %dma_wait3A_89 = tpu.memref_squeeze %dma_wait3A_88 : memref<1x4096xf32, #tpu.memory_space<hbm>> -> memref<4096xf32, #tpu.memory_space<hbm>>
      %dma_wait3A_90 = arith.constant 0 : i32
      %dma_wait3A_91 = tpu.memref_slice %arg6[%dma_wait3A_83, %dma_wait3A_90] : memref<2x4096xf32, #tpu.memory_space<vmem>> -> memref<1x4096xf32, #tpu.memory_space<vmem>>
      %dma_wait3A_92 = tpu.memref_squeeze %dma_wait3A_91 : memref<1x4096xf32, #tpu.memory_space<vmem>> -> memref<4096xf32, #tpu.memory_space<vmem>>
      %dma_wait3A_93 = arith.constant 0 : i32
      %dma_wait3A_94 = tpu.memref_slice %arg2[%add3A_82, %dma_wait3A_93] : memref<39x16384xf32, #tpu.memory_space<hbm>> -> memref<1x4096xf32, #tpu.memory_space<hbm>>
      %dma_wait3A_95 = tpu.memref_squeeze %dma_wait3A_94 : memref<1x4096xf32, #tpu.memory_space<hbm>> -> memref<4096xf32, #tpu.memory_space<hbm>>
      tpu.wait_dma2 semaphore(%arg9 : memref<!tpu.dma_semaphore, #tpu.memory_space<semaphore_mem>>) src(%dma_wait3A_95 : memref<4096xf32, #tpu.memory_space<hbm>>) dst(%dma_wait3A_92 : memref<4096xf32, #tpu.memory_space<vmem>>)
      %gt3A = arith.constant 0 : i32
      %gt3A_96 = arith.cmpi sgt, %scan3A_69, %gt3A : i32
      %convert_element_type3A_97 = arith.extui %gt3A_96 : i1 to i32
      %cond3A_98 = arith.constant 0 : i32
      %cond3A_99 = arith.cmpi ne, %convert_element_type3A_97, %cond3A_98 : i32
      scf.if %cond3A_99 {
        %sub3A = arith.constant 32 : i32
        %sub3A_303 = arith.subi %add3A_74, %sub3A : i32
        %dma_wait3A_304 = arith.constant 0 : i32
        %dma_wait3A_305 = arith.constant 0 : i32
        %dma_wait3A_306 = tpu.memref_slice %arg7[%dma_wait3A_304, %dma_wait3A_305] : memref<2x4096xf32, #tpu.memory_space<vmem>> -> memref<1x4096xf32, #tpu.memory_space<vmem>>
        %dma_wait3A_307 = tpu.memref_squeeze %dma_wait3A_306 : memref<1x4096xf32, #tpu.memory_space<vmem>> -> memref<4096xf32, #tpu.memory_space<vmem>>
        %dma_wait3A_308 = arith.constant 8192 : i32
        %dma_wait3A_309 = tpu.memref_slice %arg4[%sub3A_303, %dma_wait3A_308] : memref<845x16384xf32, #tpu.memory_space<hbm>> -> memref<1x4096xf32, #tpu.memory_space<hbm>>
        %dma_wait3A_310 = tpu.memref_squeeze %dma_wait3A_309 : memref<1x4096xf32, #tpu.memory_space<hbm>> -> memref<4096xf32, #tpu.memory_space<hbm>>
        %dma_wait3A_311 = arith.constant 8192 : i32
        %dma_wait3A_312 = tpu.memref_slice %arg4[%sub3A_303, %dma_wait3A_311] : memref<845x16384xf32, #tpu.memory_space<hbm>> -> memref<1x4096xf32, #tpu.memory_space<hbm>>
        %dma_wait3A_313 = tpu.memref_squeeze %dma_wait3A_312 : memref<1x4096xf32, #tpu.memory_space<hbm>> -> memref<4096xf32, #tpu.memory_space<hbm>>
        %dma_wait3A_314 = arith.constant 0 : i32
        %dma_wait3A_315 = tpu.memref_slice %arg7[%dma_wait3A_304, %dma_wait3A_314] : memref<2x4096xf32, #tpu.memory_space<vmem>> -> memref<1x4096xf32, #tpu.memory_space<vmem>>
        %dma_wait3A_316 = tpu.memref_squeeze %dma_wait3A_315 : memref<1x4096xf32, #tpu.memory_space<vmem>> -> memref<4096xf32, #tpu.memory_space<vmem>>
        tpu.wait_dma2 semaphore(%arg10 : memref<!tpu.dma_semaphore, #tpu.memory_space<semaphore_mem>>) src(%dma_wait3A_316 : memref<4096xf32, #tpu.memory_space<vmem>>) dst(%dma_wait3A_313 : memref<4096xf32, #tpu.memory_space<hbm>>)
      } else {
      }
      %scan3A_100 = arith.constant 0 : i32
      %scan3A_101 = arith.constant 0 : i32
      %scan3A_102 = arith.constant 16 : i32
      %scan3A_103 = arith.addi %scan3A_101, %scan3A_102 : i32
      %scan3A_104 = arith.constant 1 : i32
      scf.for %scan3A_303 = %scan3A_101 to %scan3A_103 step %scan3A_104  : i32 {
        %mul3A_304 = arith.constant 16 : i32
        %mul3A_305 = arith.muli %scan3A_303, %mul3A_304 : i32
        %add3A_306 = arith.constant 0 : i32
        %add3A_307 = arith.addi %mul3A_305, %add3A_306 : i32
        %mul3A_308 = arith.constant 16 : i32
        %mul3A_309 = arith.muli %add3A_307, %mul3A_308 : i32
        %get3A = arith.constant 0 : i32
        %get3A_310 = arith.index_cast %get3A : i32 to index
        %get3A_311 = arith.index_cast %mul3A_309 : i32 to index
        %get3A_312 = tpu.vector_load %arg6[%get3A_310, %get3A_311] {strides = array<i32>} : memref<2x4096xf32, #tpu.memory_space<vmem>>, vector<16xf32>,
        %convert_element_type3A_313 = arith.fptosi %get3A_312 : vector<16xf32> to vector<16xi32>
        %gather3A = tpu.vector_load_idx %arg5[%convert_element_type3A_313] : memref<100000xf32, #tpu.memory_space<vmem>>[vector<16xi32>], vector<16xf32>,
        %swap3A = arith.constant 0 : i32
        %swap3A_314 = arith.index_cast %swap3A : i32 to index
        %swap3A_315 = arith.index_cast %mul3A_309 : i32 to index
        %swap3A_316 = tpu.vector_load %arg7[%swap3A_314, %swap3A_315] {strides = array<i32>} : memref<2x4096xf32, #tpu.memory_space<vmem>>, vector<16xf32>,
        tpu.vector_store %arg7[%swap3A_314, %swap3A_315], %gather3A {strides = array<i32>} : memref<2x4096xf32, #tpu.memory_space<vmem>>, vector<16xf32>,
        %add3A_317 = arith.constant 1 : i32
        %add3A_318 = arith.addi %mul3A_305, %add3A_317 : i32
        %mul3A_319 = arith.constant 16 : i32
        %mul3A_320 = arith.muli %add3A_318, %mul3A_319 : i32
        %get3A_321 = arith.constant 0 : i32
        %get3A_322 = arith.index_cast %get3A_321 : i32 to index
        %get3A_323 = arith.index_cast %mul3A_320 : i32 to index
        %get3A_324 = tpu.vector_load %arg6[%get3A_322, %get3A_323] {strides = array<i32>} : memref<2x4096xf32, #tpu.memory_space<vmem>>, vector<16xf32>,
        %convert_element_type3A_325 = arith.fptosi %get3A_324 : vector<16xf32> to vector<16xi32>
        %gather3A_326 = tpu.vector_load_idx %arg5[%convert_element_type3A_325] : memref<100000xf32, #tpu.memory_space<vmem>>[vector<16xi32>], vector<16xf32>,
        %swap3A_327 = arith.constant 0 : i32
        %swap3A_328 = arith.index_cast %swap3A_327 : i32 to index
        %swap3A_329 = arith.index_cast %mul3A_320 : i32 to index
        %swap3A_330 = tpu.vector_load %arg7[%swap3A_328, %swap3A_329] {strides = array<i32>} : memref<2x4096xf32, #tpu.memory_space<vmem>>, vector<16xf32>,
        tpu.vector_store %arg7[%swap3A_328, %swap3A_329], %gather3A_326 {strides = array<i32>} : memref<2x4096xf32, #tpu.memory_space<vmem>>, vector<16xf32>,
        %add3A_331 = arith.constant 2 : i32
        %add3A_332 = arith.addi %mul3A_305, %add3A_331 : i32
        %mul3A_333 = arith.constant 16 : i32
        %mul3A_334 = arith.muli %add3A_332, %mul3A_333 : i32
        %get3A_335 = arith.constant 0 : i32
        %get3A_336 = arith.index_cast %get3A_335 : i32 to index
        %get3A_337 = arith.index_cast %mul3A_334 : i32 to index
        %get3A_338 = tpu.vector_load %arg6[%get3A_336, %get3A_337] {strides = array<i32>} : memref<2x4096xf32, #tpu.memory_space<vmem>>, vector<16xf32>,
        %convert_element_type3A_339 = arith.fptosi %get3A_338 : vector<16xf32> to vector<16xi32>
        %gather3A_340 = tpu.vector_load_idx %arg5[%convert_element_type3A_339] : memref<100000xf32, #tpu.memory_space<vmem>>[vector<16xi32>], vector<16xf32>,
        %swap3A_341 = arith.constant 0 : i32
        %swap3A_342 = arith.index_cast %swap3A_341 : i32 to index
        %swap3A_343 = arith.index_cast %mul3A_334 : i32 to index
        %swap3A_344 = tpu.vector_load %arg7[%swap3A_342, %swap3A_343] {strides = array<i32>} : memref<2x4096xf32, #tpu.memory_space<vmem>>, vector<16xf32>,
        tpu.vector_store %arg7[%swap3A_342, %swap3A_343], %gather3A_340 {strides = array<i32>} : memref<2x4096xf32, #tpu.memory_space<vmem>>, vector<16xf32>,
        %add3A_345 = arith.constant 3 : i32
        %add3A_346 = arith.addi %mul3A_305, %add3A_345 : i32
        %mul3A_347 = arith.constant 16 : i32
        %mul3A_348 = arith.muli %add3A_346, %mul3A_347 : i32
        %get3A_349 = arith.constant 0 : i32
        %get3A_350 = arith.index_cast %get3A_349 : i32 to index
        %get3A_351 = arith.index_cast %mul3A_348 : i32 to index
        %get3A_352 = tpu.vector_load %arg6[%get3A_350, %get3A_351] {strides = array<i32>} : memref<2x4096xf32, #tpu.memory_space<vmem>>, vector<16xf32>,
        %convert_element_type3A_353 = arith.fptosi %get3A_352 : vector<16xf32> to vector<16xi32>
        %gather3A_354 = tpu.vector_load_idx %arg5[%convert_element_type3A_353] : memref<100000xf32, #tpu.memory_space<vmem>>[vector<16xi32>], vector<16xf32>,
        %swap3A_355 = arith.constant 0 : i32
        %swap3A_356 = arith.index_cast %swap3A_355 : i32 to index
        %swap3A_357 = arith.index_cast %mul3A_348 : i32 to index
        %swap3A_358 = tpu.vector_load %arg7[%swap3A_356, %swap3A_357] {strides = array<i32>} : memref<2x4096xf32, #tpu.memory_space<vmem>>, vector<16xf32>,
        tpu.vector_store %arg7[%swap3A_356, %swap3A_357], %gather3A_354 {strides = array<i32>} : memref<2x4096xf32, #tpu.memory_space<vmem>>, vector<16xf32>,
        %add3A_359 = arith.constant 4 : i32
        %add3A_360 = arith.addi %mul3A_305, %add3A_359 : i32
        %mul3A_361 = arith.constant 16 : i32
        %mul3A_362 = arith.muli %add3A_360, %mul3A_361 : i32
        %get3A_363 = arith.constant 0 : i32
        %get3A_364 = arith.index_cast %get3A_363 : i32 to index
        %get3A_365 = arith.index_cast %mul3A_362 : i32 to index
        %get3A_366 = tpu.vector_load %arg6[%get3A_364, %get3A_365] {strides = array<i32>} : memref<2x4096xf32, #tpu.memory_space<vmem>>, vector<16xf32>,
        %convert_element_type3A_367 = arith.fptosi %get3A_366 : vector<16xf32> to vector<16xi32>
        %gather3A_368 = tpu.vector_load_idx %arg5[%convert_element_type3A_367] : memref<100000xf32, #tpu.memory_space<vmem>>[vector<16xi32>], vector<16xf32>,
        %swap3A_369 = arith.constant 0 : i32
        %swap3A_370 = arith.index_cast %swap3A_369 : i32 to index
        %swap3A_371 = arith.index_cast %mul3A_362 : i32 to index
        %swap3A_372 = tpu.vector_load %arg7[%swap3A_370, %swap3A_371] {strides = array<i32>} : memref<2x4096xf32, #tpu.memory_space<vmem>>, vector<16xf32>,
        tpu.vector_store %arg7[%swap3A_370, %swap3A_371], %gather3A_368 {strides = array<i32>} : memref<2x4096xf32, #tpu.memory_space<vmem>>, vector<16xf32>,
        %add3A_373 = arith.constant 5 : i32
        %add3A_374 = arith.addi %mul3A_305, %add3A_373 : i32
        %mul3A_375 = arith.constant 16 : i32
        %mul3A_376 = arith.muli %add3A_374, %mul3A_375 : i32
        %get3A_377 = arith.constant 0 : i32
        %get3A_378 = arith.index_cast %get3A_377 : i32 to index
        %get3A_379 = arith.index_cast %mul3A_376 : i32 to index
        %get3A_380 = tpu.vector_load %arg6[%get3A_378, %get3A_379] {strides = array<i32>} : memref<2x4096xf32, #tpu.memory_space<vmem>>, vector<16xf32>,
        %convert_element_type3A_381 = arith.fptosi %get3A_380 : vector<16xf32> to vector<16xi32>
        %gather3A_382 = tpu.vector_load_idx %arg5[%convert_element_type3A_381] : memref<100000xf32, #tpu.memory_space<vmem>>[vector<16xi32>], vector<16xf32>,
        %swap3A_383 = arith.constant 0 : i32
        %swap3A_384 = arith.index_cast %swap3A_383 : i32 to index
        %swap3A_385 = arith.index_cast %mul3A_376 : i32 to index
        %swap3A_386 = tpu.vector_load %arg7[%swap3A_384, %swap3A_385] {strides = array<i32>} : memref<2x4096xf32, #tpu.memory_space<vmem>>, vector<16xf32>,
        tpu.vector_store %arg7[%swap3A_384, %swap3A_385], %gather3A_382 {strides = array<i32>} : memref<2x4096xf32, #tpu.memory_space<vmem>>, vector<16xf32>,
        %add3A_387 = arith.constant 6 : i32
        %add3A_388 = arith.addi %mul3A_305, %add3A_387 : i32
        %mul3A_389 = arith.constant 16 : i32
        %mul3A_390 = arith.muli %add3A_388, %mul3A_389 : i32
        %get3A_391 = arith.constant 0 : i32
        %get3A_392 = arith.index_cast %get3A_391 : i32 to index
        %get3A_393 = arith.index_cast %mul3A_390 : i32 to index
        %get3A_394 = tpu.vector_load %arg6[%get3A_392, %get3A_393] {strides = array<i32>} : memref<2x4096xf32, #tpu.memory_space<vmem>>, vector<16xf32>,
        %convert_element_type3A_395 = arith.fptosi %get3A_394 : vector<16xf32> to vector<16xi32>
        %gather3A_396 = tpu.vector_load_idx %arg5[%convert_element_type3A_395] : memref<100000xf32, #tpu.memory_space<vmem>>[vector<16xi32>], vector<16xf32>,
        %swap3A_397 = arith.constant 0 : i32
        %swap3A_398 = arith.index_cast %swap3A_397 : i32 to index
        %swap3A_399 = arith.index_cast %mul3A_390 : i32 to index
        %swap3A_400 = tpu.vector_load %arg7[%swap3A_398, %swap3A_399] {strides = array<i32>} : memref<2x4096xf32, #tpu.memory_space<vmem>>, vector<16xf32>,
        tpu.vector_store %arg7[%swap3A_398, %swap3A_399], %gather3A_396 {strides = array<i32>} : memref<2x4096xf32, #tpu.memory_space<vmem>>, vector<16xf32>,
        %add3A_401 = arith.constant 7 : i32
        %add3A_402 = arith.addi %mul3A_305, %add3A_401 : i32
        %mul3A_403 = arith.constant 16 : i32
        %mul3A_404 = arith.muli %add3A_402, %mul3A_403 : i32
        %get3A_405 = arith.constant 0 : i32
        %get3A_406 = arith.index_cast %get3A_405 : i32 to index
        %get3A_407 = arith.index_cast %mul3A_404 : i32 to index
        %get3A_408 = tpu.vector_load %arg6[%get3A_406, %get3A_407] {strides = array<i32>} : memref<2x4096xf32, #tpu.memory_space<vmem>>, vector<16xf32>,
        %convert_element_type3A_409 = arith.fptosi %get3A_408 : vector<16xf32> to vector<16xi32>
        %gather3A_410 = tpu.vector_load_idx %arg5[%convert_element_type3A_409] : memref<100000xf32, #tpu.memory_space<vmem>>[vector<16xi32>], vector<16xf32>,
        %swap3A_411 = arith.constant 0 : i32
        %swap3A_412 = arith.index_cast %swap3A_411 : i32 to index
        %swap3A_413 = arith.index_cast %mul3A_404 : i32 to index
        %swap3A_414 = tpu.vector_load %arg7[%swap3A_412, %swap3A_413] {strides = array<i32>} : memref<2x4096xf32, #tpu.memory_space<vmem>>, vector<16xf32>,
        tpu.vector_store %arg7[%swap3A_412, %swap3A_413], %gather3A_410 {strides = array<i32>} : memref<2x4096xf32, #tpu.memory_space<vmem>>, vector<16xf32>,
        %add3A_415 = arith.constant 8 : i32
        %add3A_416 = arith.addi %mul3A_305, %add3A_415 : i32
        %mul3A_417 = arith.constant 16 : i32
        %mul3A_418 = arith.muli %add3A_416, %mul3A_417 : i32
        %get3A_419 = arith.constant 0 : i32
        %get3A_420 = arith.index_cast %get3A_419 : i32 to index
        %get3A_421 = arith.index_cast %mul3A_418 : i32 to index
        %get3A_422 = tpu.vector_load %arg6[%get3A_420, %get3A_421] {strides = array<i32>} : memref<2x4096xf32, #tpu.memory_space<vmem>>, vector<16xf32>,
        %convert_element_type3A_423 = arith.fptosi %get3A_422 : vector<16xf32> to vector<16xi32>
        %gather3A_424 = tpu.vector_load_idx %arg5[%convert_element_type3A_423] : memref<100000xf32, #tpu.memory_space<vmem>>[vector<16xi32>], vector<16xf32>,
        %swap3A_425 = arith.constant 0 : i32
        %swap3A_426 = arith.index_cast %swap3A_425 : i32 to index
        %swap3A_427 = arith.index_cast %mul3A_418 : i32 to index
        %swap3A_428 = tpu.vector_load %arg7[%swap3A_426, %swap3A_427] {strides = array<i32>} : memref<2x4096xf32, #tpu.memory_space<vmem>>, vector<16xf32>,
        tpu.vector_store %arg7[%swap3A_426, %swap3A_427], %gather3A_424 {strides = array<i32>} : memref<2x4096xf32, #tpu.memory_space<vmem>>, vector<16xf32>,
        %add3A_429 = arith.constant 9 : i32
        %add3A_430 = arith.addi %mul3A_305, %add3A_429 : i32
        %mul3A_431 = arith.constant 16 : i32
        %mul3A_432 = arith.muli %add3A_430, %mul3A_431 : i32
        %get3A_433 = arith.constant 0 : i32
        %get3A_434 = arith.index_cast %get3A_433 : i32 to index
        %get3A_435 = arith.index_cast %mul3A_432 : i32 to index
        %get3A_436 = tpu.vector_load %arg6[%get3A_434, %get3A_435] {strides = array<i32>} : memref<2x4096xf32, #tpu.memory_space<vmem>>, vector<16xf32>,
        %convert_element_type3A_437 = arith.fptosi %get3A_436 : vector<16xf32> to vector<16xi32>
        %gather3A_438 = tpu.vector_load_idx %arg5[%convert_element_type3A_437] : memref<100000xf32, #tpu.memory_space<vmem>>[vector<16xi32>], vector<16xf32>,
        %swap3A_439 = arith.constant 0 : i32
        %swap3A_440 = arith.index_cast %swap3A_439 : i32 to index
        %swap3A_441 = arith.index_cast %mul3A_432 : i32 to index
        %swap3A_442 = tpu.vector_load %arg7[%swap3A_440, %swap3A_441] {strides = array<i32>} : memref<2x4096xf32, #tpu.memory_space<vmem>>, vector<16xf32>,
        tpu.vector_store %arg7[%swap3A_440, %swap3A_441], %gather3A_438 {strides = array<i32>} : memref<2x4096xf32, #tpu.memory_space<vmem>>, vector<16xf32>,
        %add3A_443 = arith.constant 10 : i32
        %add3A_444 = arith.addi %mul3A_305, %add3A_443 : i32
        %mul3A_445 = arith.constant 16 : i32
        %mul3A_446 = arith.muli %add3A_444, %mul3A_445 : i32
        %get3A_447 = arith.constant 0 : i32
        %get3A_448 = arith.index_cast %get3A_447 : i32 to index
        %get3A_449 = arith.index_cast %mul3A_446 : i32 to index
        %get3A_450 = tpu.vector_load %arg6[%get3A_448, %get3A_449] {strides = array<i32>} : memref<2x4096xf32, #tpu.memory_space<vmem>>, vector<16xf32>,
        %convert_element_type3A_451 = arith.fptosi %get3A_450 : vector<16xf32> to vector<16xi32>
        %gather3A_452 = tpu.vector_load_idx %arg5[%convert_element_type3A_451] : memref<100000xf32, #tpu.memory_space<vmem>>[vector<16xi32>], vector<16xf32>,
        %swap3A_453 = arith.constant 0 : i32
        %swap3A_454 = arith.index_cast %swap3A_453 : i32 to index
        %swap3A_455 = arith.index_cast %mul3A_446 : i32 to index
        %swap3A_456 = tpu.vector_load %arg7[%swap3A_454, %swap3A_455] {strides = array<i32>} : memref<2x4096xf32, #tpu.memory_space<vmem>>, vector<16xf32>,
        tpu.vector_store %arg7[%swap3A_454, %swap3A_455], %gather3A_452 {strides = array<i32>} : memref<2x4096xf32, #tpu.memory_space<vmem>>, vector<16xf32>,
        %add3A_457 = arith.constant 11 : i32
        %add3A_458 = arith.addi %mul3A_305, %add3A_457 : i32
        %mul3A_459 = arith.constant 16 : i32
        %mul3A_460 = arith.muli %add3A_458, %mul3A_459 : i32
        %get3A_461 = arith.constant 0 : i32
        %get3A_462 = arith.index_cast %get3A_461 : i32 to index
        %get3A_463 = arith.index_cast %mul3A_460 : i32 to index
        %get3A_464 = tpu.vector_load %arg6[%get3A_462, %get3A_463] {strides = array<i32>} : memref<2x4096xf32, #tpu.memory_space<vmem>>, vector<16xf32>,
        %convert_element_type3A_465 = arith.fptosi %get3A_464 : vector<16xf32> to vector<16xi32>
        %gather3A_466 = tpu.vector_load_idx %arg5[%convert_element_type3A_465] : memref<100000xf32, #tpu.memory_space<vmem>>[vector<16xi32>], vector<16xf32>,
        %swap3A_467 = arith.constant 0 : i32
        %swap3A_468 = arith.index_cast %swap3A_467 : i32 to index
        %swap3A_469 = arith.index_cast %mul3A_460 : i32 to index
        %swap3A_470 = tpu.vector_load %arg7[%swap3A_468, %swap3A_469] {strides = array<i32>} : memref<2x4096xf32, #tpu.memory_space<vmem>>, vector<16xf32>,
        tpu.vector_store %arg7[%swap3A_468, %swap3A_469], %gather3A_466 {strides = array<i32>} : memref<2x4096xf32, #tpu.memory_space<vmem>>, vector<16xf32>,
        %add3A_471 = arith.constant 12 : i32
        %add3A_472 = arith.addi %mul3A_305, %add3A_471 : i32
        %mul3A_473 = arith.constant 16 : i32
        %mul3A_474 = arith.muli %add3A_472, %mul3A_473 : i32
        %get3A_475 = arith.constant 0 : i32
        %get3A_476 = arith.index_cast %get3A_475 : i32 to index
        %get3A_477 = arith.index_cast %mul3A_474 : i32 to index
        %get3A_478 = tpu.vector_load %arg6[%get3A_476, %get3A_477] {strides = array<i32>} : memref<2x4096xf32, #tpu.memory_space<vmem>>, vector<16xf32>,
        %convert_element_type3A_479 = arith.fptosi %get3A_478 : vector<16xf32> to vector<16xi32>
        %gather3A_480 = tpu.vector_load_idx %arg5[%convert_element_type3A_479] : memref<100000xf32, #tpu.memory_space<vmem>>[vector<16xi32>], vector<16xf32>,
        %swap3A_481 = arith.constant 0 : i32
        %swap3A_482 = arith.index_cast %swap3A_481 : i32 to index
        %swap3A_483 = arith.index_cast %mul3A_474 : i32 to index
        %swap3A_484 = tpu.vector_load %arg7[%swap3A_482, %swap3A_483] {strides = array<i32>} : memref<2x4096xf32, #tpu.memory_space<vmem>>, vector<16xf32>,
        tpu.vector_store %arg7[%swap3A_482, %swap3A_483], %gather3A_480 {strides = array<i32>} : memref<2x4096xf32, #tpu.memory_space<vmem>>, vector<16xf32>,
        %add3A_485 = arith.constant 13 : i32
        %add3A_486 = arith.addi %mul3A_305, %add3A_485 : i32
        %mul3A_487 = arith.constant 16 : i32
        %mul3A_488 = arith.muli %add3A_486, %mul3A_487 : i32
        %get3A_489 = arith.constant 0 : i32
        %get3A_490 = arith.index_cast %get3A_489 : i32 to index
        %get3A_491 = arith.index_cast %mul3A_488 : i32 to index
        %get3A_492 = tpu.vector_load %arg6[%get3A_490, %get3A_491] {strides = array<i32>} : memref<2x4096xf32, #tpu.memory_space<vmem>>, vector<16xf32>,
        %convert_element_type3A_493 = arith.fptosi %get3A_492 : vector<16xf32> to vector<16xi32>
        %gather3A_494 = tpu.vector_load_idx %arg5[%convert_element_type3A_493] : memref<100000xf32, #tpu.memory_space<vmem>>[vector<16xi32>], vector<16xf32>,
        %swap3A_495 = arith.constant 0 : i32
        %swap3A_496 = arith.index_cast %swap3A_495 : i32 to index
        %swap3A_497 = arith.index_cast %mul3A_488 : i32 to index
        %swap3A_498 = tpu.vector_load %arg7[%swap3A_496, %swap3A_497] {strides = array<i32>} : memref<2x4096xf32, #tpu.memory_space<vmem>>, vector<16xf32>,
        tpu.vector_store %arg7[%swap3A_496, %swap3A_497], %gather3A_494 {strides = array<i32>} : memref<2x4096xf32, #tpu.memory_space<vmem>>, vector<16xf32>,
        %add3A_499 = arith.constant 14 : i32
        %add3A_500 = arith.addi %mul3A_305, %add3A_499 : i32
        %mul3A_501 = arith.constant 16 : i32
        %mul3A_502 = arith.muli %add3A_500, %mul3A_501 : i32
        %get3A_503 = arith.constant 0 : i32
        %get3A_504 = arith.index_cast %get3A_503 : i32 to index
        %get3A_505 = arith.index_cast %mul3A_502 : i32 to index
        %get3A_506 = tpu.vector_load %arg6[%get3A_504, %get3A_505] {strides = array<i32>} : memref<2x4096xf32, #tpu.memory_space<vmem>>, vector<16xf32>,
        %convert_element_type3A_507 = arith.fptosi %get3A_506 : vector<16xf32> to vector<16xi32>
        %gather3A_508 = tpu.vector_load_idx %arg5[%convert_element_type3A_507] : memref<100000xf32, #tpu.memory_space<vmem>>[vector<16xi32>], vector<16xf32>,
        %swap3A_509 = arith.constant 0 : i32
        %swap3A_510 = arith.index_cast %swap3A_509 : i32 to index
        %swap3A_511 = arith.index_cast %mul3A_502 : i32 to index
        %swap3A_512 = tpu.vector_load %arg7[%swap3A_510, %swap3A_511] {strides = array<i32>} : memref<2x4096xf32, #tpu.memory_space<vmem>>, vector<16xf32>,
        tpu.vector_store %arg7[%swap3A_510, %swap3A_511], %gather3A_508 {strides = array<i32>} : memref<2x4096xf32, #tpu.memory_space<vmem>>, vector<16xf32>,
        %add3A_513 = arith.constant 15 : i32
        %add3A_514 = arith.addi %mul3A_305, %add3A_513 : i32
        %mul3A_515 = arith.constant 16 : i32
        %mul3A_516 = arith.muli %add3A_514, %mul3A_515 : i32
        %get3A_517 = arith.constant 0 : i32
        %get3A_518 = arith.index_cast %get3A_517 : i32 to index
        %get3A_519 = arith.index_cast %mul3A_516 : i32 to index
        %get3A_520 = tpu.vector_load %arg6[%get3A_518, %get3A_519] {strides = array<i32>} : memref<2x4096xf32, #tpu.memory_space<vmem>>, vector<16xf32>,
        %convert_element_type3A_521 = arith.fptosi %get3A_520 : vector<16xf32> to vector<16xi32>
        %gather3A_522 = tpu.vector_load_idx %arg5[%convert_element_type3A_521] : memref<100000xf32, #tpu.memory_space<vmem>>[vector<16xi32>], vector<16xf32>,
        %swap3A_523 = arith.constant 0 : i32
        %swap3A_524 = arith.index_cast %swap3A_523 : i32 to index
        %swap3A_525 = arith.index_cast %mul3A_516 : i32 to index
        %swap3A_526 = tpu.vector_load %arg7[%swap3A_524, %swap3A_525] {strides = array<i32>} : memref<2x4096xf32, #tpu.memory_space<vmem>>, vector<16xf32>,
        tpu.vector_store %arg7[%swap3A_524, %swap3A_525], %gather3A_522 {strides = array<i32>} : memref<2x4096xf32, #tpu.memory_space<vmem>>, vector<16xf32>,
      }
      %scan3A_105 = arith.constant 16 : i32
      %add3A_106 = arith.constant 13 : i32
      %add3A_107 = arith.addi %add3A_106, %scan3A_69 : i32
      %dma_start3A_108 = arith.constant 0 : i32
      %dma_start3A_109 = arith.constant 0 : i32
      %dma_start3A_110 = tpu.memref_slice %arg6[%dma_start3A_108, %dma_start3A_109] : memref<2x4096xf32, #tpu.memory_space<vmem>> -> memref<1x4096xf32, #tpu.memory_space<vmem>>
      %dma_start3A_111 = tpu.memref_squeeze %dma_start3A_110 : memref<1x4096xf32, #tpu.memory_space<vmem>> -> memref<4096xf32, #tpu.memory_space<vmem>>
      %dma_start3A_112 = arith.constant 8192 : i32
      %dma_start3A_113 = tpu.memref_slice %arg2[%add3A_107, %dma_start3A_112] : memref<39x16384xf32, #tpu.memory_space<hbm>> -> memref<1x4096xf32, #tpu.memory_space<hbm>>
      %dma_start3A_114 = tpu.memref_squeeze %dma_start3A_113 : memref<1x4096xf32, #tpu.memory_space<hbm>> -> memref<4096xf32, #tpu.memory_space<hbm>>
      %dma_start3A_115 = arith.constant 0 : i32
      %dma_start3A_116 = tpu.memref_slice %arg6[%dma_start3A_108, %dma_start3A_115] : memref<2x4096xf32, #tpu.memory_space<vmem>> -> memref<1x4096xf32, #tpu.memory_space<vmem>>
      %dma_start3A_117 = tpu.memref_squeeze %dma_start3A_116 : memref<1x4096xf32, #tpu.memory_space<vmem>> -> memref<4096xf32, #tpu.memory_space<vmem>>
      %dma_start3A_118 = arith.constant 8192 : i32
      %dma_start3A_119 = tpu.memref_slice %arg2[%add3A_107, %dma_start3A_118] : memref<39x16384xf32, #tpu.memory_space<hbm>> -> memref<1x4096xf32, #tpu.memory_space<hbm>>
      %dma_start3A_120 = tpu.memref_squeeze %dma_start3A_119 : memref<1x4096xf32, #tpu.memory_space<hbm>> -> memref<4096xf32, #tpu.memory_space<hbm>>
      tpu.enqueue_dma source(%dma_start3A_120 : memref<4096xf32, #tpu.memory_space<hbm>>) target(%dma_start3A_117 : memref<4096xf32, #tpu.memory_space<vmem>>) target_semaphore(%arg9 : memref<!tpu.dma_semaphore, #tpu.memory_space<semaphore_mem>>)
      %dma_start3A_121 = arith.constant 0 : i32
      %dma_start3A_122 = arith.constant 0 : i32
      %dma_start3A_123 = tpu.memref_slice %arg7[%dma_start3A_121, %dma_start3A_122] : memref<2x4096xf32, #tpu.memory_space<vmem>> -> memref<1x4096xf32, #tpu.memory_space<vmem>>
      %dma_start3A_124 = tpu.memref_squeeze %dma_start3A_123 : memref<1x4096xf32, #tpu.memory_space<vmem>> -> memref<4096xf32, #tpu.memory_space<vmem>>
      %dma_start3A_125 = arith.constant 0 : i32
      %dma_start3A_126 = tpu.memref_slice %arg4[%add3A_74, %dma_start3A_125] : memref<845x16384xf32, #tpu.memory_space<hbm>> -> memref<1x4096xf32, #tpu.memory_space<hbm>>
      %dma_start3A_127 = tpu.memref_squeeze %dma_start3A_126 : memref<1x4096xf32, #tpu.memory_space<hbm>> -> memref<4096xf32, #tpu.memory_space<hbm>>
      %dma_start3A_128 = arith.constant 0 : i32
      %dma_start3A_129 = tpu.memref_slice %arg4[%add3A_74, %dma_start3A_128] : memref<845x16384xf32, #tpu.memory_space<hbm>> -> memref<1x4096xf32, #tpu.memory_space<hbm>>
      %dma_start3A_130 = tpu.memref_squeeze %dma_start3A_129 : memref<1x4096xf32, #tpu.memory_space<hbm>> -> memref<4096xf32, #tpu.memory_space<hbm>>
      %dma_start3A_131 = arith.constant 0 : i32
      %dma_start3A_132 = tpu.memref_slice %arg7[%dma_start3A_121, %dma_start3A_131] : memref<2x4096xf32, #tpu.memory_space<vmem>> -> memref<1x4096xf32, #tpu.memory_space<vmem>>
      %dma_start3A_133 = tpu.memref_squeeze %dma_start3A_132 : memref<1x4096xf32, #tpu.memory_space<vmem>> -> memref<4096xf32, #tpu.memory_space<vmem>>
      tpu.enqueue_dma source(%dma_start3A_133 : memref<4096xf32, #tpu.memory_space<vmem>>) target(%dma_start3A_130 : memref<4096xf32, #tpu.memory_space<hbm>>) target_semaphore(%arg10 : memref<!tpu.dma_semaphore, #tpu.memory_space<semaphore_mem>>)
      %add3A_134 = arith.constant 13 : i32
      %add3A_135 = arith.addi %add3A_134, %scan3A_69 : i32
      %dma_wait3A_136 = arith.constant 1 : i32
      %dma_wait3A_137 = arith.constant 0 : i32
      %dma_wait3A_138 = tpu.memref_slice %arg6[%dma_wait3A_136, %dma_wait3A_137] : memref<2x4096xf32, #tpu.memory_space<vmem>> -> memref<1x4096xf32, #tpu.memory_space<vmem>>
      %dma_wait3A_139 = tpu.memref_squeeze %dma_wait3A_138 : memref<1x4096xf32, #tpu.memory_space<vmem>> -> memref<4096xf32, #tpu.memory_space<vmem>>
      %dma_wait3A_140 = arith.constant 4096 : i32
      %dma_wait3A_141 = tpu.memref_slice %arg2[%add3A_135, %dma_wait3A_140] : memref<39x16384xf32, #tpu.memory_space<hbm>> -> memref<1x4096xf32, #tpu.memory_space<hbm>>
      %dma_wait3A_142 = tpu.memref_squeeze %dma_wait3A_141 : memref<1x4096xf32, #tpu.memory_space<hbm>> -> memref<4096xf32, #tpu.memory_space<hbm>>
      %dma_wait3A_143 = arith.constant 0 : i32
      %dma_wait3A_144 = tpu.memref_slice %arg6[%dma_wait3A_136, %dma_wait3A_143] : memref<2x4096xf32, #tpu.memory_space<vmem>> -> memref<1x4096xf32, #tpu.memory_space<vmem>>
      %dma_wait3A_145 = tpu.memref_squeeze %dma_wait3A_144 : memref<1x4096xf32, #tpu.memory_space<vmem>> -> memref<4096xf32, #tpu.memory_space<vmem>>
      %dma_wait3A_146 = arith.constant 4096 : i32
      %dma_wait3A_147 = tpu.memref_slice %arg2[%add3A_135, %dma_wait3A_146] : memref<39x16384xf32, #tpu.memory_space<hbm>> -> memref<1x4096xf32, #tpu.memory_space<hbm>>
      %dma_wait3A_148 = tpu.memref_squeeze %dma_wait3A_147 : memref<1x4096xf32, #tpu.memory_space<hbm>> -> memref<4096xf32, #tpu.memory_space<hbm>>
      tpu.wait_dma2 semaphore(%arg9 : memref<!tpu.dma_semaphore, #tpu.memory_space<semaphore_mem>>) src(%dma_wait3A_148 : memref<4096xf32, #tpu.memory_space<hbm>>) dst(%dma_wait3A_145 : memref<4096xf32, #tpu.memory_space<vmem>>)
      %gt3A_149 = arith.constant 0 : i32
      %gt3A_150 = arith.cmpi sgt, %scan3A_69, %gt3A_149 : i32
      %convert_element_type3A_151 = arith.extui %gt3A_150 : i1 to i32
      %cond3A_152 = arith.constant 0 : i32
      %cond3A_153 = arith.cmpi ne, %convert_element_type3A_151, %cond3A_152 : i32
      scf.if %cond3A_153 {
        %sub3A = arith.constant 32 : i32
        %sub3A_303 = arith.subi %add3A_74, %sub3A : i32
        %dma_wait3A_304 = arith.constant 1 : i32
        %dma_wait3A_305 = arith.constant 0 : i32
        %dma_wait3A_306 = tpu.memref_slice %arg7[%dma_wait3A_304, %dma_wait3A_305] : memref<2x4096xf32, #tpu.memory_space<vmem>> -> memref<1x4096xf32, #tpu.memory_space<vmem>>
        %dma_wait3A_307 = tpu.memref_squeeze %dma_wait3A_306 : memref<1x4096xf32, #tpu.memory_space<vmem>> -> memref<4096xf32, #tpu.memory_space<vmem>>
        %dma_wait3A_308 = arith.constant 12288 : i32
        %dma_wait3A_309 = tpu.memref_slice %arg4[%sub3A_303, %dma_wait3A_308] : memref<845x16384xf32, #tpu.memory_space<hbm>> -> memref<1x4096xf32, #tpu.memory_space<hbm>>
        %dma_wait3A_310 = tpu.memref_squeeze %dma_wait3A_309 : memref<1x4096xf32, #tpu.memory_space<hbm>> -> memref<4096xf32, #tpu.memory_space<hbm>>
        %dma_wait3A_311 = arith.constant 12288 : i32
        %dma_wait3A_312 = tpu.memref_slice %arg4[%sub3A_303, %dma_wait3A_311] : memref<845x16384xf32, #tpu.memory_space<hbm>> -> memref<1x4096xf32, #tpu.memory_space<hbm>>
        %dma_wait3A_313 = tpu.memref_squeeze %dma_wait3A_312 : memref<1x4096xf32, #tpu.memory_space<hbm>> -> memref<4096xf32, #tpu.memory_space<hbm>>
        %dma_wait3A_314 = arith.constant 0 : i32
        %dma_wait3A_315 = tpu.memref_slice %arg7[%dma_wait3A_304, %dma_wait3A_314] : memref<2x4096xf32, #tpu.memory_space<vmem>> -> memref<1x4096xf32, #tpu.memory_space<vmem>>
        %dma_wait3A_316 = tpu.memref_squeeze %dma_wait3A_315 : memref<1x4096xf32, #tpu.memory_space<vmem>> -> memref<4096xf32, #tpu.memory_space<vmem>>
        tpu.wait_dma2 semaphore(%arg10 : memref<!tpu.dma_semaphore, #tpu.memory_space<semaphore_mem>>) src(%dma_wait3A_316 : memref<4096xf32, #tpu.memory_space<vmem>>) dst(%dma_wait3A_313 : memref<4096xf32, #tpu.memory_space<hbm>>)
      } else {
      }
      %scan3A_154 = arith.constant 0 : i32
      %scan3A_155 = arith.constant 0 : i32
      %scan3A_156 = arith.constant 16 : i32
      %scan3A_157 = arith.addi %scan3A_155, %scan3A_156 : i32
      %scan3A_158 = arith.constant 1 : i32
      scf.for %scan3A_303 = %scan3A_155 to %scan3A_157 step %scan3A_158  : i32 {
        %mul3A_304 = arith.constant 16 : i32
        %mul3A_305 = arith.muli %scan3A_303, %mul3A_304 : i32
        %add3A_306 = arith.constant 0 : i32
        %add3A_307 = arith.addi %mul3A_305, %add3A_306 : i32
        %mul3A_308 = arith.constant 16 : i32
        %mul3A_309 = arith.muli %add3A_307, %mul3A_308 : i32
        %get3A = arith.constant 1 : i32
        %get3A_310 = arith.index_cast %get3A : i32 to index
        %get3A_311 = arith.index_cast %mul3A_309 : i32 to index
        %get3A_312 = tpu.vector_load %arg6[%get3A_310, %get3A_311] {strides = array<i32>} : memref<2x4096xf32, #tpu.memory_space<vmem>>, vector<16xf32>,
        %convert_element_type3A_313 = arith.fptosi %get3A_312 : vector<16xf32> to vector<16xi32>
        %gather3A = tpu.vector_load_idx %arg5[%convert_element_type3A_313] : memref<100000xf32, #tpu.memory_space<vmem>>[vector<16xi32>], vector<16xf32>,
        %swap3A = arith.constant 1 : i32
        %swap3A_314 = arith.index_cast %swap3A : i32 to index
        %swap3A_315 = arith.index_cast %mul3A_309 : i32 to index
        %swap3A_316 = tpu.vector_load %arg7[%swap3A_314, %swap3A_315] {strides = array<i32>} : memref<2x4096xf32, #tpu.memory_space<vmem>>, vector<16xf32>,
        tpu.vector_store %arg7[%swap3A_314, %swap3A_315], %gather3A {strides = array<i32>} : memref<2x4096xf32, #tpu.memory_space<vmem>>, vector<16xf32>,
        %add3A_317 = arith.constant 1 : i32
        %add3A_318 = arith.addi %mul3A_305, %add3A_317 : i32
        %mul3A_319 = arith.constant 16 : i32
        %mul3A_320 = arith.muli %add3A_318, %mul3A_319 : i32
        %get3A_321 = arith.constant 1 : i32
        %get3A_322 = arith.index_cast %get3A_321 : i32 to index
        %get3A_323 = arith.index_cast %mul3A_320 : i32 to index
        %get3A_324 = tpu.vector_load %arg6[%get3A_322, %get3A_323] {strides = array<i32>} : memref<2x4096xf32, #tpu.memory_space<vmem>>, vector<16xf32>,
        %convert_element_type3A_325 = arith.fptosi %get3A_324 : vector<16xf32> to vector<16xi32>
        %gather3A_326 = tpu.vector_load_idx %arg5[%convert_element_type3A_325] : memref<100000xf32, #tpu.memory_space<vmem>>[vector<16xi32>], vector<16xf32>,
        %swap3A_327 = arith.constant 1 : i32
        %swap3A_328 = arith.index_cast %swap3A_327 : i32 to index
        %swap3A_329 = arith.index_cast %mul3A_320 : i32 to index
        %swap3A_330 = tpu.vector_load %arg7[%swap3A_328, %swap3A_329] {strides = array<i32>} : memref<2x4096xf32, #tpu.memory_space<vmem>>, vector<16xf32>,
        tpu.vector_store %arg7[%swap3A_328, %swap3A_329], %gather3A_326 {strides = array<i32>} : memref<2x4096xf32, #tpu.memory_space<vmem>>, vector<16xf32>,
        %add3A_331 = arith.constant 2 : i32
        %add3A_332 = arith.addi %mul3A_305, %add3A_331 : i32
        %mul3A_333 = arith.constant 16 : i32
        %mul3A_334 = arith.muli %add3A_332, %mul3A_333 : i32
        %get3A_335 = arith.constant 1 : i32
        %get3A_336 = arith.index_cast %get3A_335 : i32 to index
        %get3A_337 = arith.index_cast %mul3A_334 : i32 to index
        %get3A_338 = tpu.vector_load %arg6[%get3A_336, %get3A_337] {strides = array<i32>} : memref<2x4096xf32, #tpu.memory_space<vmem>>, vector<16xf32>,
        %convert_element_type3A_339 = arith.fptosi %get3A_338 : vector<16xf32> to vector<16xi32>
        %gather3A_340 = tpu.vector_load_idx %arg5[%convert_element_type3A_339] : memref<100000xf32, #tpu.memory_space<vmem>>[vector<16xi32>], vector<16xf32>,
        %swap3A_341 = arith.constant 1 : i32
        %swap3A_342 = arith.index_cast %swap3A_341 : i32 to index
        %swap3A_343 = arith.index_cast %mul3A_334 : i32 to index
        %swap3A_344 = tpu.vector_load %arg7[%swap3A_342, %swap3A_343] {strides = array<i32>} : memref<2x4096xf32, #tpu.memory_space<vmem>>, vector<16xf32>,
        tpu.vector_store %arg7[%swap3A_342, %swap3A_343], %gather3A_340 {strides = array<i32>} : memref<2x4096xf32, #tpu.memory_space<vmem>>, vector<16xf32>,
        %add3A_345 = arith.constant 3 : i32
        %add3A_346 = arith.addi %mul3A_305, %add3A_345 : i32
        %mul3A_347 = arith.constant 16 : i32
        %mul3A_348 = arith.muli %add3A_346, %mul3A_347 : i32
        %get3A_349 = arith.constant 1 : i32
        %get3A_350 = arith.index_cast %get3A_349 : i32 to index
        %get3A_351 = arith.index_cast %mul3A_348 : i32 to index
        %get3A_352 = tpu.vector_load %arg6[%get3A_350, %get3A_351] {strides = array<i32>} : memref<2x4096xf32, #tpu.memory_space<vmem>>, vector<16xf32>,
        %convert_element_type3A_353 = arith.fptosi %get3A_352 : vector<16xf32> to vector<16xi32>
        %gather3A_354 = tpu.vector_load_idx %arg5[%convert_element_type3A_353] : memref<100000xf32, #tpu.memory_space<vmem>>[vector<16xi32>], vector<16xf32>,
        %swap3A_355 = arith.constant 1 : i32
        %swap3A_356 = arith.index_cast %swap3A_355 : i32 to index
        %swap3A_357 = arith.index_cast %mul3A_348 : i32 to index
        %swap3A_358 = tpu.vector_load %arg7[%swap3A_356, %swap3A_357] {strides = array<i32>} : memref<2x4096xf32, #tpu.memory_space<vmem>>, vector<16xf32>,
        tpu.vector_store %arg7[%swap3A_356, %swap3A_357], %gather3A_354 {strides = array<i32>} : memref<2x4096xf32, #tpu.memory_space<vmem>>, vector<16xf32>,
        %add3A_359 = arith.constant 4 : i32
        %add3A_360 = arith.addi %mul3A_305, %add3A_359 : i32
        %mul3A_361 = arith.constant 16 : i32
        %mul3A_362 = arith.muli %add3A_360, %mul3A_361 : i32
        %get3A_363 = arith.constant 1 : i32
        %get3A_364 = arith.index_cast %get3A_363 : i32 to index
        %get3A_365 = arith.index_cast %mul3A_362 : i32 to index
        %get3A_366 = tpu.vector_load %arg6[%get3A_364, %get3A_365] {strides = array<i32>} : memref<2x4096xf32, #tpu.memory_space<vmem>>, vector<16xf32>,
        %convert_element_type3A_367 = arith.fptosi %get3A_366 : vector<16xf32> to vector<16xi32>
        %gather3A_368 = tpu.vector_load_idx %arg5[%convert_element_type3A_367] : memref<100000xf32, #tpu.memory_space<vmem>>[vector<16xi32>], vector<16xf32>,
        %swap3A_369 = arith.constant 1 : i32
        %swap3A_370 = arith.index_cast %swap3A_369 : i32 to index
        %swap3A_371 = arith.index_cast %mul3A_362 : i32 to index
        %swap3A_372 = tpu.vector_load %arg7[%swap3A_370, %swap3A_371] {strides = array<i32>} : memref<2x4096xf32, #tpu.memory_space<vmem>>, vector<16xf32>,
        tpu.vector_store %arg7[%swap3A_370, %swap3A_371], %gather3A_368 {strides = array<i32>} : memref<2x4096xf32, #tpu.memory_space<vmem>>, vector<16xf32>,
        %add3A_373 = arith.constant 5 : i32
        %add3A_374 = arith.addi %mul3A_305, %add3A_373 : i32
        %mul3A_375 = arith.constant 16 : i32
        %mul3A_376 = arith.muli %add3A_374, %mul3A_375 : i32
        %get3A_377 = arith.constant 1 : i32
        %get3A_378 = arith.index_cast %get3A_377 : i32 to index
        %get3A_379 = arith.index_cast %mul3A_376 : i32 to index
        %get3A_380 = tpu.vector_load %arg6[%get3A_378, %get3A_379] {strides = array<i32>} : memref<2x4096xf32, #tpu.memory_space<vmem>>, vector<16xf32>,
        %convert_element_type3A_381 = arith.fptosi %get3A_380 : vector<16xf32> to vector<16xi32>
        %gather3A_382 = tpu.vector_load_idx %arg5[%convert_element_type3A_381] : memref<100000xf32, #tpu.memory_space<vmem>>[vector<16xi32>], vector<16xf32>,
        %swap3A_383 = arith.constant 1 : i32
        %swap3A_384 = arith.index_cast %swap3A_383 : i32 to index
        %swap3A_385 = arith.index_cast %mul3A_376 : i32 to index
        %swap3A_386 = tpu.vector_load %arg7[%swap3A_384, %swap3A_385] {strides = array<i32>} : memref<2x4096xf32, #tpu.memory_space<vmem>>, vector<16xf32>,
        tpu.vector_store %arg7[%swap3A_384, %swap3A_385], %gather3A_382 {strides = array<i32>} : memref<2x4096xf32, #tpu.memory_space<vmem>>, vector<16xf32>,
        %add3A_387 = arith.constant 6 : i32
        %add3A_388 = arith.addi %mul3A_305, %add3A_387 : i32
        %mul3A_389 = arith.constant 16 : i32
        %mul3A_390 = arith.muli %add3A_388, %mul3A_389 : i32
        %get3A_391 = arith.constant 1 : i32
        %get3A_392 = arith.index_cast %get3A_391 : i32 to index
        %get3A_393 = arith.index_cast %mul3A_390 : i32 to index
        %get3A_394 = tpu.vector_load %arg6[%get3A_392, %get3A_393] {strides = array<i32>} : memref<2x4096xf32, #tpu.memory_space<vmem>>, vector<16xf32>,
        %convert_element_type3A_395 = arith.fptosi %get3A_394 : vector<16xf32> to vector<16xi32>
        %gather3A_396 = tpu.vector_load_idx %arg5[%convert_element_type3A_395] : memref<100000xf32, #tpu.memory_space<vmem>>[vector<16xi32>], vector<16xf32>,
        %swap3A_397 = arith.constant 1 : i32
        %swap3A_398 = arith.index_cast %swap3A_397 : i32 to index
        %swap3A_399 = arith.index_cast %mul3A_390 : i32 to index
        %swap3A_400 = tpu.vector_load %arg7[%swap3A_398, %swap3A_399] {strides = array<i32>} : memref<2x4096xf32, #tpu.memory_space<vmem>>, vector<16xf32>,
        tpu.vector_store %arg7[%swap3A_398, %swap3A_399], %gather3A_396 {strides = array<i32>} : memref<2x4096xf32, #tpu.memory_space<vmem>>, vector<16xf32>,
        %add3A_401 = arith.constant 7 : i32
        %add3A_402 = arith.addi %mul3A_305, %add3A_401 : i32
        %mul3A_403 = arith.constant 16 : i32
        %mul3A_404 = arith.muli %add3A_402, %mul3A_403 : i32
        %get3A_405 = arith.constant 1 : i32
        %get3A_406 = arith.index_cast %get3A_405 : i32 to index
        %get3A_407 = arith.index_cast %mul3A_404 : i32 to index
        %get3A_408 = tpu.vector_load %arg6[%get3A_406, %get3A_407] {strides = array<i32>} : memref<2x4096xf32, #tpu.memory_space<vmem>>, vector<16xf32>,
        %convert_element_type3A_409 = arith.fptosi %get3A_408 : vector<16xf32> to vector<16xi32>
        %gather3A_410 = tpu.vector_load_idx %arg5[%convert_element_type3A_409] : memref<100000xf32, #tpu.memory_space<vmem>>[vector<16xi32>], vector<16xf32>,
        %swap3A_411 = arith.constant 1 : i32
        %swap3A_412 = arith.index_cast %swap3A_411 : i32 to index
        %swap3A_413 = arith.index_cast %mul3A_404 : i32 to index
        %swap3A_414 = tpu.vector_load %arg7[%swap3A_412, %swap3A_413] {strides = array<i32>} : memref<2x4096xf32, #tpu.memory_space<vmem>>, vector<16xf32>,
        tpu.vector_store %arg7[%swap3A_412, %swap3A_413], %gather3A_410 {strides = array<i32>} : memref<2x4096xf32, #tpu.memory_space<vmem>>, vector<16xf32>,
        %add3A_415 = arith.constant 8 : i32
        %add3A_416 = arith.addi %mul3A_305, %add3A_415 : i32
        %mul3A_417 = arith.constant 16 : i32
        %mul3A_418 = arith.muli %add3A_416, %mul3A_417 : i32
        %get3A_419 = arith.constant 1 : i32
        %get3A_420 = arith.index_cast %get3A_419 : i32 to index
        %get3A_421 = arith.index_cast %mul3A_418 : i32 to index
        %get3A_422 = tpu.vector_load %arg6[%get3A_420, %get3A_421] {strides = array<i32>} : memref<2x4096xf32, #tpu.memory_space<vmem>>, vector<16xf32>,
        %convert_element_type3A_423 = arith.fptosi %get3A_422 : vector<16xf32> to vector<16xi32>
        %gather3A_424 = tpu.vector_load_idx %arg5[%convert_element_type3A_423] : memref<100000xf32, #tpu.memory_space<vmem>>[vector<16xi32>], vector<16xf32>,
        %swap3A_425 = arith.constant 1 : i32
        %swap3A_426 = arith.index_cast %swap3A_425 : i32 to index
        %swap3A_427 = arith.index_cast %mul3A_418 : i32 to index
        %swap3A_428 = tpu.vector_load %arg7[%swap3A_426, %swap3A_427] {strides = array<i32>} : memref<2x4096xf32, #tpu.memory_space<vmem>>, vector<16xf32>,
        tpu.vector_store %arg7[%swap3A_426, %swap3A_427], %gather3A_424 {strides = array<i32>} : memref<2x4096xf32, #tpu.memory_space<vmem>>, vector<16xf32>,
        %add3A_429 = arith.constant 9 : i32
        %add3A_430 = arith.addi %mul3A_305, %add3A_429 : i32
        %mul3A_431 = arith.constant 16 : i32
        %mul3A_432 = arith.muli %add3A_430, %mul3A_431 : i32
        %get3A_433 = arith.constant 1 : i32
        %get3A_434 = arith.index_cast %get3A_433 : i32 to index
        %get3A_435 = arith.index_cast %mul3A_432 : i32 to index
        %get3A_436 = tpu.vector_load %arg6[%get3A_434, %get3A_435] {strides = array<i32>} : memref<2x4096xf32, #tpu.memory_space<vmem>>, vector<16xf32>,
        %convert_element_type3A_437 = arith.fptosi %get3A_436 : vector<16xf32> to vector<16xi32>
        %gather3A_438 = tpu.vector_load_idx %arg5[%convert_element_type3A_437] : memref<100000xf32, #tpu.memory_space<vmem>>[vector<16xi32>], vector<16xf32>,
        %swap3A_439 = arith.constant 1 : i32
        %swap3A_440 = arith.index_cast %swap3A_439 : i32 to index
        %swap3A_441 = arith.index_cast %mul3A_432 : i32 to index
        %swap3A_442 = tpu.vector_load %arg7[%swap3A_440, %swap3A_441] {strides = array<i32>} : memref<2x4096xf32, #tpu.memory_space<vmem>>, vector<16xf32>,
        tpu.vector_store %arg7[%swap3A_440, %swap3A_441], %gather3A_438 {strides = array<i32>} : memref<2x4096xf32, #tpu.memory_space<vmem>>, vector<16xf32>,
        %add3A_443 = arith.constant 10 : i32
        %add3A_444 = arith.addi %mul3A_305, %add3A_443 : i32
        %mul3A_445 = arith.constant 16 : i32
        %mul3A_446 = arith.muli %add3A_444, %mul3A_445 : i32
        %get3A_447 = arith.constant 1 : i32
        %get3A_448 = arith.index_cast %get3A_447 : i32 to index
        %get3A_449 = arith.index_cast %mul3A_446 : i32 to index
        %get3A_450 = tpu.vector_load %arg6[%get3A_448, %get3A_449] {strides = array<i32>} : memref<2x4096xf32, #tpu.memory_space<vmem>>, vector<16xf32>,
        %convert_element_type3A_451 = arith.fptosi %get3A_450 : vector<16xf32> to vector<16xi32>
        %gather3A_452 = tpu.vector_load_idx %arg5[%convert_element_type3A_451] : memref<100000xf32, #tpu.memory_space<vmem>>[vector<16xi32>], vector<16xf32>,
        %swap3A_453 = arith.constant 1 : i32
        %swap3A_454 = arith.index_cast %swap3A_453 : i32 to index
        %swap3A_455 = arith.index_cast %mul3A_446 : i32 to index
        %swap3A_456 = tpu.vector_load %arg7[%swap3A_454, %swap3A_455] {strides = array<i32>} : memref<2x4096xf32, #tpu.memory_space<vmem>>, vector<16xf32>,
        tpu.vector_store %arg7[%swap3A_454, %swap3A_455], %gather3A_452 {strides = array<i32>} : memref<2x4096xf32, #tpu.memory_space<vmem>>, vector<16xf32>,
        %add3A_457 = arith.constant 11 : i32
        %add3A_458 = arith.addi %mul3A_305, %add3A_457 : i32
        %mul3A_459 = arith.constant 16 : i32
        %mul3A_460 = arith.muli %add3A_458, %mul3A_459 : i32
        %get3A_461 = arith.constant 1 : i32
        %get3A_462 = arith.index_cast %get3A_461 : i32 to index
        %get3A_463 = arith.index_cast %mul3A_460 : i32 to index
        %get3A_464 = tpu.vector_load %arg6[%get3A_462, %get3A_463] {strides = array<i32>} : memref<2x4096xf32, #tpu.memory_space<vmem>>, vector<16xf32>,
        %convert_element_type3A_465 = arith.fptosi %get3A_464 : vector<16xf32> to vector<16xi32>
        %gather3A_466 = tpu.vector_load_idx %arg5[%convert_element_type3A_465] : memref<100000xf32, #tpu.memory_space<vmem>>[vector<16xi32>], vector<16xf32>,
        %swap3A_467 = arith.constant 1 : i32
        %swap3A_468 = arith.index_cast %swap3A_467 : i32 to index
        %swap3A_469 = arith.index_cast %mul3A_460 : i32 to index
        %swap3A_470 = tpu.vector_load %arg7[%swap3A_468, %swap3A_469] {strides = array<i32>} : memref<2x4096xf32, #tpu.memory_space<vmem>>, vector<16xf32>,
        tpu.vector_store %arg7[%swap3A_468, %swap3A_469], %gather3A_466 {strides = array<i32>} : memref<2x4096xf32, #tpu.memory_space<vmem>>, vector<16xf32>,
        %add3A_471 = arith.constant 12 : i32
        %add3A_472 = arith.addi %mul3A_305, %add3A_471 : i32
        %mul3A_473 = arith.constant 16 : i32
        %mul3A_474 = arith.muli %add3A_472, %mul3A_473 : i32
        %get3A_475 = arith.constant 1 : i32
        %get3A_476 = arith.index_cast %get3A_475 : i32 to index
        %get3A_477 = arith.index_cast %mul3A_474 : i32 to index
        %get3A_478 = tpu.vector_load %arg6[%get3A_476, %get3A_477] {strides = array<i32>} : memref<2x4096xf32, #tpu.memory_space<vmem>>, vector<16xf32>,
        %convert_element_type3A_479 = arith.fptosi %get3A_478 : vector<16xf32> to vector<16xi32>
        %gather3A_480 = tpu.vector_load_idx %arg5[%convert_element_type3A_479] : memref<100000xf32, #tpu.memory_space<vmem>>[vector<16xi32>], vector<16xf32>,
        %swap3A_481 = arith.constant 1 : i32
        %swap3A_482 = arith.index_cast %swap3A_481 : i32 to index
        %swap3A_483 = arith.index_cast %mul3A_474 : i32 to index
        %swap3A_484 = tpu.vector_load %arg7[%swap3A_482, %swap3A_483] {strides = array<i32>} : memref<2x4096xf32, #tpu.memory_space<vmem>>, vector<16xf32>,
        tpu.vector_store %arg7[%swap3A_482, %swap3A_483], %gather3A_480 {strides = array<i32>} : memref<2x4096xf32, #tpu.memory_space<vmem>>, vector<16xf32>,
        %add3A_485 = arith.constant 13 : i32
        %add3A_486 = arith.addi %mul3A_305, %add3A_485 : i32
        %mul3A_487 = arith.constant 16 : i32
        %mul3A_488 = arith.muli %add3A_486, %mul3A_487 : i32
        %get3A_489 = arith.constant 1 : i32
        %get3A_490 = arith.index_cast %get3A_489 : i32 to index
        %get3A_491 = arith.index_cast %mul3A_488 : i32 to index
        %get3A_492 = tpu.vector_load %arg6[%get3A_490, %get3A_491] {strides = array<i32>} : memref<2x4096xf32, #tpu.memory_space<vmem>>, vector<16xf32>,
        %convert_element_type3A_493 = arith.fptosi %get3A_492 : vector<16xf32> to vector<16xi32>
        %gather3A_494 = tpu.vector_load_idx %arg5[%convert_element_type3A_493] : memref<100000xf32, #tpu.memory_space<vmem>>[vector<16xi32>], vector<16xf32>,
        %swap3A_495 = arith.constant 1 : i32
        %swap3A_496 = arith.index_cast %swap3A_495 : i32 to index
        %swap3A_497 = arith.index_cast %mul3A_488 : i32 to index
        %swap3A_498 = tpu.vector_load %arg7[%swap3A_496, %swap3A_497] {strides = array<i32>} : memref<2x4096xf32, #tpu.memory_space<vmem>>, vector<16xf32>,
        tpu.vector_store %arg7[%swap3A_496, %swap3A_497], %gather3A_494 {strides = array<i32>} : memref<2x4096xf32, #tpu.memory_space<vmem>>, vector<16xf32>,
        %add3A_499 = arith.constant 14 : i32
        %add3A_500 = arith.addi %mul3A_305, %add3A_499 : i32
        %mul3A_501 = arith.constant 16 : i32
        %mul3A_502 = arith.muli %add3A_500, %mul3A_501 : i32
        %get3A_503 = arith.constant 1 : i32
        %get3A_504 = arith.index_cast %get3A_503 : i32 to index
        %get3A_505 = arith.index_cast %mul3A_502 : i32 to index
        %get3A_506 = tpu.vector_load %arg6[%get3A_504, %get3A_505] {strides = array<i32>} : memref<2x4096xf32, #tpu.memory_space<vmem>>, vector<16xf32>,
        %convert_element_type3A_507 = arith.fptosi %get3A_506 : vector<16xf32> to vector<16xi32>
        %gather3A_508 = tpu.vector_load_idx %arg5[%convert_element_type3A_507] : memref<100000xf32, #tpu.memory_space<vmem>>[vector<16xi32>], vector<16xf32>,
        %swap3A_509 = arith.constant 1 : i32
        %swap3A_510 = arith.index_cast %swap3A_509 : i32 to index
        %swap3A_511 = arith.index_cast %mul3A_502 : i32 to index
        %swap3A_512 = tpu.vector_load %arg7[%swap3A_510, %swap3A_511] {strides = array<i32>} : memref<2x4096xf32, #tpu.memory_space<vmem>>, vector<16xf32>,
        tpu.vector_store %arg7[%swap3A_510, %swap3A_511], %gather3A_508 {strides = array<i32>} : memref<2x4096xf32, #tpu.memory_space<vmem>>, vector<16xf32>,
        %add3A_513 = arith.constant 15 : i32
        %add3A_514 = arith.addi %mul3A_305, %add3A_513 : i32
        %mul3A_515 = arith.constant 16 : i32
        %mul3A_516 = arith.muli %add3A_514, %mul3A_515 : i32
        %get3A_517 = arith.constant 1 : i32
        %get3A_518 = arith.index_cast %get3A_517 : i32 to index
        %get3A_519 = arith.index_cast %mul3A_516 : i32 to index
        %get3A_520 = tpu.vector_load %arg6[%get3A_518, %get3A_519] {strides = array<i32>} : memref<2x4096xf32, #tpu.memory_space<vmem>>, vector<16xf32>,
        %convert_element_type3A_521 = arith.fptosi %get3A_520 : vector<16xf32> to vector<16xi32>
        %gather3A_522 = tpu.vector_load_idx %arg5[%convert_element_type3A_521] : memref<100000xf32, #tpu.memory_space<vmem>>[vector<16xi32>], vector<16xf32>,
        %swap3A_523 = arith.constant 1 : i32
        %swap3A_524 = arith.index_cast %swap3A_523 : i32 to index
        %swap3A_525 = arith.index_cast %mul3A_516 : i32 to index
        %swap3A_526 = tpu.vector_load %arg7[%swap3A_524, %swap3A_525] {strides = array<i32>} : memref<2x4096xf32, #tpu.memory_space<vmem>>, vector<16xf32>,
        tpu.vector_store %arg7[%swap3A_524, %swap3A_525], %gather3A_522 {strides = array<i32>} : memref<2x4096xf32, #tpu.memory_space<vmem>>, vector<16xf32>,
      }
      %scan3A_159 = arith.constant 16 : i32
      %add3A_160 = arith.constant 13 : i32
      %add3A_161 = arith.addi %add3A_160, %scan3A_69 : i32
      %dma_start3A_162 = arith.constant 1 : i32
      %dma_start3A_163 = arith.constant 0 : i32
      %dma_start3A_164 = tpu.memref_slice %arg6[%dma_start3A_162, %dma_start3A_163] : memref<2x4096xf32, #tpu.memory_space<vmem>> -> memref<1x4096xf32, #tpu.memory_space<vmem>>
      %dma_start3A_165 = tpu.memref_squeeze %dma_start3A_164 : memref<1x4096xf32, #tpu.memory_space<vmem>> -> memref<4096xf32, #tpu.memory_space<vmem>>
      %dma_start3A_166 = arith.constant 12288 : i32
      %dma_start3A_167 = tpu.memref_slice %arg2[%add3A_161, %dma_start3A_166] : memref<39x16384xf32, #tpu.memory_space<hbm>> -> memref<1x4096xf32, #tpu.memory_space<hbm>>
      %dma_start3A_168 = tpu.memref_squeeze %dma_start3A_167 : memref<1x4096xf32, #tpu.memory_space<hbm>> -> memref<4096xf32, #tpu.memory_space<hbm>>
      %dma_start3A_169 = arith.constant 0 : i32
      %dma_start3A_170 = tpu.memref_slice %arg6[%dma_start3A_162, %dma_start3A_169] : memref<2x4096xf32, #tpu.memory_space<vmem>> -> memref<1x4096xf32, #tpu.memory_space<vmem>>
      %dma_start3A_171 = tpu.memref_squeeze %dma_start3A_170 : memref<1x4096xf32, #tpu.memory_space<vmem>> -> memref<4096xf32, #tpu.memory_space<vmem>>
      %dma_start3A_172 = arith.constant 12288 : i32
      %dma_start3A_173 = tpu.memref_slice %arg2[%add3A_161, %dma_start3A_172] : memref<39x16384xf32, #tpu.memory_space<hbm>> -> memref<1x4096xf32, #tpu.memory_space<hbm>>
      %dma_start3A_174 = tpu.memref_squeeze %dma_start3A_173 : memref<1x4096xf32, #tpu.memory_space<hbm>> -> memref<4096xf32, #tpu.memory_space<hbm>>
      tpu.enqueue_dma source(%dma_start3A_174 : memref<4096xf32, #tpu.memory_space<hbm>>) target(%dma_start3A_171 : memref<4096xf32, #tpu.memory_space<vmem>>) target_semaphore(%arg9 : memref<!tpu.dma_semaphore, #tpu.memory_space<semaphore_mem>>)
      %dma_start3A_175 = arith.constant 1 : i32
      %dma_start3A_176 = arith.constant 0 : i32
      %dma_start3A_177 = tpu.memref_slice %arg7[%dma_start3A_175, %dma_start3A_176] : memref<2x4096xf32, #tpu.memory_space<vmem>> -> memref<1x4096xf32, #tpu.memory_space<vmem>>
      %dma_start3A_178 = tpu.memref_squeeze %dma_start3A_177 : memref<1x4096xf32, #tpu.memory_space<vmem>> -> memref<4096xf32, #tpu.memory_space<vmem>>
      %dma_start3A_179 = arith.constant 4096 : i32
      %dma_start3A_180 = tpu.memref_slice %arg4[%add3A_74, %dma_start3A_179] : memref<845x16384xf32, #tpu.memory_space<hbm>> -> memref<1x4096xf32, #tpu.memory_space<hbm>>
      %dma_start3A_181 = tpu.memref_squeeze %dma_start3A_180 : memref<1x4096xf32, #tpu.memory_space<hbm>> -> memref<4096xf32, #tpu.memory_space<hbm>>
      %dma_start3A_182 = arith.constant 4096 : i32
      %dma_start3A_183 = tpu.memref_slice %arg4[%add3A_74, %dma_start3A_182] : memref<845x16384xf32, #tpu.memory_space<hbm>> -> memref<1x4096xf32, #tpu.memory_space<hbm>>
      %dma_start3A_184 = tpu.memref_squeeze %dma_start3A_183 : memref<1x4096xf32, #tpu.memory_space<hbm>> -> memref<4096xf32, #tpu.memory_space<hbm>>
      %dma_start3A_185 = arith.constant 0 : i32
      %dma_start3A_186 = tpu.memref_slice %arg7[%dma_start3A_175, %dma_start3A_185] : memref<2x4096xf32, #tpu.memory_space<vmem>> -> memref<1x4096xf32, #tpu.memory_space<vmem>>
      %dma_start3A_187 = tpu.memref_squeeze %dma_start3A_186 : memref<1x4096xf32, #tpu.memory_space<vmem>> -> memref<4096xf32, #tpu.memory_space<vmem>>
      tpu.enqueue_dma source(%dma_start3A_187 : memref<4096xf32, #tpu.memory_space<vmem>>) target(%dma_start3A_184 : memref<4096xf32, #tpu.memory_space<hbm>>) target_semaphore(%arg10 : memref<!tpu.dma_semaphore, #tpu.memory_space<semaphore_mem>>)
      %add3A_188 = arith.constant 13 : i32
      %add3A_189 = arith.addi %add3A_188, %scan3A_69 : i32
      %dma_wait3A_190 = arith.constant 0 : i32
      %dma_wait3A_191 = arith.constant 0 : i32
      %dma_wait3A_192 = tpu.memref_slice %arg6[%dma_wait3A_190, %dma_wait3A_191] : memref<2x4096xf32, #tpu.memory_space<vmem>> -> memref<1x4096xf32, #tpu.memory_space<vmem>>
      %dma_wait3A_193 = tpu.memref_squeeze %dma_wait3A_192 : memref<1x4096xf32, #tpu.memory_space<vmem>> -> memref<4096xf32, #tpu.memory_space<vmem>>
      %dma_wait3A_194 = arith.constant 8192 : i32
      %dma_wait3A_195 = tpu.memref_slice %arg2[%add3A_189, %dma_wait3A_194] : memref<39x16384xf32, #tpu.memory_space<hbm>> -> memref<1x4096xf32, #tpu.memory_space<hbm>>
      %dma_wait3A_196 = tpu.memref_squeeze %dma_wait3A_195 : memref<1x4096xf32, #tpu.memory_space<hbm>> -> memref<4096xf32, #tpu.memory_space<hbm>>
      %dma_wait3A_197 = arith.constant 0 : i32
      %dma_wait3A_198 = tpu.memref_slice %arg6[%dma_wait3A_190, %dma_wait3A_197] : memref<2x4096xf32, #tpu.memory_space<vmem>> -> memref<1x4096xf32, #tpu.memory_space<vmem>>
      %dma_wait3A_199 = tpu.memref_squeeze %dma_wait3A_198 : memref<1x4096xf32, #tpu.memory_space<vmem>> -> memref<4096xf32, #tpu.memory_space<vmem>>
      %dma_wait3A_200 = arith.constant 8192 : i32
      %dma_wait3A_201 = tpu.memref_slice %arg2[%add3A_189, %dma_wait3A_200] : memref<39x16384xf32, #tpu.memory_space<hbm>> -> memref<1x4096xf32, #tpu.memory_space<hbm>>
      %dma_wait3A_202 = tpu.memref_squeeze %dma_wait3A_201 : memref<1x4096xf32, #tpu.memory_space<hbm>> -> memref<4096xf32, #tpu.memory_space<hbm>>
      tpu.wait_dma2 semaphore(%arg9 : memref<!tpu.dma_semaphore, #tpu.memory_space<semaphore_mem>>) src(%dma_wait3A_202 : memref<4096xf32, #tpu.memory_space<hbm>>) dst(%dma_wait3A_199 : memref<4096xf32, #tpu.memory_space<vmem>>)
      %dma_wait3A_203 = arith.constant 0 : i32
      %dma_wait3A_204 = arith.constant 0 : i32
      %dma_wait3A_205 = tpu.memref_slice %arg7[%dma_wait3A_203, %dma_wait3A_204] : memref<2x4096xf32, #tpu.memory_space<vmem>> -> memref<1x4096xf32, #tpu.memory_space<vmem>>
      %dma_wait3A_206 = tpu.memref_squeeze %dma_wait3A_205 : memref<1x4096xf32, #tpu.memory_space<vmem>> -> memref<4096xf32, #tpu.memory_space<vmem>>
      %dma_wait3A_207 = arith.constant 0 : i32
      %dma_wait3A_208 = tpu.memref_slice %arg4[%add3A_74, %dma_wait3A_207] : memref<845x16384xf32, #tpu.memory_space<hbm>> -> memref<1x4096xf32, #tpu.memory_space<hbm>>
      %dma_wait3A_209 = tpu.memref_squeeze %dma_wait3A_208 : memref<1x4096xf32, #tpu.memory_space<hbm>> -> memref<4096xf32, #tpu.memory_space<hbm>>
      %dma_wait3A_210 = arith.constant 0 : i32
      %dma_wait3A_211 = tpu.memref_slice %arg4[%add3A_74, %dma_wait3A_210] : memref<845x16384xf32, #tpu.memory_space<hbm>> -> memref<1x4096xf32, #tpu.memory_space<hbm>>
      %dma_wait3A_212 = tpu.memref_squeeze %dma_wait3A_211 : memref<1x4096xf32, #tpu.memory_space<hbm>> -> memref<4096xf32, #tpu.memory_space<hbm>>
      %dma_wait3A_213 = arith.constant 0 : i32
      %dma_wait3A_214 = tpu.memref_slice %arg7[%dma_wait3A_203, %dma_wait3A_213] : memref<2x4096xf32, #tpu.memory_space<vmem>> -> memref<1x4096xf32, #tpu.memory_space<vmem>>
      %dma_wait3A_215 = tpu.memref_squeeze %dma_wait3A_214 : memref<1x4096xf32, #tpu.memory_space<vmem>> -> memref<4096xf32, #tpu.memory_space<vmem>>
      tpu.wait_dma2 semaphore(%arg10 : memref<!tpu.dma_semaphore, #tpu.memory_space<semaphore_mem>>) src(%dma_wait3A_215 : memref<4096xf32, #tpu.memory_space<vmem>>) dst(%dma_wait3A_212 : memref<4096xf32, #tpu.memory_space<hbm>>)
      %scan3A_216 = arith.constant 0 : i32
      %scan3A_217 = arith.constant 0 : i32
      %scan3A_218 = arith.constant 16 : i32
      %scan3A_219 = arith.addi %scan3A_217, %scan3A_218 : i32
      %scan3A_220 = arith.constant 1 : i32
      scf.for %scan3A_303 = %scan3A_217 to %scan3A_219 step %scan3A_220  : i32 {
        %mul3A_304 = arith.constant 16 : i32
        %mul3A_305 = arith.muli %scan3A_303, %mul3A_304 : i32
        %add3A_306 = arith.constant 0 : i32
        %add3A_307 = arith.addi %mul3A_305, %add3A_306 : i32
        %mul3A_308 = arith.constant 16 : i32
        %mul3A_309 = arith.muli %add3A_307, %mul3A_308 : i32
        %get3A = arith.constant 0 : i32
        %get3A_310 = arith.index_cast %get3A : i32 to index
        %get3A_311 = arith.index_cast %mul3A_309 : i32 to index
        %get3A_312 = tpu.vector_load %arg6[%get3A_310, %get3A_311] {strides = array<i32>} : memref<2x4096xf32, #tpu.memory_space<vmem>>, vector<16xf32>,
        %convert_element_type3A_313 = arith.fptosi %get3A_312 : vector<16xf32> to vector<16xi32>
        %gather3A = tpu.vector_load_idx %arg5[%convert_element_type3A_313] : memref<100000xf32, #tpu.memory_space<vmem>>[vector<16xi32>], vector<16xf32>,
        %swap3A = arith.constant 0 : i32
        %swap3A_314 = arith.index_cast %swap3A : i32 to index
        %swap3A_315 = arith.index_cast %mul3A_309 : i32 to index
        %swap3A_316 = tpu.vector_load %arg7[%swap3A_314, %swap3A_315] {strides = array<i32>} : memref<2x4096xf32, #tpu.memory_space<vmem>>, vector<16xf32>,
        tpu.vector_store %arg7[%swap3A_314, %swap3A_315], %gather3A {strides = array<i32>} : memref<2x4096xf32, #tpu.memory_space<vmem>>, vector<16xf32>,
        %add3A_317 = arith.constant 1 : i32
        %add3A_318 = arith.addi %mul3A_305, %add3A_317 : i32
        %mul3A_319 = arith.constant 16 : i32
        %mul3A_320 = arith.muli %add3A_318, %mul3A_319 : i32
        %get3A_321 = arith.constant 0 : i32
        %get3A_322 = arith.index_cast %get3A_321 : i32 to index
        %get3A_323 = arith.index_cast %mul3A_320 : i32 to index
        %get3A_324 = tpu.vector_load %arg6[%get3A_322, %get3A_323] {strides = array<i32>} : memref<2x4096xf32, #tpu.memory_space<vmem>>, vector<16xf32>,
        %convert_element_type3A_325 = arith.fptosi %get3A_324 : vector<16xf32> to vector<16xi32>
        %gather3A_326 = tpu.vector_load_idx %arg5[%convert_element_type3A_325] : memref<100000xf32, #tpu.memory_space<vmem>>[vector<16xi32>], vector<16xf32>,
        %swap3A_327 = arith.constant 0 : i32
        %swap3A_328 = arith.index_cast %swap3A_327 : i32 to index
        %swap3A_329 = arith.index_cast %mul3A_320 : i32 to index
        %swap3A_330 = tpu.vector_load %arg7[%swap3A_328, %swap3A_329] {strides = array<i32>} : memref<2x4096xf32, #tpu.memory_space<vmem>>, vector<16xf32>,
        tpu.vector_store %arg7[%swap3A_328, %swap3A_329], %gather3A_326 {strides = array<i32>} : memref<2x4096xf32, #tpu.memory_space<vmem>>, vector<16xf32>,
        %add3A_331 = arith.constant 2 : i32
        %add3A_332 = arith.addi %mul3A_305, %add3A_331 : i32
        %mul3A_333 = arith.constant 16 : i32
        %mul3A_334 = arith.muli %add3A_332, %mul3A_333 : i32
        %get3A_335 = arith.constant 0 : i32
        %get3A_336 = arith.index_cast %get3A_335 : i32 to index
        %get3A_337 = arith.index_cast %mul3A_334 : i32 to index
        %get3A_338 = tpu.vector_load %arg6[%get3A_336, %get3A_337] {strides = array<i32>} : memref<2x4096xf32, #tpu.memory_space<vmem>>, vector<16xf32>,
        %convert_element_type3A_339 = arith.fptosi %get3A_338 : vector<16xf32> to vector<16xi32>
        %gather3A_340 = tpu.vector_load_idx %arg5[%convert_element_type3A_339] : memref<100000xf32, #tpu.memory_space<vmem>>[vector<16xi32>], vector<16xf32>,
        %swap3A_341 = arith.constant 0 : i32
        %swap3A_342 = arith.index_cast %swap3A_341 : i32 to index
        %swap3A_343 = arith.index_cast %mul3A_334 : i32 to index
        %swap3A_344 = tpu.vector_load %arg7[%swap3A_342, %swap3A_343] {strides = array<i32>} : memref<2x4096xf32, #tpu.memory_space<vmem>>, vector<16xf32>,
        tpu.vector_store %arg7[%swap3A_342, %swap3A_343], %gather3A_340 {strides = array<i32>} : memref<2x4096xf32, #tpu.memory_space<vmem>>, vector<16xf32>,
        %add3A_345 = arith.constant 3 : i32
        %add3A_346 = arith.addi %mul3A_305, %add3A_345 : i32
        %mul3A_347 = arith.constant 16 : i32
        %mul3A_348 = arith.muli %add3A_346, %mul3A_347 : i32
        %get3A_349 = arith.constant 0 : i32
        %get3A_350 = arith.index_cast %get3A_349 : i32 to index
        %get3A_351 = arith.index_cast %mul3A_348 : i32 to index
        %get3A_352 = tpu.vector_load %arg6[%get3A_350, %get3A_351] {strides = array<i32>} : memref<2x4096xf32, #tpu.memory_space<vmem>>, vector<16xf32>,
        %convert_element_type3A_353 = arith.fptosi %get3A_352 : vector<16xf32> to vector<16xi32>
        %gather3A_354 = tpu.vector_load_idx %arg5[%convert_element_type3A_353] : memref<100000xf32, #tpu.memory_space<vmem>>[vector<16xi32>], vector<16xf32>,
        %swap3A_355 = arith.constant 0 : i32
        %swap3A_356 = arith.index_cast %swap3A_355 : i32 to index
        %swap3A_357 = arith.index_cast %mul3A_348 : i32 to index
        %swap3A_358 = tpu.vector_load %arg7[%swap3A_356, %swap3A_357] {strides = array<i32>} : memref<2x4096xf32, #tpu.memory_space<vmem>>, vector<16xf32>,
        tpu.vector_store %arg7[%swap3A_356, %swap3A_357], %gather3A_354 {strides = array<i32>} : memref<2x4096xf32, #tpu.memory_space<vmem>>, vector<16xf32>,
        %add3A_359 = arith.constant 4 : i32
        %add3A_360 = arith.addi %mul3A_305, %add3A_359 : i32
        %mul3A_361 = arith.constant 16 : i32
        %mul3A_362 = arith.muli %add3A_360, %mul3A_361 : i32
        %get3A_363 = arith.constant 0 : i32
        %get3A_364 = arith.index_cast %get3A_363 : i32 to index
        %get3A_365 = arith.index_cast %mul3A_362 : i32 to index
        %get3A_366 = tpu.vector_load %arg6[%get3A_364, %get3A_365] {strides = array<i32>} : memref<2x4096xf32, #tpu.memory_space<vmem>>, vector<16xf32>,
        %convert_element_type3A_367 = arith.fptosi %get3A_366 : vector<16xf32> to vector<16xi32>
        %gather3A_368 = tpu.vector_load_idx %arg5[%convert_element_type3A_367] : memref<100000xf32, #tpu.memory_space<vmem>>[vector<16xi32>], vector<16xf32>,
        %swap3A_369 = arith.constant 0 : i32
        %swap3A_370 = arith.index_cast %swap3A_369 : i32 to index
        %swap3A_371 = arith.index_cast %mul3A_362 : i32 to index
        %swap3A_372 = tpu.vector_load %arg7[%swap3A_370, %swap3A_371] {strides = array<i32>} : memref<2x4096xf32, #tpu.memory_space<vmem>>, vector<16xf32>,
        tpu.vector_store %arg7[%swap3A_370, %swap3A_371], %gather3A_368 {strides = array<i32>} : memref<2x4096xf32, #tpu.memory_space<vmem>>, vector<16xf32>,
        %add3A_373 = arith.constant 5 : i32
        %add3A_374 = arith.addi %mul3A_305, %add3A_373 : i32
        %mul3A_375 = arith.constant 16 : i32
        %mul3A_376 = arith.muli %add3A_374, %mul3A_375 : i32
        %get3A_377 = arith.constant 0 : i32
        %get3A_378 = arith.index_cast %get3A_377 : i32 to index
        %get3A_379 = arith.index_cast %mul3A_376 : i32 to index
        %get3A_380 = tpu.vector_load %arg6[%get3A_378, %get3A_379] {strides = array<i32>} : memref<2x4096xf32, #tpu.memory_space<vmem>>, vector<16xf32>,
        %convert_element_type3A_381 = arith.fptosi %get3A_380 : vector<16xf32> to vector<16xi32>
        %gather3A_382 = tpu.vector_load_idx %arg5[%convert_element_type3A_381] : memref<100000xf32, #tpu.memory_space<vmem>>[vector<16xi32>], vector<16xf32>,
        %swap3A_383 = arith.constant 0 : i32
        %swap3A_384 = arith.index_cast %swap3A_383 : i32 to index
        %swap3A_385 = arith.index_cast %mul3A_376 : i32 to index
        %swap3A_386 = tpu.vector_load %arg7[%swap3A_384, %swap3A_385] {strides = array<i32>} : memref<2x4096xf32, #tpu.memory_space<vmem>>, vector<16xf32>,
        tpu.vector_store %arg7[%swap3A_384, %swap3A_385], %gather3A_382 {strides = array<i32>} : memref<2x4096xf32, #tpu.memory_space<vmem>>, vector<16xf32>,
        %add3A_387 = arith.constant 6 : i32
        %add3A_388 = arith.addi %mul3A_305, %add3A_387 : i32
        %mul3A_389 = arith.constant 16 : i32
        %mul3A_390 = arith.muli %add3A_388, %mul3A_389 : i32
        %get3A_391 = arith.constant 0 : i32
        %get3A_392 = arith.index_cast %get3A_391 : i32 to index
        %get3A_393 = arith.index_cast %mul3A_390 : i32 to index
        %get3A_394 = tpu.vector_load %arg6[%get3A_392, %get3A_393] {strides = array<i32>} : memref<2x4096xf32, #tpu.memory_space<vmem>>, vector<16xf32>,
        %convert_element_type3A_395 = arith.fptosi %get3A_394 : vector<16xf32> to vector<16xi32>
        %gather3A_396 = tpu.vector_load_idx %arg5[%convert_element_type3A_395] : memref<100000xf32, #tpu.memory_space<vmem>>[vector<16xi32>], vector<16xf32>,
        %swap3A_397 = arith.constant 0 : i32
        %swap3A_398 = arith.index_cast %swap3A_397 : i32 to index
        %swap3A_399 = arith.index_cast %mul3A_390 : i32 to index
        %swap3A_400 = tpu.vector_load %arg7[%swap3A_398, %swap3A_399] {strides = array<i32>} : memref<2x4096xf32, #tpu.memory_space<vmem>>, vector<16xf32>,
        tpu.vector_store %arg7[%swap3A_398, %swap3A_399], %gather3A_396 {strides = array<i32>} : memref<2x4096xf32, #tpu.memory_space<vmem>>, vector<16xf32>,
        %add3A_401 = arith.constant 7 : i32
        %add3A_402 = arith.addi %mul3A_305, %add3A_401 : i32
        %mul3A_403 = arith.constant 16 : i32
        %mul3A_404 = arith.muli %add3A_402, %mul3A_403 : i32
        %get3A_405 = arith.constant 0 : i32
        %get3A_406 = arith.index_cast %get3A_405 : i32 to index
        %get3A_407 = arith.index_cast %mul3A_404 : i32 to index
        %get3A_408 = tpu.vector_load %arg6[%get3A_406, %get3A_407] {strides = array<i32>} : memref<2x4096xf32, #tpu.memory_space<vmem>>, vector<16xf32>,
        %convert_element_type3A_409 = arith.fptosi %get3A_408 : vector<16xf32> to vector<16xi32>
        %gather3A_410 = tpu.vector_load_idx %arg5[%convert_element_type3A_409] : memref<100000xf32, #tpu.memory_space<vmem>>[vector<16xi32>], vector<16xf32>,
        %swap3A_411 = arith.constant 0 : i32
        %swap3A_412 = arith.index_cast %swap3A_411 : i32 to index
        %swap3A_413 = arith.index_cast %mul3A_404 : i32 to index
        %swap3A_414 = tpu.vector_load %arg7[%swap3A_412, %swap3A_413] {strides = array<i32>} : memref<2x4096xf32, #tpu.memory_space<vmem>>, vector<16xf32>,
        tpu.vector_store %arg7[%swap3A_412, %swap3A_413], %gather3A_410 {strides = array<i32>} : memref<2x4096xf32, #tpu.memory_space<vmem>>, vector<16xf32>,
        %add3A_415 = arith.constant 8 : i32
        %add3A_416 = arith.addi %mul3A_305, %add3A_415 : i32
        %mul3A_417 = arith.constant 16 : i32
        %mul3A_418 = arith.muli %add3A_416, %mul3A_417 : i32
        %get3A_419 = arith.constant 0 : i32
        %get3A_420 = arith.index_cast %get3A_419 : i32 to index
        %get3A_421 = arith.index_cast %mul3A_418 : i32 to index
        %get3A_422 = tpu.vector_load %arg6[%get3A_420, %get3A_421] {strides = array<i32>} : memref<2x4096xf32, #tpu.memory_space<vmem>>, vector<16xf32>,
        %convert_element_type3A_423 = arith.fptosi %get3A_422 : vector<16xf32> to vector<16xi32>
        %gather3A_424 = tpu.vector_load_idx %arg5[%convert_element_type3A_423] : memref<100000xf32, #tpu.memory_space<vmem>>[vector<16xi32>], vector<16xf32>,
        %swap3A_425 = arith.constant 0 : i32
        %swap3A_426 = arith.index_cast %swap3A_425 : i32 to index
        %swap3A_427 = arith.index_cast %mul3A_418 : i32 to index
        %swap3A_428 = tpu.vector_load %arg7[%swap3A_426, %swap3A_427] {strides = array<i32>} : memref<2x4096xf32, #tpu.memory_space<vmem>>, vector<16xf32>,
        tpu.vector_store %arg7[%swap3A_426, %swap3A_427], %gather3A_424 {strides = array<i32>} : memref<2x4096xf32, #tpu.memory_space<vmem>>, vector<16xf32>,
        %add3A_429 = arith.constant 9 : i32
        %add3A_430 = arith.addi %mul3A_305, %add3A_429 : i32
        %mul3A_431 = arith.constant 16 : i32
        %mul3A_432 = arith.muli %add3A_430, %mul3A_431 : i32
        %get3A_433 = arith.constant 0 : i32
        %get3A_434 = arith.index_cast %get3A_433 : i32 to index
        %get3A_435 = arith.index_cast %mul3A_432 : i32 to index
        %get3A_436 = tpu.vector_load %arg6[%get3A_434, %get3A_435] {strides = array<i32>} : memref<2x4096xf32, #tpu.memory_space<vmem>>, vector<16xf32>,
        %convert_element_type3A_437 = arith.fptosi %get3A_436 : vector<16xf32> to vector<16xi32>
        %gather3A_438 = tpu.vector_load_idx %arg5[%convert_element_type3A_437] : memref<100000xf32, #tpu.memory_space<vmem>>[vector<16xi32>], vector<16xf32>,
        %swap3A_439 = arith.constant 0 : i32
        %swap3A_440 = arith.index_cast %swap3A_439 : i32 to index
        %swap3A_441 = arith.index_cast %mul3A_432 : i32 to index
        %swap3A_442 = tpu.vector_load %arg7[%swap3A_440, %swap3A_441] {strides = array<i32>} : memref<2x4096xf32, #tpu.memory_space<vmem>>, vector<16xf32>,
        tpu.vector_store %arg7[%swap3A_440, %swap3A_441], %gather3A_438 {strides = array<i32>} : memref<2x4096xf32, #tpu.memory_space<vmem>>, vector<16xf32>,
        %add3A_443 = arith.constant 10 : i32
        %add3A_444 = arith.addi %mul3A_305, %add3A_443 : i32
        %mul3A_445 = arith.constant 16 : i32
        %mul3A_446 = arith.muli %add3A_444, %mul3A_445 : i32
        %get3A_447 = arith.constant 0 : i32
        %get3A_448 = arith.index_cast %get3A_447 : i32 to index
        %get3A_449 = arith.index_cast %mul3A_446 : i32 to index
        %get3A_450 = tpu.vector_load %arg6[%get3A_448, %get3A_449] {strides = array<i32>} : memref<2x4096xf32, #tpu.memory_space<vmem>>, vector<16xf32>,
        %convert_element_type3A_451 = arith.fptosi %get3A_450 : vector<16xf32> to vector<16xi32>
        %gather3A_452 = tpu.vector_load_idx %arg5[%convert_element_type3A_451] : memref<100000xf32, #tpu.memory_space<vmem>>[vector<16xi32>], vector<16xf32>,
        %swap3A_453 = arith.constant 0 : i32
        %swap3A_454 = arith.index_cast %swap3A_453 : i32 to index
        %swap3A_455 = arith.index_cast %mul3A_446 : i32 to index
        %swap3A_456 = tpu.vector_load %arg7[%swap3A_454, %swap3A_455] {strides = array<i32>} : memref<2x4096xf32, #tpu.memory_space<vmem>>, vector<16xf32>,
        tpu.vector_store %arg7[%swap3A_454, %swap3A_455], %gather3A_452 {strides = array<i32>} : memref<2x4096xf32, #tpu.memory_space<vmem>>, vector<16xf32>,
        %add3A_457 = arith.constant 11 : i32
        %add3A_458 = arith.addi %mul3A_305, %add3A_457 : i32
        %mul3A_459 = arith.constant 16 : i32
        %mul3A_460 = arith.muli %add3A_458, %mul3A_459 : i32
        %get3A_461 = arith.constant 0 : i32
        %get3A_462 = arith.index_cast %get3A_461 : i32 to index
        %get3A_463 = arith.index_cast %mul3A_460 : i32 to index
        %get3A_464 = tpu.vector_load %arg6[%get3A_462, %get3A_463] {strides = array<i32>} : memref<2x4096xf32, #tpu.memory_space<vmem>>, vector<16xf32>,
        %convert_element_type3A_465 = arith.fptosi %get3A_464 : vector<16xf32> to vector<16xi32>
        %gather3A_466 = tpu.vector_load_idx %arg5[%convert_element_type3A_465] : memref<100000xf32, #tpu.memory_space<vmem>>[vector<16xi32>], vector<16xf32>,
        %swap3A_467 = arith.constant 0 : i32
        %swap3A_468 = arith.index_cast %swap3A_467 : i32 to index
        %swap3A_469 = arith.index_cast %mul3A_460 : i32 to index
        %swap3A_470 = tpu.vector_load %arg7[%swap3A_468, %swap3A_469] {strides = array<i32>} : memref<2x4096xf32, #tpu.memory_space<vmem>>, vector<16xf32>,
        tpu.vector_store %arg7[%swap3A_468, %swap3A_469], %gather3A_466 {strides = array<i32>} : memref<2x4096xf32, #tpu.memory_space<vmem>>, vector<16xf32>,
        %add3A_471 = arith.constant 12 : i32
        %add3A_472 = arith.addi %mul3A_305, %add3A_471 : i32
        %mul3A_473 = arith.constant 16 : i32
        %mul3A_474 = arith.muli %add3A_472, %mul3A_473 : i32
        %get3A_475 = arith.constant 0 : i32
        %get3A_476 = arith.index_cast %get3A_475 : i32 to index
        %get3A_477 = arith.index_cast %mul3A_474 : i32 to index
        %get3A_478 = tpu.vector_load %arg6[%get3A_476, %get3A_477] {strides = array<i32>} : memref<2x4096xf32, #tpu.memory_space<vmem>>, vector<16xf32>,
        %convert_element_type3A_479 = arith.fptosi %get3A_478 : vector<16xf32> to vector<16xi32>
        %gather3A_480 = tpu.vector_load_idx %arg5[%convert_element_type3A_479] : memref<100000xf32, #tpu.memory_space<vmem>>[vector<16xi32>], vector<16xf32>,
        %swap3A_481 = arith.constant 0 : i32
        %swap3A_482 = arith.index_cast %swap3A_481 : i32 to index
        %swap3A_483 = arith.index_cast %mul3A_474 : i32 to index
        %swap3A_484 = tpu.vector_load %arg7[%swap3A_482, %swap3A_483] {strides = array<i32>} : memref<2x4096xf32, #tpu.memory_space<vmem>>, vector<16xf32>,
        tpu.vector_store %arg7[%swap3A_482, %swap3A_483], %gather3A_480 {strides = array<i32>} : memref<2x4096xf32, #tpu.memory_space<vmem>>, vector<16xf32>,
        %add3A_485 = arith.constant 13 : i32
        %add3A_486 = arith.addi %mul3A_305, %add3A_485 : i32
        %mul3A_487 = arith.constant 16 : i32
        %mul3A_488 = arith.muli %add3A_486, %mul3A_487 : i32
        %get3A_489 = arith.constant 0 : i32
        %get3A_490 = arith.index_cast %get3A_489 : i32 to index
        %get3A_491 = arith.index_cast %mul3A_488 : i32 to index
        %get3A_492 = tpu.vector_load %arg6[%get3A_490, %get3A_491] {strides = array<i32>} : memref<2x4096xf32, #tpu.memory_space<vmem>>, vector<16xf32>,
        %convert_element_type3A_493 = arith.fptosi %get3A_492 : vector<16xf32> to vector<16xi32>
        %gather3A_494 = tpu.vector_load_idx %arg5[%convert_element_type3A_493] : memref<100000xf32, #tpu.memory_space<vmem>>[vector<16xi32>], vector<16xf32>,
        %swap3A_495 = arith.constant 0 : i32
        %swap3A_496 = arith.index_cast %swap3A_495 : i32 to index
        %swap3A_497 = arith.index_cast %mul3A_488 : i32 to index
        %swap3A_498 = tpu.vector_load %arg7[%swap3A_496, %swap3A_497] {strides = array<i32>} : memref<2x4096xf32, #tpu.memory_space<vmem>>, vector<16xf32>,
        tpu.vector_store %arg7[%swap3A_496, %swap3A_497], %gather3A_494 {strides = array<i32>} : memref<2x4096xf32, #tpu.memory_space<vmem>>, vector<16xf32>,
        %add3A_499 = arith.constant 14 : i32
        %add3A_500 = arith.addi %mul3A_305, %add3A_499 : i32
        %mul3A_501 = arith.constant 16 : i32
        %mul3A_502 = arith.muli %add3A_500, %mul3A_501 : i32
        %get3A_503 = arith.constant 0 : i32
        %get3A_504 = arith.index_cast %get3A_503 : i32 to index
        %get3A_505 = arith.index_cast %mul3A_502 : i32 to index
        %get3A_506 = tpu.vector_load %arg6[%get3A_504, %get3A_505] {strides = array<i32>} : memref<2x4096xf32, #tpu.memory_space<vmem>>, vector<16xf32>,
        %convert_element_type3A_507 = arith.fptosi %get3A_506 : vector<16xf32> to vector<16xi32>
        %gather3A_508 = tpu.vector_load_idx %arg5[%convert_element_type3A_507] : memref<100000xf32, #tpu.memory_space<vmem>>[vector<16xi32>], vector<16xf32>,
        %swap3A_509 = arith.constant 0 : i32
        %swap3A_510 = arith.index_cast %swap3A_509 : i32 to index
        %swap3A_511 = arith.index_cast %mul3A_502 : i32 to index
        %swap3A_512 = tpu.vector_load %arg7[%swap3A_510, %swap3A_511] {strides = array<i32>} : memref<2x4096xf32, #tpu.memory_space<vmem>>, vector<16xf32>,
        tpu.vector_store %arg7[%swap3A_510, %swap3A_511], %gather3A_508 {strides = array<i32>} : memref<2x4096xf32, #tpu.memory_space<vmem>>, vector<16xf32>,
        %add3A_513 = arith.constant 15 : i32
        %add3A_514 = arith.addi %mul3A_305, %add3A_513 : i32
        %mul3A_515 = arith.constant 16 : i32
        %mul3A_516 = arith.muli %add3A_514, %mul3A_515 : i32
        %get3A_517 = arith.constant 0 : i32
        %get3A_518 = arith.index_cast %get3A_517 : i32 to index
        %get3A_519 = arith.index_cast %mul3A_516 : i32 to index
        %get3A_520 = tpu.vector_load %arg6[%get3A_518, %get3A_519] {strides = array<i32>} : memref<2x4096xf32, #tpu.memory_space<vmem>>, vector<16xf32>,
        %convert_element_type3A_521 = arith.fptosi %get3A_520 : vector<16xf32> to vector<16xi32>
        %gather3A_522 = tpu.vector_load_idx %arg5[%convert_element_type3A_521] : memref<100000xf32, #tpu.memory_space<vmem>>[vector<16xi32>], vector<16xf32>,
        %swap3A_523 = arith.constant 0 : i32
        %swap3A_524 = arith.index_cast %swap3A_523 : i32 to index
        %swap3A_525 = arith.index_cast %mul3A_516 : i32 to index
        %swap3A_526 = tpu.vector_load %arg7[%swap3A_524, %swap3A_525] {strides = array<i32>} : memref<2x4096xf32, #tpu.memory_space<vmem>>, vector<16xf32>,
        tpu.vector_store %arg7[%swap3A_524, %swap3A_525], %gather3A_522 {strides = array<i32>} : memref<2x4096xf32, #tpu.memory_space<vmem>>, vector<16xf32>,
      }
      %scan3A_221 = arith.constant 16 : i32
      %add3A_222 = arith.constant 1 : i32
      %add3A_223 = arith.addi %scan3A_69, %add3A_222 : i32
      %lt3A_224 = arith.constant 26 : i32
      %lt3A_225 = arith.cmpi slt, %add3A_223, %lt3A_224 : i32
      %convert_element_type3A_226 = arith.extui %lt3A_225 : i1 to i32
      %cond3A_227 = arith.constant 0 : i32
      %cond3A_228 = arith.cmpi ne, %convert_element_type3A_226, %cond3A_227 : i32
      scf.if %cond3A_228 {
        %add3A_303 = arith.constant 1 : i32
        %add3A_304 = arith.addi %scan3A_69, %add3A_303 : i32
        %add3A_305 = arith.constant 13 : i32
        %add3A_306 = arith.addi %add3A_305, %add3A_304 : i32
        %dma_start3A_307 = arith.constant 0 : i32
        %dma_start3A_308 = arith.constant 0 : i32
        %dma_start3A_309 = tpu.memref_slice %arg6[%dma_start3A_307, %dma_start3A_308] : memref<2x4096xf32, #tpu.memory_space<vmem>> -> memref<1x4096xf32, #tpu.memory_space<vmem>>
        %dma_start3A_310 = tpu.memref_squeeze %dma_start3A_309 : memref<1x4096xf32, #tpu.memory_space<vmem>> -> memref<4096xf32, #tpu.memory_space<vmem>>
        %dma_start3A_311 = arith.constant 0 : i32
        %dma_start3A_312 = tpu.memref_slice %arg2[%add3A_306, %dma_start3A_311] : memref<39x16384xf32, #tpu.memory_space<hbm>> -> memref<1x4096xf32, #tpu.memory_space<hbm>>
        %dma_start3A_313 = tpu.memref_squeeze %dma_start3A_312 : memref<1x4096xf32, #tpu.memory_space<hbm>> -> memref<4096xf32, #tpu.memory_space<hbm>>
        %dma_start3A_314 = arith.constant 0 : i32
        %dma_start3A_315 = tpu.memref_slice %arg6[%dma_start3A_307, %dma_start3A_314] : memref<2x4096xf32, #tpu.memory_space<vmem>> -> memref<1x4096xf32, #tpu.memory_space<vmem>>
        %dma_start3A_316 = tpu.memref_squeeze %dma_start3A_315 : memref<1x4096xf32, #tpu.memory_space<vmem>> -> memref<4096xf32, #tpu.memory_space<vmem>>
        %dma_start3A_317 = arith.constant 0 : i32
        %dma_start3A_318 = tpu.memref_slice %arg2[%add3A_306, %dma_start3A_317] : memref<39x16384xf32, #tpu.memory_space<hbm>> -> memref<1x4096xf32, #tpu.memory_space<hbm>>
        %dma_start3A_319 = tpu.memref_squeeze %dma_start3A_318 : memref<1x4096xf32, #tpu.memory_space<hbm>> -> memref<4096xf32, #tpu.memory_space<hbm>>
        tpu.enqueue_dma source(%dma_start3A_319 : memref<4096xf32, #tpu.memory_space<hbm>>) target(%dma_start3A_316 : memref<4096xf32, #tpu.memory_space<vmem>>) target_semaphore(%arg9 : memref<!tpu.dma_semaphore, #tpu.memory_space<semaphore_mem>>)
      } else {
      }
      %dma_start3A_229 = arith.constant 0 : i32
      %dma_start3A_230 = arith.constant 0 : i32
      %dma_start3A_231 = tpu.memref_slice %arg7[%dma_start3A_229, %dma_start3A_230] : memref<2x4096xf32, #tpu.memory_space<vmem>> -> memref<1x4096xf32, #tpu.memory_space<vmem>>
      %dma_start3A_232 = tpu.memref_squeeze %dma_start3A_231 : memref<1x4096xf32, #tpu.memory_space<vmem>> -> memref<4096xf32, #tpu.memory_space<vmem>>
      %dma_start3A_233 = arith.constant 8192 : i32
      %dma_start3A_234 = tpu.memref_slice %arg4[%add3A_74, %dma_start3A_233] : memref<845x16384xf32, #tpu.memory_space<hbm>> -> memref<1x4096xf32, #tpu.memory_space<hbm>>
      %dma_start3A_235 = tpu.memref_squeeze %dma_start3A_234 : memref<1x4096xf32, #tpu.memory_space<hbm>> -> memref<4096xf32, #tpu.memory_space<hbm>>
      %dma_start3A_236 = arith.constant 8192 : i32
      %dma_start3A_237 = tpu.memref_slice %arg4[%add3A_74, %dma_start3A_236] : memref<845x16384xf32, #tpu.memory_space<hbm>> -> memref<1x4096xf32, #tpu.memory_space<hbm>>
      %dma_start3A_238 = tpu.memref_squeeze %dma_start3A_237 : memref<1x4096xf32, #tpu.memory_space<hbm>> -> memref<4096xf32, #tpu.memory_space<hbm>>
      %dma_start3A_239 = arith.constant 0 : i32
      %dma_start3A_240 = tpu.memref_slice %arg7[%dma_start3A_229, %dma_start3A_239] : memref<2x4096xf32, #tpu.memory_space<vmem>> -> memref<1x4096xf32, #tpu.memory_space<vmem>>
      %dma_start3A_241 = tpu.memref_squeeze %dma_start3A_240 : memref<1x4096xf32, #tpu.memory_space<vmem>> -> memref<4096xf32, #tpu.memory_space<vmem>>
      tpu.enqueue_dma source(%dma_start3A_241 : memref<4096xf32, #tpu.memory_space<vmem>>) target(%dma_start3A_238 : memref<4096xf32, #tpu.memory_space<hbm>>) target_semaphore(%arg10 : memref<!tpu.dma_semaphore, #tpu.memory_space<semaphore_mem>>)
      %add3A_242 = arith.constant 13 : i32
      %add3A_243 = arith.addi %add3A_242, %scan3A_69 : i32
      %dma_wait3A_244 = arith.constant 1 : i32
      %dma_wait3A_245 = arith.constant 0 : i32
      %dma_wait3A_246 = tpu.memref_slice %arg6[%dma_wait3A_244, %dma_wait3A_245] : memref<2x4096xf32, #tpu.memory_space<vmem>> -> memref<1x4096xf32, #tpu.memory_space<vmem>>
      %dma_wait3A_247 = tpu.memref_squeeze %dma_wait3A_246 : memref<1x4096xf32, #tpu.memory_space<vmem>> -> memref<4096xf32, #tpu.memory_space<vmem>>
      %dma_wait3A_248 = arith.constant 12288 : i32
      %dma_wait3A_249 = tpu.memref_slice %arg2[%add3A_243, %dma_wait3A_248] : memref<39x16384xf32, #tpu.memory_space<hbm>> -> memref<1x4096xf32, #tpu.memory_space<hbm>>
      %dma_wait3A_250 = tpu.memref_squeeze %dma_wait3A_249 : memref<1x4096xf32, #tpu.memory_space<hbm>> -> memref<4096xf32, #tpu.memory_space<hbm>>
      %dma_wait3A_251 = arith.constant 0 : i32
      %dma_wait3A_252 = tpu.memref_slice %arg6[%dma_wait3A_244, %dma_wait3A_251] : memref<2x4096xf32, #tpu.memory_space<vmem>> -> memref<1x4096xf32, #tpu.memory_space<vmem>>
      %dma_wait3A_253 = tpu.memref_squeeze %dma_wait3A_252 : memref<1x4096xf32, #tpu.memory_space<vmem>> -> memref<4096xf32, #tpu.memory_space<vmem>>
      %dma_wait3A_254 = arith.constant 12288 : i32
      %dma_wait3A_255 = tpu.memref_slice %arg2[%add3A_243, %dma_wait3A_254] : memref<39x16384xf32, #tpu.memory_space<hbm>> -> memref<1x4096xf32, #tpu.memory_space<hbm>>
      %dma_wait3A_256 = tpu.memref_squeeze %dma_wait3A_255 : memref<1x4096xf32, #tpu.memory_space<hbm>> -> memref<4096xf32, #tpu.memory_space<hbm>>
      tpu.wait_dma2 semaphore(%arg9 : memref<!tpu.dma_semaphore, #tpu.memory_space<semaphore_mem>>) src(%dma_wait3A_256 : memref<4096xf32, #tpu.memory_space<hbm>>) dst(%dma_wait3A_253 : memref<4096xf32, #tpu.memory_space<vmem>>)
      %dma_wait3A_257 = arith.constant 1 : i32
      %dma_wait3A_258 = arith.constant 0 : i32
      %dma_wait3A_259 = tpu.memref_slice %arg7[%dma_wait3A_257, %dma_wait3A_258] : memref<2x4096xf32, #tpu.memory_space<vmem>> -> memref<1x4096xf32, #tpu.memory_space<vmem>>
      %dma_wait3A_260 = tpu.memref_squeeze %dma_wait3A_259 : memref<1x4096xf32, #tpu.memory_space<vmem>> -> memref<4096xf32, #tpu.memory_space<vmem>>
      %dma_wait3A_261 = arith.constant 4096 : i32
      %dma_wait3A_262 = tpu.memref_slice %arg4[%add3A_74, %dma_wait3A_261] : memref<845x16384xf32, #tpu.memory_space<hbm>> -> memref<1x4096xf32, #tpu.memory_space<hbm>>
      %dma_wait3A_263 = tpu.memref_squeeze %dma_wait3A_262 : memref<1x4096xf32, #tpu.memory_space<hbm>> -> memref<4096xf32, #tpu.memory_space<hbm>>
      %dma_wait3A_264 = arith.constant 4096 : i32
      %dma_wait3A_265 = tpu.memref_slice %arg4[%add3A_74, %dma_wait3A_264] : memref<845x16384xf32, #tpu.memory_space<hbm>> -> memref<1x4096xf32, #tpu.memory_space<hbm>>
      %dma_wait3A_266 = tpu.memref_squeeze %dma_wait3A_265 : memref<1x4096xf32, #tpu.memory_space<hbm>> -> memref<4096xf32, #tpu.memory_space<hbm>>
      %dma_wait3A_267 = arith.constant 0 : i32
      %dma_wait3A_268 = tpu.memref_slice %arg7[%dma_wait3A_257, %dma_wait3A_267] : memref<2x4096xf32, #tpu.memory_space<vmem>> -> memref<1x4096xf32, #tpu.memory_space<vmem>>
      %dma_wait3A_269 = tpu.memref_squeeze %dma_wait3A_268 : memref<1x4096xf32, #tpu.memory_space<vmem>> -> memref<4096xf32, #tpu.memory_space<vmem>>
      tpu.wait_dma2 semaphore(%arg10 : memref<!tpu.dma_semaphore, #tpu.memory_space<semaphore_mem>>) src(%dma_wait3A_269 : memref<4096xf32, #tpu.memory_space<vmem>>) dst(%dma_wait3A_266 : memref<4096xf32, #tpu.memory_space<hbm>>)
      %scan3A_270 = arith.constant 0 : i32
      %scan3A_271 = arith.constant 0 : i32
      %scan3A_272 = arith.constant 16 : i32
      %scan3A_273 = arith.addi %scan3A_271, %scan3A_272 : i32
      %scan3A_274 = arith.constant 1 : i32
      scf.for %scan3A_303 = %scan3A_271 to %scan3A_273 step %scan3A_274  : i32 {
        %mul3A_304 = arith.constant 16 : i32
        %mul3A_305 = arith.muli %scan3A_303, %mul3A_304 : i32
        %add3A_306 = arith.constant 0 : i32
        %add3A_307 = arith.addi %mul3A_305, %add3A_306 : i32
        %mul3A_308 = arith.constant 16 : i32
        %mul3A_309 = arith.muli %add3A_307, %mul3A_308 : i32
        %get3A = arith.constant 1 : i32
        %get3A_310 = arith.index_cast %get3A : i32 to index
        %get3A_311 = arith.index_cast %mul3A_309 : i32 to index
        %get3A_312 = tpu.vector_load %arg6[%get3A_310, %get3A_311] {strides = array<i32>} : memref<2x4096xf32, #tpu.memory_space<vmem>>, vector<16xf32>,
        %convert_element_type3A_313 = arith.fptosi %get3A_312 : vector<16xf32> to vector<16xi32>
        %gather3A = tpu.vector_load_idx %arg5[%convert_element_type3A_313] : memref<100000xf32, #tpu.memory_space<vmem>>[vector<16xi32>], vector<16xf32>,
        %swap3A = arith.constant 1 : i32
        %swap3A_314 = arith.index_cast %swap3A : i32 to index
        %swap3A_315 = arith.index_cast %mul3A_309 : i32 to index
        %swap3A_316 = tpu.vector_load %arg7[%swap3A_314, %swap3A_315] {strides = array<i32>} : memref<2x4096xf32, #tpu.memory_space<vmem>>, vector<16xf32>,
        tpu.vector_store %arg7[%swap3A_314, %swap3A_315], %gather3A {strides = array<i32>} : memref<2x4096xf32, #tpu.memory_space<vmem>>, vector<16xf32>,
        %add3A_317 = arith.constant 1 : i32
        %add3A_318 = arith.addi %mul3A_305, %add3A_317 : i32
        %mul3A_319 = arith.constant 16 : i32
        %mul3A_320 = arith.muli %add3A_318, %mul3A_319 : i32
        %get3A_321 = arith.constant 1 : i32
        %get3A_322 = arith.index_cast %get3A_321 : i32 to index
        %get3A_323 = arith.index_cast %mul3A_320 : i32 to index
        %get3A_324 = tpu.vector_load %arg6[%get3A_322, %get3A_323] {strides = array<i32>} : memref<2x4096xf32, #tpu.memory_space<vmem>>, vector<16xf32>,
        %convert_element_type3A_325 = arith.fptosi %get3A_324 : vector<16xf32> to vector<16xi32>
        %gather3A_326 = tpu.vector_load_idx %arg5[%convert_element_type3A_325] : memref<100000xf32, #tpu.memory_space<vmem>>[vector<16xi32>], vector<16xf32>,
        %swap3A_327 = arith.constant 1 : i32
        %swap3A_328 = arith.index_cast %swap3A_327 : i32 to index
        %swap3A_329 = arith.index_cast %mul3A_320 : i32 to index
        %swap3A_330 = tpu.vector_load %arg7[%swap3A_328, %swap3A_329] {strides = array<i32>} : memref<2x4096xf32, #tpu.memory_space<vmem>>, vector<16xf32>,
        tpu.vector_store %arg7[%swap3A_328, %swap3A_329], %gather3A_326 {strides = array<i32>} : memref<2x4096xf32, #tpu.memory_space<vmem>>, vector<16xf32>,
        %add3A_331 = arith.constant 2 : i32
        %add3A_332 = arith.addi %mul3A_305, %add3A_331 : i32
        %mul3A_333 = arith.constant 16 : i32
        %mul3A_334 = arith.muli %add3A_332, %mul3A_333 : i32
        %get3A_335 = arith.constant 1 : i32
        %get3A_336 = arith.index_cast %get3A_335 : i32 to index
        %get3A_337 = arith.index_cast %mul3A_334 : i32 to index
        %get3A_338 = tpu.vector_load %arg6[%get3A_336, %get3A_337] {strides = array<i32>} : memref<2x4096xf32, #tpu.memory_space<vmem>>, vector<16xf32>,
        %convert_element_type3A_339 = arith.fptosi %get3A_338 : vector<16xf32> to vector<16xi32>
        %gather3A_340 = tpu.vector_load_idx %arg5[%convert_element_type3A_339] : memref<100000xf32, #tpu.memory_space<vmem>>[vector<16xi32>], vector<16xf32>,
        %swap3A_341 = arith.constant 1 : i32
        %swap3A_342 = arith.index_cast %swap3A_341 : i32 to index
        %swap3A_343 = arith.index_cast %mul3A_334 : i32 to index
        %swap3A_344 = tpu.vector_load %arg7[%swap3A_342, %swap3A_343] {strides = array<i32>} : memref<2x4096xf32, #tpu.memory_space<vmem>>, vector<16xf32>,
        tpu.vector_store %arg7[%swap3A_342, %swap3A_343], %gather3A_340 {strides = array<i32>} : memref<2x4096xf32, #tpu.memory_space<vmem>>, vector<16xf32>,
        %add3A_345 = arith.constant 3 : i32
        %add3A_346 = arith.addi %mul3A_305, %add3A_345 : i32
        %mul3A_347 = arith.constant 16 : i32
        %mul3A_348 = arith.muli %add3A_346, %mul3A_347 : i32
        %get3A_349 = arith.constant 1 : i32
        %get3A_350 = arith.index_cast %get3A_349 : i32 to index
        %get3A_351 = arith.index_cast %mul3A_348 : i32 to index
        %get3A_352 = tpu.vector_load %arg6[%get3A_350, %get3A_351] {strides = array<i32>} : memref<2x4096xf32, #tpu.memory_space<vmem>>, vector<16xf32>,
        %convert_element_type3A_353 = arith.fptosi %get3A_352 : vector<16xf32> to vector<16xi32>
        %gather3A_354 = tpu.vector_load_idx %arg5[%convert_element_type3A_353] : memref<100000xf32, #tpu.memory_space<vmem>>[vector<16xi32>], vector<16xf32>,
        %swap3A_355 = arith.constant 1 : i32
        %swap3A_356 = arith.index_cast %swap3A_355 : i32 to index
        %swap3A_357 = arith.index_cast %mul3A_348 : i32 to index
        %swap3A_358 = tpu.vector_load %arg7[%swap3A_356, %swap3A_357] {strides = array<i32>} : memref<2x4096xf32, #tpu.memory_space<vmem>>, vector<16xf32>,
        tpu.vector_store %arg7[%swap3A_356, %swap3A_357], %gather3A_354 {strides = array<i32>} : memref<2x4096xf32, #tpu.memory_space<vmem>>, vector<16xf32>,
        %add3A_359 = arith.constant 4 : i32
        %add3A_360 = arith.addi %mul3A_305, %add3A_359 : i32
        %mul3A_361 = arith.constant 16 : i32
        %mul3A_362 = arith.muli %add3A_360, %mul3A_361 : i32
        %get3A_363 = arith.constant 1 : i32
        %get3A_364 = arith.index_cast %get3A_363 : i32 to index
        %get3A_365 = arith.index_cast %mul3A_362 : i32 to index
        %get3A_366 = tpu.vector_load %arg6[%get3A_364, %get3A_365] {strides = array<i32>} : memref<2x4096xf32, #tpu.memory_space<vmem>>, vector<16xf32>,
        %convert_element_type3A_367 = arith.fptosi %get3A_366 : vector<16xf32> to vector<16xi32>
        %gather3A_368 = tpu.vector_load_idx %arg5[%convert_element_type3A_367] : memref<100000xf32, #tpu.memory_space<vmem>>[vector<16xi32>], vector<16xf32>,
        %swap3A_369 = arith.constant 1 : i32
        %swap3A_370 = arith.index_cast %swap3A_369 : i32 to index
        %swap3A_371 = arith.index_cast %mul3A_362 : i32 to index
        %swap3A_372 = tpu.vector_load %arg7[%swap3A_370, %swap3A_371] {strides = array<i32>} : memref<2x4096xf32, #tpu.memory_space<vmem>>, vector<16xf32>,
        tpu.vector_store %arg7[%swap3A_370, %swap3A_371], %gather3A_368 {strides = array<i32>} : memref<2x4096xf32, #tpu.memory_space<vmem>>, vector<16xf32>,
        %add3A_373 = arith.constant 5 : i32
        %add3A_374 = arith.addi %mul3A_305, %add3A_373 : i32
        %mul3A_375 = arith.constant 16 : i32
        %mul3A_376 = arith.muli %add3A_374, %mul3A_375 : i32
        %get3A_377 = arith.constant 1 : i32
        %get3A_378 = arith.index_cast %get3A_377 : i32 to index
        %get3A_379 = arith.index_cast %mul3A_376 : i32 to index
        %get3A_380 = tpu.vector_load %arg6[%get3A_378, %get3A_379] {strides = array<i32>} : memref<2x4096xf32, #tpu.memory_space<vmem>>, vector<16xf32>,
        %convert_element_type3A_381 = arith.fptosi %get3A_380 : vector<16xf32> to vector<16xi32>
        %gather3A_382 = tpu.vector_load_idx %arg5[%convert_element_type3A_381] : memref<100000xf32, #tpu.memory_space<vmem>>[vector<16xi32>], vector<16xf32>,
        %swap3A_383 = arith.constant 1 : i32
        %swap3A_384 = arith.index_cast %swap3A_383 : i32 to index
        %swap3A_385 = arith.index_cast %mul3A_376 : i32 to index
        %swap3A_386 = tpu.vector_load %arg7[%swap3A_384, %swap3A_385] {strides = array<i32>} : memref<2x4096xf32, #tpu.memory_space<vmem>>, vector<16xf32>,
        tpu.vector_store %arg7[%swap3A_384, %swap3A_385], %gather3A_382 {strides = array<i32>} : memref<2x4096xf32, #tpu.memory_space<vmem>>, vector<16xf32>,
        %add3A_387 = arith.constant 6 : i32
        %add3A_388 = arith.addi %mul3A_305, %add3A_387 : i32
        %mul3A_389 = arith.constant 16 : i32
        %mul3A_390 = arith.muli %add3A_388, %mul3A_389 : i32
        %get3A_391 = arith.constant 1 : i32
        %get3A_392 = arith.index_cast %get3A_391 : i32 to index
        %get3A_393 = arith.index_cast %mul3A_390 : i32 to index
        %get3A_394 = tpu.vector_load %arg6[%get3A_392, %get3A_393] {strides = array<i32>} : memref<2x4096xf32, #tpu.memory_space<vmem>>, vector<16xf32>,
        %convert_element_type3A_395 = arith.fptosi %get3A_394 : vector<16xf32> to vector<16xi32>
        %gather3A_396 = tpu.vector_load_idx %arg5[%convert_element_type3A_395] : memref<100000xf32, #tpu.memory_space<vmem>>[vector<16xi32>], vector<16xf32>,
        %swap3A_397 = arith.constant 1 : i32
        %swap3A_398 = arith.index_cast %swap3A_397 : i32 to index
        %swap3A_399 = arith.index_cast %mul3A_390 : i32 to index
        %swap3A_400 = tpu.vector_load %arg7[%swap3A_398, %swap3A_399] {strides = array<i32>} : memref<2x4096xf32, #tpu.memory_space<vmem>>, vector<16xf32>,
        tpu.vector_store %arg7[%swap3A_398, %swap3A_399], %gather3A_396 {strides = array<i32>} : memref<2x4096xf32, #tpu.memory_space<vmem>>, vector<16xf32>,
        %add3A_401 = arith.constant 7 : i32
        %add3A_402 = arith.addi %mul3A_305, %add3A_401 : i32
        %mul3A_403 = arith.constant 16 : i32
        %mul3A_404 = arith.muli %add3A_402, %mul3A_403 : i32
        %get3A_405 = arith.constant 1 : i32
        %get3A_406 = arith.index_cast %get3A_405 : i32 to index
        %get3A_407 = arith.index_cast %mul3A_404 : i32 to index
        %get3A_408 = tpu.vector_load %arg6[%get3A_406, %get3A_407] {strides = array<i32>} : memref<2x4096xf32, #tpu.memory_space<vmem>>, vector<16xf32>,
        %convert_element_type3A_409 = arith.fptosi %get3A_408 : vector<16xf32> to vector<16xi32>
        %gather3A_410 = tpu.vector_load_idx %arg5[%convert_element_type3A_409] : memref<100000xf32, #tpu.memory_space<vmem>>[vector<16xi32>], vector<16xf32>,
        %swap3A_411 = arith.constant 1 : i32
        %swap3A_412 = arith.index_cast %swap3A_411 : i32 to index
        %swap3A_413 = arith.index_cast %mul3A_404 : i32 to index
        %swap3A_414 = tpu.vector_load %arg7[%swap3A_412, %swap3A_413] {strides = array<i32>} : memref<2x4096xf32, #tpu.memory_space<vmem>>, vector<16xf32>,
        tpu.vector_store %arg7[%swap3A_412, %swap3A_413], %gather3A_410 {strides = array<i32>} : memref<2x4096xf32, #tpu.memory_space<vmem>>, vector<16xf32>,
        %add3A_415 = arith.constant 8 : i32
        %add3A_416 = arith.addi %mul3A_305, %add3A_415 : i32
        %mul3A_417 = arith.constant 16 : i32
        %mul3A_418 = arith.muli %add3A_416, %mul3A_417 : i32
        %get3A_419 = arith.constant 1 : i32
        %get3A_420 = arith.index_cast %get3A_419 : i32 to index
        %get3A_421 = arith.index_cast %mul3A_418 : i32 to index
        %get3A_422 = tpu.vector_load %arg6[%get3A_420, %get3A_421] {strides = array<i32>} : memref<2x4096xf32, #tpu.memory_space<vmem>>, vector<16xf32>,
        %convert_element_type3A_423 = arith.fptosi %get3A_422 : vector<16xf32> to vector<16xi32>
        %gather3A_424 = tpu.vector_load_idx %arg5[%convert_element_type3A_423] : memref<100000xf32, #tpu.memory_space<vmem>>[vector<16xi32>], vector<16xf32>,
        %swap3A_425 = arith.constant 1 : i32
        %swap3A_426 = arith.index_cast %swap3A_425 : i32 to index
        %swap3A_427 = arith.index_cast %mul3A_418 : i32 to index
        %swap3A_428 = tpu.vector_load %arg7[%swap3A_426, %swap3A_427] {strides = array<i32>} : memref<2x4096xf32, #tpu.memory_space<vmem>>, vector<16xf32>,
        tpu.vector_store %arg7[%swap3A_426, %swap3A_427], %gather3A_424 {strides = array<i32>} : memref<2x4096xf32, #tpu.memory_space<vmem>>, vector<16xf32>,
        %add3A_429 = arith.constant 9 : i32
        %add3A_430 = arith.addi %mul3A_305, %add3A_429 : i32
        %mul3A_431 = arith.constant 16 : i32
        %mul3A_432 = arith.muli %add3A_430, %mul3A_431 : i32
        %get3A_433 = arith.constant 1 : i32
        %get3A_434 = arith.index_cast %get3A_433 : i32 to index
        %get3A_435 = arith.index_cast %mul3A_432 : i32 to index
        %get3A_436 = tpu.vector_load %arg6[%get3A_434, %get3A_435] {strides = array<i32>} : memref<2x4096xf32, #tpu.memory_space<vmem>>, vector<16xf32>,
        %convert_element_type3A_437 = arith.fptosi %get3A_436 : vector<16xf32> to vector<16xi32>
        %gather3A_438 = tpu.vector_load_idx %arg5[%convert_element_type3A_437] : memref<100000xf32, #tpu.memory_space<vmem>>[vector<16xi32>], vector<16xf32>,
        %swap3A_439 = arith.constant 1 : i32
        %swap3A_440 = arith.index_cast %swap3A_439 : i32 to index
        %swap3A_441 = arith.index_cast %mul3A_432 : i32 to index
        %swap3A_442 = tpu.vector_load %arg7[%swap3A_440, %swap3A_441] {strides = array<i32>} : memref<2x4096xf32, #tpu.memory_space<vmem>>, vector<16xf32>,
        tpu.vector_store %arg7[%swap3A_440, %swap3A_441], %gather3A_438 {strides = array<i32>} : memref<2x4096xf32, #tpu.memory_space<vmem>>, vector<16xf32>,
        %add3A_443 = arith.constant 10 : i32
        %add3A_444 = arith.addi %mul3A_305, %add3A_443 : i32
        %mul3A_445 = arith.constant 16 : i32
        %mul3A_446 = arith.muli %add3A_444, %mul3A_445 : i32
        %get3A_447 = arith.constant 1 : i32
        %get3A_448 = arith.index_cast %get3A_447 : i32 to index
        %get3A_449 = arith.index_cast %mul3A_446 : i32 to index
        %get3A_450 = tpu.vector_load %arg6[%get3A_448, %get3A_449] {strides = array<i32>} : memref<2x4096xf32, #tpu.memory_space<vmem>>, vector<16xf32>,
        %convert_element_type3A_451 = arith.fptosi %get3A_450 : vector<16xf32> to vector<16xi32>
        %gather3A_452 = tpu.vector_load_idx %arg5[%convert_element_type3A_451] : memref<100000xf32, #tpu.memory_space<vmem>>[vector<16xi32>], vector<16xf32>,
        %swap3A_453 = arith.constant 1 : i32
        %swap3A_454 = arith.index_cast %swap3A_453 : i32 to index
        %swap3A_455 = arith.index_cast %mul3A_446 : i32 to index
        %swap3A_456 = tpu.vector_load %arg7[%swap3A_454, %swap3A_455] {strides = array<i32>} : memref<2x4096xf32, #tpu.memory_space<vmem>>, vector<16xf32>,
        tpu.vector_store %arg7[%swap3A_454, %swap3A_455], %gather3A_452 {strides = array<i32>} : memref<2x4096xf32, #tpu.memory_space<vmem>>, vector<16xf32>,
        %add3A_457 = arith.constant 11 : i32
        %add3A_458 = arith.addi %mul3A_305, %add3A_457 : i32
        %mul3A_459 = arith.constant 16 : i32
        %mul3A_460 = arith.muli %add3A_458, %mul3A_459 : i32
        %get3A_461 = arith.constant 1 : i32
        %get3A_462 = arith.index_cast %get3A_461 : i32 to index
        %get3A_463 = arith.index_cast %mul3A_460 : i32 to index
        %get3A_464 = tpu.vector_load %arg6[%get3A_462, %get3A_463] {strides = array<i32>} : memref<2x4096xf32, #tpu.memory_space<vmem>>, vector<16xf32>,
        %convert_element_type3A_465 = arith.fptosi %get3A_464 : vector<16xf32> to vector<16xi32>
        %gather3A_466 = tpu.vector_load_idx %arg5[%convert_element_type3A_465] : memref<100000xf32, #tpu.memory_space<vmem>>[vector<16xi32>], vector<16xf32>,
        %swap3A_467 = arith.constant 1 : i32
        %swap3A_468 = arith.index_cast %swap3A_467 : i32 to index
        %swap3A_469 = arith.index_cast %mul3A_460 : i32 to index
        %swap3A_470 = tpu.vector_load %arg7[%swap3A_468, %swap3A_469] {strides = array<i32>} : memref<2x4096xf32, #tpu.memory_space<vmem>>, vector<16xf32>,
        tpu.vector_store %arg7[%swap3A_468, %swap3A_469], %gather3A_466 {strides = array<i32>} : memref<2x4096xf32, #tpu.memory_space<vmem>>, vector<16xf32>,
        %add3A_471 = arith.constant 12 : i32
        %add3A_472 = arith.addi %mul3A_305, %add3A_471 : i32
        %mul3A_473 = arith.constant 16 : i32
        %mul3A_474 = arith.muli %add3A_472, %mul3A_473 : i32
        %get3A_475 = arith.constant 1 : i32
        %get3A_476 = arith.index_cast %get3A_475 : i32 to index
        %get3A_477 = arith.index_cast %mul3A_474 : i32 to index
        %get3A_478 = tpu.vector_load %arg6[%get3A_476, %get3A_477] {strides = array<i32>} : memref<2x4096xf32, #tpu.memory_space<vmem>>, vector<16xf32>,
        %convert_element_type3A_479 = arith.fptosi %get3A_478 : vector<16xf32> to vector<16xi32>
        %gather3A_480 = tpu.vector_load_idx %arg5[%convert_element_type3A_479] : memref<100000xf32, #tpu.memory_space<vmem>>[vector<16xi32>], vector<16xf32>,
        %swap3A_481 = arith.constant 1 : i32
        %swap3A_482 = arith.index_cast %swap3A_481 : i32 to index
        %swap3A_483 = arith.index_cast %mul3A_474 : i32 to index
        %swap3A_484 = tpu.vector_load %arg7[%swap3A_482, %swap3A_483] {strides = array<i32>} : memref<2x4096xf32, #tpu.memory_space<vmem>>, vector<16xf32>,
        tpu.vector_store %arg7[%swap3A_482, %swap3A_483], %gather3A_480 {strides = array<i32>} : memref<2x4096xf32, #tpu.memory_space<vmem>>, vector<16xf32>,
        %add3A_485 = arith.constant 13 : i32
        %add3A_486 = arith.addi %mul3A_305, %add3A_485 : i32
        %mul3A_487 = arith.constant 16 : i32
        %mul3A_488 = arith.muli %add3A_486, %mul3A_487 : i32
        %get3A_489 = arith.constant 1 : i32
        %get3A_490 = arith.index_cast %get3A_489 : i32 to index
        %get3A_491 = arith.index_cast %mul3A_488 : i32 to index
        %get3A_492 = tpu.vector_load %arg6[%get3A_490, %get3A_491] {strides = array<i32>} : memref<2x4096xf32, #tpu.memory_space<vmem>>, vector<16xf32>,
        %convert_element_type3A_493 = arith.fptosi %get3A_492 : vector<16xf32> to vector<16xi32>
        %gather3A_494 = tpu.vector_load_idx %arg5[%convert_element_type3A_493] : memref<100000xf32, #tpu.memory_space<vmem>>[vector<16xi32>], vector<16xf32>,
        %swap3A_495 = arith.constant 1 : i32
        %swap3A_496 = arith.index_cast %swap3A_495 : i32 to index
        %swap3A_497 = arith.index_cast %mul3A_488 : i32 to index
        %swap3A_498 = tpu.vector_load %arg7[%swap3A_496, %swap3A_497] {strides = array<i32>} : memref<2x4096xf32, #tpu.memory_space<vmem>>, vector<16xf32>,
        tpu.vector_store %arg7[%swap3A_496, %swap3A_497], %gather3A_494 {strides = array<i32>} : memref<2x4096xf32, #tpu.memory_space<vmem>>, vector<16xf32>,
        %add3A_499 = arith.constant 14 : i32
        %add3A_500 = arith.addi %mul3A_305, %add3A_499 : i32
        %mul3A_501 = arith.constant 16 : i32
        %mul3A_502 = arith.muli %add3A_500, %mul3A_501 : i32
        %get3A_503 = arith.constant 1 : i32
        %get3A_504 = arith.index_cast %get3A_503 : i32 to index
        %get3A_505 = arith.index_cast %mul3A_502 : i32 to index
        %get3A_506 = tpu.vector_load %arg6[%get3A_504, %get3A_505] {strides = array<i32>} : memref<2x4096xf32, #tpu.memory_space<vmem>>, vector<16xf32>,
        %convert_element_type3A_507 = arith.fptosi %get3A_506 : vector<16xf32> to vector<16xi32>
        %gather3A_508 = tpu.vector_load_idx %arg5[%convert_element_type3A_507] : memref<100000xf32, #tpu.memory_space<vmem>>[vector<16xi32>], vector<16xf32>,
        %swap3A_509 = arith.constant 1 : i32
        %swap3A_510 = arith.index_cast %swap3A_509 : i32 to index
        %swap3A_511 = arith.index_cast %mul3A_502 : i32 to index
        %swap3A_512 = tpu.vector_load %arg7[%swap3A_510, %swap3A_511] {strides = array<i32>} : memref<2x4096xf32, #tpu.memory_space<vmem>>, vector<16xf32>,
        tpu.vector_store %arg7[%swap3A_510, %swap3A_511], %gather3A_508 {strides = array<i32>} : memref<2x4096xf32, #tpu.memory_space<vmem>>, vector<16xf32>,
        %add3A_513 = arith.constant 15 : i32
        %add3A_514 = arith.addi %mul3A_305, %add3A_513 : i32
        %mul3A_515 = arith.constant 16 : i32
        %mul3A_516 = arith.muli %add3A_514, %mul3A_515 : i32
        %get3A_517 = arith.constant 1 : i32
        %get3A_518 = arith.index_cast %get3A_517 : i32 to index
        %get3A_519 = arith.index_cast %mul3A_516 : i32 to index
        %get3A_520 = tpu.vector_load %arg6[%get3A_518, %get3A_519] {strides = array<i32>} : memref<2x4096xf32, #tpu.memory_space<vmem>>, vector<16xf32>,
        %convert_element_type3A_521 = arith.fptosi %get3A_520 : vector<16xf32> to vector<16xi32>
        %gather3A_522 = tpu.vector_load_idx %arg5[%convert_element_type3A_521] : memref<100000xf32, #tpu.memory_space<vmem>>[vector<16xi32>], vector<16xf32>,
        %swap3A_523 = arith.constant 1 : i32
        %swap3A_524 = arith.index_cast %swap3A_523 : i32 to index
        %swap3A_525 = arith.index_cast %mul3A_516 : i32 to index
        %swap3A_526 = tpu.vector_load %arg7[%swap3A_524, %swap3A_525] {strides = array<i32>} : memref<2x4096xf32, #tpu.memory_space<vmem>>, vector<16xf32>,
        tpu.vector_store %arg7[%swap3A_524, %swap3A_525], %gather3A_522 {strides = array<i32>} : memref<2x4096xf32, #tpu.memory_space<vmem>>, vector<16xf32>,
      }
      %scan3A_275 = arith.constant 16 : i32
      %add3A_276 = arith.constant 1 : i32
      %add3A_277 = arith.addi %scan3A_69, %add3A_276 : i32
      %lt3A_278 = arith.constant 26 : i32
      %lt3A_279 = arith.cmpi slt, %add3A_277, %lt3A_278 : i32
      %convert_element_type3A_280 = arith.extui %lt3A_279 : i1 to i32
      %cond3A_281 = arith.constant 0 : i32
      %cond3A_282 = arith.cmpi ne, %convert_element_type3A_280, %cond3A_281 : i32
      scf.if %cond3A_282 {
        %add3A_303 = arith.constant 1 : i32
        %add3A_304 = arith.addi %scan3A_69, %add3A_303 : i32
        %dma_start3A_305 = arith.constant 0 : i32
        %dma_start3A_306 = tpu.memref_slice %arg3[%add3A_304, %add3A, %dma_start3A_305] : memref<26x32x100000xf32, #tpu.memory_space<hbm>> -> memref<1x1x100000xf32, #tpu.memory_space<hbm>>
        %dma_start3A_307 = tpu.memref_squeeze %dma_start3A_306 : memref<1x1x100000xf32, #tpu.memory_space<hbm>> -> memref<100000xf32, #tpu.memory_space<hbm>>
        %dma_start3A_308 = arith.constant 0 : i32
        %dma_start3A_309 = tpu.memref_slice %arg3[%add3A_304, %add3A, %dma_start3A_308] : memref<26x32x100000xf32, #tpu.memory_space<hbm>> -> memref<1x1x100000xf32, #tpu.memory_space<hbm>>
        %dma_start3A_310 = tpu.memref_squeeze %dma_start3A_309 : memref<1x1x100000xf32, #tpu.memory_space<hbm>> -> memref<100000xf32, #tpu.memory_space<hbm>>
        tpu.enqueue_dma source(%dma_start3A_310 : memref<100000xf32, #tpu.memory_space<hbm>>) target(%arg5 : memref<100000xf32, #tpu.memory_space<vmem>>) target_semaphore(%arg8 : memref<!tpu.dma_semaphore, #tpu.memory_space<semaphore_mem>>)
      } else {
      }
      %add3A_283 = arith.constant 1 : i32
      %add3A_284 = arith.addi %scan3A_69, %add3A_283 : i32
      %lt3A_285 = arith.constant 26 : i32
      %lt3A_286 = arith.cmpi slt, %add3A_284, %lt3A_285 : i32
      %convert_element_type3A_287 = arith.extui %lt3A_286 : i1 to i32
      %cond3A_288 = arith.constant 0 : i32
      %cond3A_289 = arith.cmpi ne, %convert_element_type3A_287, %cond3A_288 : i32
      scf.if %cond3A_289 {
        %add3A_303 = arith.constant 1 : i32
        %add3A_304 = arith.addi %scan3A_69, %add3A_303 : i32
        %add3A_305 = arith.constant 13 : i32
        %add3A_306 = arith.addi %add3A_305, %add3A_304 : i32
        %dma_start3A_307 = arith.constant 1 : i32
        %dma_start3A_308 = arith.constant 0 : i32
        %dma_start3A_309 = tpu.memref_slice %arg6[%dma_start3A_307, %dma_start3A_308] : memref<2x4096xf32, #tpu.memory_space<vmem>> -> memref<1x4096xf32, #tpu.memory_space<vmem>>
        %dma_start3A_310 = tpu.memref_squeeze %dma_start3A_309 : memref<1x4096xf32, #tpu.memory_space<vmem>> -> memref<4096xf32, #tpu.memory_space<vmem>>
        %dma_start3A_311 = arith.constant 4096 : i32
        %dma_start3A_312 = tpu.memref_slice %arg2[%add3A_306, %dma_start3A_311] : memref<39x16384xf32, #tpu.memory_space<hbm>> -> memref<1x4096xf32, #tpu.memory_space<hbm>>
        %dma_start3A_313 = tpu.memref_squeeze %dma_start3A_312 : memref<1x4096xf32, #tpu.memory_space<hbm>> -> memref<4096xf32, #tpu.memory_space<hbm>>
        %dma_start3A_314 = arith.constant 0 : i32
        %dma_start3A_315 = tpu.memref_slice %arg6[%dma_start3A_307, %dma_start3A_314] : memref<2x4096xf32, #tpu.memory_space<vmem>> -> memref<1x4096xf32, #tpu.memory_space<vmem>>
        %dma_start3A_316 = tpu.memref_squeeze %dma_start3A_315 : memref<1x4096xf32, #tpu.memory_space<vmem>> -> memref<4096xf32, #tpu.memory_space<vmem>>
        %dma_start3A_317 = arith.constant 4096 : i32
        %dma_start3A_318 = tpu.memref_slice %arg2[%add3A_306, %dma_start3A_317] : memref<39x16384xf32, #tpu.memory_space<hbm>> -> memref<1x4096xf32, #tpu.memory_space<hbm>>
        %dma_start3A_319 = tpu.memref_squeeze %dma_start3A_318 : memref<1x4096xf32, #tpu.memory_space<hbm>> -> memref<4096xf32, #tpu.memory_space<hbm>>
        tpu.enqueue_dma source(%dma_start3A_319 : memref<4096xf32, #tpu.memory_space<hbm>>) target(%dma_start3A_316 : memref<4096xf32, #tpu.memory_space<vmem>>) target_semaphore(%arg9 : memref<!tpu.dma_semaphore, #tpu.memory_space<semaphore_mem>>)
      } else {
      }
      %dma_start3A_290 = arith.constant 1 : i32
      %dma_start3A_291 = arith.constant 0 : i32
      %dma_start3A_292 = tpu.memref_slice %arg7[%dma_start3A_290, %dma_start3A_291] : memref<2x4096xf32, #tpu.memory_space<vmem>> -> memref<1x4096xf32, #tpu.memory_space<vmem>>
      %dma_start3A_293 = tpu.memref_squeeze %dma_start3A_292 : memref<1x4096xf32, #tpu.memory_space<vmem>> -> memref<4096xf32, #tpu.memory_space<vmem>>
      %dma_start3A_294 = arith.constant 12288 : i32
      %dma_start3A_295 = tpu.memref_slice %arg4[%add3A_74, %dma_start3A_294] : memref<845x16384xf32, #tpu.memory_space<hbm>> -> memref<1x4096xf32, #tpu.memory_space<hbm>>
      %dma_start3A_296 = tpu.memref_squeeze %dma_start3A_295 : memref<1x4096xf32, #tpu.memory_space<hbm>> -> memref<4096xf32, #tpu.memory_space<hbm>>
      %dma_start3A_297 = arith.constant 12288 : i32
      %dma_start3A_298 = tpu.memref_slice %arg4[%add3A_74, %dma_start3A_297] : memref<845x16384xf32, #tpu.memory_space<hbm>> -> memref<1x4096xf32, #tpu.memory_space<hbm>>
      %dma_start3A_299 = tpu.memref_squeeze %dma_start3A_298 : memref<1x4096xf32, #tpu.memory_space<hbm>> -> memref<4096xf32, #tpu.memory_space<hbm>>
      %dma_start3A_300 = arith.constant 0 : i32
      %dma_start3A_301 = tpu.memref_slice %arg7[%dma_start3A_290, %dma_start3A_300] : memref<2x4096xf32, #tpu.memory_space<vmem>> -> memref<1x4096xf32, #tpu.memory_space<vmem>>
      %dma_start3A_302 = tpu.memref_squeeze %dma_start3A_301 : memref<1x4096xf32, #tpu.memory_space<vmem>> -> memref<4096xf32, #tpu.memory_space<vmem>>
      tpu.enqueue_dma source(%dma_start3A_302 : memref<4096xf32, #tpu.memory_space<vmem>>) target(%dma_start3A_299 : memref<4096xf32, #tpu.memory_space<hbm>>) target_semaphore(%arg10 : memref<!tpu.dma_semaphore, #tpu.memory_space<semaphore_mem>>)
    }
    %scan3A_39 = arith.constant 26 : i32
    %add3A_40 = arith.constant 813 : i32
    %add3A_41 = arith.addi %add3A_40, %add3A : i32
    %dma_wait3A = arith.constant 0 : i32
    %dma_wait3A_42 = arith.constant 0 : i32
    %dma_wait3A_43 = tpu.memref_slice %arg7[%dma_wait3A, %dma_wait3A_42] : memref<2x4096xf32, #tpu.memory_space<vmem>> -> memref<1x4096xf32, #tpu.memory_space<vmem>>
    %dma_wait3A_44 = tpu.memref_squeeze %dma_wait3A_43 : memref<1x4096xf32, #tpu.memory_space<vmem>> -> memref<4096xf32, #tpu.memory_space<vmem>>
    %dma_wait3A_45 = arith.constant 8192 : i32
    %dma_wait3A_46 = tpu.memref_slice %arg4[%add3A_41, %dma_wait3A_45] : memref<845x16384xf32, #tpu.memory_space<hbm>> -> memref<1x4096xf32, #tpu.memory_space<hbm>>
    %dma_wait3A_47 = tpu.memref_squeeze %dma_wait3A_46 : memref<1x4096xf32, #tpu.memory_space<hbm>> -> memref<4096xf32, #tpu.memory_space<hbm>>
    %dma_wait3A_48 = arith.constant 8192 : i32
    %dma_wait3A_49 = tpu.memref_slice %arg4[%add3A_41, %dma_wait3A_48] : memref<845x16384xf32, #tpu.memory_space<hbm>> -> memref<1x4096xf32, #tpu.memory_space<hbm>>
    %dma_wait3A_50 = tpu.memref_squeeze %dma_wait3A_49 : memref<1x4096xf32, #tpu.memory_space<hbm>> -> memref<4096xf32, #tpu.memory_space<hbm>>
    %dma_wait3A_51 = arith.constant 0 : i32
    %dma_wait3A_52 = tpu.memref_slice %arg7[%dma_wait3A, %dma_wait3A_51] : memref<2x4096xf32, #tpu.memory_space<vmem>> -> memref<1x4096xf32, #tpu.memory_space<vmem>>
    %dma_wait3A_53 = tpu.memref_squeeze %dma_wait3A_52 : memref<1x4096xf32, #tpu.memory_space<vmem>> -> memref<4096xf32, #tpu.memory_space<vmem>>
    tpu.wait_dma2 semaphore(%arg10 : memref<!tpu.dma_semaphore, #tpu.memory_space<semaphore_mem>>) src(%dma_wait3A_53 : memref<4096xf32, #tpu.memory_space<vmem>>) dst(%dma_wait3A_50 : memref<4096xf32, #tpu.memory_space<hbm>>)
    %dma_wait3A_54 = arith.constant 1 : i32
    %dma_wait3A_55 = arith.constant 0 : i32
    %dma_wait3A_56 = tpu.memref_slice %arg7[%dma_wait3A_54, %dma_wait3A_55] : memref<2x4096xf32, #tpu.memory_space<vmem>> -> memref<1x4096xf32, #tpu.memory_space<vmem>>
    %dma_wait3A_57 = tpu.memref_squeeze %dma_wait3A_56 : memref<1x4096xf32, #tpu.memory_space<vmem>> -> memref<4096xf32, #tpu.memory_space<vmem>>
    %dma_wait3A_58 = arith.constant 12288 : i32
    %dma_wait3A_59 = tpu.memref_slice %arg4[%add3A_41, %dma_wait3A_58] : memref<845x16384xf32, #tpu.memory_space<hbm>> -> memref<1x4096xf32, #tpu.memory_space<hbm>>
    %dma_wait3A_60 = tpu.memref_squeeze %dma_wait3A_59 : memref<1x4096xf32, #tpu.memory_space<hbm>> -> memref<4096xf32, #tpu.memory_space<hbm>>
    %dma_wait3A_61 = arith.constant 12288 : i32
    %dma_wait3A_62 = tpu.memref_slice %arg4[%add3A_41, %dma_wait3A_61] : memref<845x16384xf32, #tpu.memory_space<hbm>> -> memref<1x4096xf32, #tpu.memory_space<hbm>>
    %dma_wait3A_63 = tpu.memref_squeeze %dma_wait3A_62 : memref<1x4096xf32, #tpu.memory_space<hbm>> -> memref<4096xf32, #tpu.memory_space<hbm>>
    %dma_wait3A_64 = arith.constant 0 : i32
    %dma_wait3A_65 = tpu.memref_slice %arg7[%dma_wait3A_54, %dma_wait3A_64] : memref<2x4096xf32, #tpu.memory_space<vmem>> -> memref<1x4096xf32, #tpu.memory_space<vmem>>
    %dma_wait3A_66 = tpu.memref_squeeze %dma_wait3A_65 : memref<1x4096xf32, #tpu.memory_space<vmem>> -> memref<4096xf32, #tpu.memory_space<vmem>>
    tpu.wait_dma2 semaphore(%arg10 : memref<!tpu.dma_semaphore, #tpu.memory_space<semaphore_mem>>) src(%dma_wait3A_66 : memref<4096xf32, #tpu.memory_space<vmem>>) dst(%dma_wait3A_63 : memref<4096xf32, #tpu.memory_space<hbm>>)
    %lt3A = arith.constant 13 : i32
    %lt3A_67 = arith.cmpi slt, %add3A, %lt3A : i32
    %convert_element_type3A = arith.extui %lt3A_67 : i1 to i32
    %cond3A = arith.constant 0 : i32
    %cond3A_68 = arith.cmpi ne, %convert_element_type3A, %cond3A : i32
    scf.if %cond3A_68 {
      %scan3A_69 = arith.constant 0 : i32
      %scan3A_70 = arith.constant 0 : i32
      %scan3A_71 = arith.constant 4 : i32
      %scan3A_72 = arith.addi %scan3A_70, %scan3A_71 : i32
      %scan3A_73 = arith.constant 1 : i32
      scf.for %scan3A_75 = %scan3A_70 to %scan3A_72 step %scan3A_73  : i32 {
        %mul3A_76 = arith.constant 4096 : i32
        %mul3A_77 = arith.muli %scan3A_75, %mul3A_76 : i32
        %run_scoped3A = arith.constant 0 : i32
        "tpu.region"() ({
          %run_scoped3A_81 = tpu.sem_alloc : memref<!tpu.dma_semaphore, #tpu.memory_space<semaphore_mem>>
          %dma_start3A_82 = arith.constant 0 : i32
          %dma_start3A_83 = tpu.memref_slice %arg7[%run_scoped3A, %dma_start3A_82] : memref<2x4096xf32, #tpu.memory_space<vmem>> -> memref<1x4096xf32, #tpu.memory_space<vmem>>
          %dma_start3A_84 = tpu.memref_squeeze %dma_start3A_83 : memref<1x4096xf32, #tpu.memory_space<vmem>> -> memref<4096xf32, #tpu.memory_space<vmem>>
          %dma_start3A_85 = tpu.memref_slice %arg2[%add3A, %mul3A_77] : memref<39x16384xf32, #tpu.memory_space<hbm>> -> memref<1x4096xf32, #tpu.memory_space<hbm>>
          %dma_start3A_86 = tpu.memref_squeeze %dma_start3A_85 : memref<1x4096xf32, #tpu.memory_space<hbm>> -> memref<4096xf32, #tpu.memory_space<hbm>>
          %dma_start3A_87 = arith.constant 0 : i32
          %dma_start3A_88 = tpu.memref_slice %arg7[%run_scoped3A, %dma_start3A_87] : memref<2x4096xf32, #tpu.memory_space<vmem>> -> memref<1x4096xf32, #tpu.memory_space<vmem>>
          %dma_start3A_89 = tpu.memref_squeeze %dma_start3A_88 : memref<1x4096xf32, #tpu.memory_space<vmem>> -> memref<4096xf32, #tpu.memory_space<vmem>>
          %dma_start3A_90 = tpu.memref_slice %arg2[%add3A, %mul3A_77] : memref<39x16384xf32, #tpu.memory_space<hbm>> -> memref<1x4096xf32, #tpu.memory_space<hbm>>
          %dma_start3A_91 = tpu.memref_squeeze %dma_start3A_90 : memref<1x4096xf32, #tpu.memory_space<hbm>> -> memref<4096xf32, #tpu.memory_space<hbm>>
          tpu.enqueue_dma source(%dma_start3A_91 : memref<4096xf32, #tpu.memory_space<hbm>>) target(%dma_start3A_89 : memref<4096xf32, #tpu.memory_space<vmem>>) target_semaphore(%run_scoped3A_81 : memref<!tpu.dma_semaphore, #tpu.memory_space<semaphore_mem>>)
          %dma_wait3A_92 = arith.constant 0 : i32
          %dma_wait3A_93 = tpu.memref_slice %arg7[%run_scoped3A, %dma_wait3A_92] : memref<2x4096xf32, #tpu.memory_space<vmem>> -> memref<1x4096xf32, #tpu.memory_space<vmem>>
          %dma_wait3A_94 = tpu.memref_squeeze %dma_wait3A_93 : memref<1x4096xf32, #tpu.memory_space<vmem>> -> memref<4096xf32, #tpu.memory_space<vmem>>
          %dma_wait3A_95 = tpu.memref_slice %arg2[%add3A, %mul3A_77] : memref<39x16384xf32, #tpu.memory_space<hbm>> -> memref<1x4096xf32, #tpu.memory_space<hbm>>
          %dma_wait3A_96 = tpu.memref_squeeze %dma_wait3A_95 : memref<1x4096xf32, #tpu.memory_space<hbm>> -> memref<4096xf32, #tpu.memory_space<hbm>>
          %dma_wait3A_97 = arith.constant 0 : i32
          %dma_wait3A_98 = tpu.memref_slice %arg7[%run_scoped3A, %dma_wait3A_97] : memref<2x4096xf32, #tpu.memory_space<vmem>> -> memref<1x4096xf32, #tpu.memory_space<vmem>>
          %dma_wait3A_99 = tpu.memref_squeeze %dma_wait3A_98 : memref<1x4096xf32, #tpu.memory_space<vmem>> -> memref<4096xf32, #tpu.memory_space<vmem>>
          %dma_wait3A_100 = tpu.memref_slice %arg2[%add3A, %mul3A_77] : memref<39x16384xf32, #tpu.memory_space<hbm>> -> memref<1x4096xf32, #tpu.memory_space<hbm>>
          %dma_wait3A_101 = tpu.memref_squeeze %dma_wait3A_100 : memref<1x4096xf32, #tpu.memory_space<hbm>> -> memref<4096xf32, #tpu.memory_space<hbm>>
          tpu.wait_dma2 semaphore(%run_scoped3A_81 : memref<!tpu.dma_semaphore, #tpu.memory_space<semaphore_mem>>) src(%dma_wait3A_101 : memref<4096xf32, #tpu.memory_space<hbm>>) dst(%dma_wait3A_99 : memref<4096xf32, #tpu.memory_space<vmem>>)
          tpu.yield
        }) : () -> ()
        %mul3A_78 = arith.constant 4096 : i32
        %mul3A_79 = arith.muli %scan3A_75, %mul3A_78 : i32
        %run_scoped3A_80 = arith.constant 0 : i32
        "tpu.region"() ({
          %run_scoped3A_81 = tpu.sem_alloc : memref<!tpu.dma_semaphore, #tpu.memory_space<semaphore_mem>>
          %dma_start3A_82 = arith.constant 0 : i32
          %dma_start3A_83 = tpu.memref_slice %arg7[%run_scoped3A_80, %dma_start3A_82] : memref<2x4096xf32, #tpu.memory_space<vmem>> -> memref<1x4096xf32, #tpu.memory_space<vmem>>
          %dma_start3A_84 = tpu.memref_squeeze %dma_start3A_83 : memref<1x4096xf32, #tpu.memory_space<vmem>> -> memref<4096xf32, #tpu.memory_space<vmem>>
          %dma_start3A_85 = tpu.memref_slice %arg4[%add3A, %mul3A_79] : memref<845x16384xf32, #tpu.memory_space<hbm>> -> memref<1x4096xf32, #tpu.memory_space<hbm>>
          %dma_start3A_86 = tpu.memref_squeeze %dma_start3A_85 : memref<1x4096xf32, #tpu.memory_space<hbm>> -> memref<4096xf32, #tpu.memory_space<hbm>>
          %dma_start3A_87 = tpu.memref_slice %arg4[%add3A, %mul3A_79] : memref<845x16384xf32, #tpu.memory_space<hbm>> -> memref<1x4096xf32, #tpu.memory_space<hbm>>
          %dma_start3A_88 = tpu.memref_squeeze %dma_start3A_87 : memref<1x4096xf32, #tpu.memory_space<hbm>> -> memref<4096xf32, #tpu.memory_space<hbm>>
          %dma_start3A_89 = arith.constant 0 : i32
          %dma_start3A_90 = tpu.memref_slice %arg7[%run_scoped3A_80, %dma_start3A_89] : memref<2x4096xf32, #tpu.memory_space<vmem>> -> memref<1x4096xf32, #tpu.memory_space<vmem>>
          %dma_start3A_91 = tpu.memref_squeeze %dma_start3A_90 : memref<1x4096xf32, #tpu.memory_space<vmem>> -> memref<4096xf32, #tpu.memory_space<vmem>>
          tpu.enqueue_dma source(%dma_start3A_91 : memref<4096xf32, #tpu.memory_space<vmem>>) target(%dma_start3A_88 : memref<4096xf32, #tpu.memory_space<hbm>>) target_semaphore(%run_scoped3A_81 : memref<!tpu.dma_semaphore, #tpu.memory_space<semaphore_mem>>)
          %dma_wait3A_92 = arith.constant 0 : i32
          %dma_wait3A_93 = tpu.memref_slice %arg7[%run_scoped3A_80, %dma_wait3A_92] : memref<2x4096xf32, #tpu.memory_space<vmem>> -> memref<1x4096xf32, #tpu.memory_space<vmem>>
          %dma_wait3A_94 = tpu.memref_squeeze %dma_wait3A_93 : memref<1x4096xf32, #tpu.memory_space<vmem>> -> memref<4096xf32, #tpu.memory_space<vmem>>
          %dma_wait3A_95 = tpu.memref_slice %arg4[%add3A, %mul3A_79] : memref<845x16384xf32, #tpu.memory_space<hbm>> -> memref<1x4096xf32, #tpu.memory_space<hbm>>
          %dma_wait3A_96 = tpu.memref_squeeze %dma_wait3A_95 : memref<1x4096xf32, #tpu.memory_space<hbm>> -> memref<4096xf32, #tpu.memory_space<hbm>>
          %dma_wait3A_97 = tpu.memref_slice %arg4[%add3A, %mul3A_79] : memref<845x16384xf32, #tpu.memory_space<hbm>> -> memref<1x4096xf32, #tpu.memory_space<hbm>>
          %dma_wait3A_98 = tpu.memref_squeeze %dma_wait3A_97 : memref<1x4096xf32, #tpu.memory_space<hbm>> -> memref<4096xf32, #tpu.memory_space<hbm>>
          %dma_wait3A_99 = arith.constant 0 : i32
          %dma_wait3A_100 = tpu.memref_slice %arg7[%run_scoped3A_80, %dma_wait3A_99] : memref<2x4096xf32, #tpu.memory_space<vmem>> -> memref<1x4096xf32, #tpu.memory_space<vmem>>
          %dma_wait3A_101 = tpu.memref_squeeze %dma_wait3A_100 : memref<1x4096xf32, #tpu.memory_space<vmem>> -> memref<4096xf32, #tpu.memory_space<vmem>>
          tpu.wait_dma2 semaphore(%run_scoped3A_81 : memref<!tpu.dma_semaphore, #tpu.memory_space<semaphore_mem>>) src(%dma_wait3A_101 : memref<4096xf32, #tpu.memory_space<vmem>>) dst(%dma_wait3A_98 : memref<4096xf32, #tpu.memory_space<hbm>>)
          tpu.yield
        }) : () -> ()
      }
      %scan3A_74 = arith.constant 4 : i32
    } else {
    }
    return
  }
}

</mosaic_0001>

<sc_bundles>
// kernel: kernel.3.cloned.1.call-start
scs
__scs_entry_jumppad:
0x0: {  	(pc) =	sbr.rel $0x88, $3  }
0x1: {  	(tag) =	ssettag $0x0;
	lr =	simm.s32 $0x1  }
0x2: {  	[smem:$0x3F9F] =	sst lr;
	_ =	strace $0xD0000000  }
0x3: {  	_ = 	snop  }
0x4: {  	_ = 	snop  }
0x5: {  	_ = 	snop  }
0x6: {  	_ = 	snop  }
0x7: {  	_ = 	snop  }
__scs_overlays_trampoline_lowered:
0x8: {  	[smem:$0x3FAE] =	sst s0  }
0x9: {  	[smem:$0x3FAF] =	sst s1  }
0xa: {  	[smem:$0x3FB0] =	sst s2  }
0xb: {  	[smem:$0x3FB1] =	sst s3  }
0xc: {  	[smem:$0x3FB2] =	sst s4  }
0xd: {  	[smem:$0x3FB3] =	sst s5  }
0xe: {  	[smem:$0x3FB4] =	sst s6  }
0xf: {  	[smem:$0x3FB5] =	sst s7  }
0x10: {  	[smem:$0x3FB6] =	sst s8  }
0x11: {  	[smem:$0x3FB7] =	sst s9;
	s0 =	simm.s32 @!p0 $0x0  }
0x12: {  	s1 =	sld [smem:$0x3F9D];
	s0 =	simm.s32 @p0 $0x1  }
0x13: {  	[smem:$0x3FB8] =	sst s0;
	s0 =	simm.s32 @!p1 $0x0  }
0x14: {  	s2 =	sld [smem:$0x3F9C];
	s0 =	simm.s32 @p1 $0x1  }
0x15: {  	[smem:$0x3FB9] =	sst s0;
	s0 =	simm.s32 @!p2 $0x0  }
0x16: {  	s3 =	sld [smem:$0x3FDB];
	s0 =	simm.s32 @p2 $0x1  }
0x17: {  	s4 =	simm.s32 $0x1BF5;
	[smem:$0x3FBB] =	sst s0  }
0x18: {  	s0 =	sld [smem:$0x3F9E];
	_ =	swait.ge [sflag:s4], $0x0  }
0x19: {  	s7 =	sld [smem:$0x3F9F]  }
0x1a: {  	s8 =	sadd.s32 $0xFFFFE003, lr  }
0x1b: {  	s9 =	sadd.s32 $0xFFFFFEF7, lr;
	s5 =	simm.s32 $0xFFFFFFFF;
	p2 =	slt.u32 s8, $0xFFFFF086  }
0x1c: {  	p1 =	slt.u32 s9, $0xF7A;
	s5 =	simm.s32 @!p2 $0x0  }
0x1d: {  	s5 =	simm.s32 @p1 $0x1;
	p0 =	seq.s32 s7, s2  }
0x1e: {  	s7 =	smul.u32 @!p0 $0xF7A, s2;
	p2 =	seq.s32 @!p0 s5, $0x0  }
0x1f: {  	s9 =	smul.u32 $0xF7A, s1;
	s8 =	simm.s32 @!p0 $0x1BF5;
	p2 =	por !p2, p0  }
0x20: {  	[sflag:s8] =	ssyncset.s32 @!p0 $0xFFFFF086;
	s6 =	sadd.s32 @!p0 s3, s7;
	s7 =	simm.s32 @!p0 $0x108  }
0x21: {  	s3 =	sadd.s32 s3, s9;
	s6 =	sadd.s32 @!p0 $0x88, s6;
	s7 =	simm.s32 @p2 $0x1082  }
0x22: {  	[simem:s7], [sflag:s8] =	dma.local @!p0 [hbm:s6], $0xF7A  }
0x23: {  	s9 =	sor.u32 $0xD0000000, s2;
	s6 =	simm.s32 $0x108;
	_ =	swait.ge @!p0 [sflag:s8], $0x0  }
0x24: {  	s3 =	sadd.s32 $0x88, s3;
	s6 =	simm.s32 @!p1 $0x1082;
	[sflag:s4] =	ssyncset.s32 $0xFFFFF086  }
0x25: {  	[simem:s6], [sflag:s4] =	dma.local [hbm:s3], $0xF7A  }
0x26: {  	[smem:$0x3F9F] =	sst s1;
	(tag) =	ssettag s2;
	_ =	strace s9  }
0x27: {  	s1 =	sld [smem:$0x3FAF]  }
0x28: {  	s2 =	sld [smem:$0x3FB0]  }
0x29: {  	s4 =	sld [smem:$0x3FB2]  }
0x2a: {  	p0 =	seq.s32 s5, $0x0;
	s5 =	sld [smem:$0x3FB3]  }
0x2b: {  	s6 =	sld [smem:$0x3FB4]  }
0x2c: {  	s7 =	sld [smem:$0x3FB5]  }
0x2d: {  	s3 =	simm.s32 $0x108;
	s8 =	sld [smem:$0x3FB6]  }
0x2e: {  	s3 =	simm.s32 @!p0 $0x1082;
	s9 =	sld [smem:$0x3FB7]  }
0x2f: {  	lr =	sadd.s32 s0, s3;
	s0 =	sld [smem:$0x3FAE]  }
0x30: {  	s3 =	sld [smem:$0x3FB1]  }
0x31: {  	[smem:$0x3FBA] =	sst s10  }
0x32: {  	s10 =	sld [smem:$0x3FB8];
	_ =	sdelay $0x3  }
0x33: {  	p0 =	seq.s32 s10, $0x1;
	s10 =	sld [smem:$0x3FBA];
	_ =	sdelay $0x3  }
0x34: {  	[smem:$0x3FBA] =	sst s10  }
0x35: {  	s10 =	sld [smem:$0x3FB9];
	_ =	sdelay $0x3  }
0x36: {  	p1 =	seq.s32 s10, $0x1;
	s10 =	sld [smem:$0x3FBA];
	_ =	sdelay $0x3  }
0x37: {  	[smem:$0x3FBA] =	sst s10  }
0x38: {  	s10 =	sld [smem:$0x3FBB]  }
0x39: {  	_ = 	snop;
	(pc) =	sbr.ind lr, $3  }
0x3a: {  	_ = 	snop  }
0x3b: {  	_ = 	snop  }
0x3c: {  	p2 =	seq.s32 s10, $0x1;
	s10 =	sld [smem:$0x3FBA]  }
0x3d: {  	_ =	shalt  }
0x3e: {  	_ =	shalt  }
0x3f: {  	_ =	shalt  }
0x40: {  	_ =	shalt  }
0x41: {  	_ =	shalt  }
0x42: {  	_ =	shalt  }
0x43: {  	_ =	shalt  }
0x44: {  	_ =	shalt  }
0x45: {  	_ =	shalt  }
0x46: {  	_ =	shalt  }
0x47: {  	_ =	shalt  }
0x48: {  	_ =	shalt  }
0x49: {  	_ =	shalt  }
0x4a: {  	_ =	shalt  }
0x4b: {  	_ =	shalt  }
0x4c: {  	_ =	shalt  }
0x4d: {  	_ =	shalt  }
0x4e: {  	_ =	shalt  }
0x4f: {  	_ =	shalt  }
0x50: {  	_ =	shalt  }
0x51: {  	_ =	shalt  }
0x52: {  	_ =	shalt  }
0x53: {  	_ =	shalt  }
0x54: {  	_ =	shalt  }
0x55: {  	_ =	shalt  }
0x56: {  	_ =	shalt  }
0x57: {  	_ =	shalt  }
0x58: {  	_ =	shalt  }
0x59: {  	_ =	shalt  }
0x5a: {  	_ =	shalt  }
0x5b: {  	_ =	shalt  }
0x5c: {  	_ =	shalt  }
0x5d: {  	_ =	shalt  }
0x5e: {  	_ =	shalt  }
0x5f: {  	_ =	shalt  }
0x60: {  	_ =	shalt  }
0x61: {  	_ =	shalt  }
0x62: {  	_ =	shalt  }
0x63: {  	_ =	shalt  }
0x64: {  	_ =	shalt  }
0x65: {  	_ =	shalt  }
0x66: {  	_ =	shalt  }
0x67: {  	_ =	shalt  }
0x68: {  	_ =	shalt  }
0x69: {  	_ =	shalt  }
0x6a: {  	_ =	shalt  }
0x6b: {  	_ =	shalt  }
0x6c: {  	_ =	shalt  }
0x6d: {  	_ =	shalt  }
0x6e: {  	_ =	shalt  }
0x6f: {  	_ =	shalt  }
0x70: {  	_ =	shalt  }
0x71: {  	_ =	shalt  }
0x72: {  	_ =	shalt  }
0x73: {  	_ =	shalt  }
0x74: {  	_ =	shalt  }
0x75: {  	_ =	shalt  }
0x76: {  	_ =	shalt  }
0x77: {  	_ =	shalt  }
0x78: {  	_ =	shalt  }
0x79: {  	_ =	shalt  }
0x7a: {  	_ =	shalt  }
0x7b: {  	_ =	shalt  }
0x7c: {  	_ =	shalt  }
0x7d: {  	_ =	shalt  }
0x7e: {  	_ =	shalt  }
0x7f: {  	_ =	shalt  }
0x80: {  	_ =	shalt  }
0x81: {  	_ =	shalt  }
0x82: {  	_ =	shalt  }
0x83: {  	_ =	shalt  }
0x84: {  	_ =	shalt  }
0x85: {  	_ =	shalt  }
0x86: {  	_ =	shalt  }
0x87: {  	_ =	shalt  }
.Lfunc_end0:
.L_simem_size_0:
called_computation_lowered:
.L_overlay_start_0:
0x88: {  	s2 =	sld [smem:$0x3FD9]  }
0x89: {  	s3 =	sld [smem:$0x3FFE];
	_ =	sdelay $0x1  }
0x8a: {  	s1 =	srdreg.scid  }
0x8b: {  	s0 =	sand.u32 $0x1, s1  }
0x8c: {  	s18 =	sshll.u32 s0, $0xA;
	s2 =	sadd.s32 s3, s2  }
0x8d: {  	s2 =	sadd.s32 s2, s18  }
0x8e: {  	[smem:$0x3FC6] =	sst s2  }
0x8f: {  	_ = 	snop  }
0x90: {  	s2 =	sld [smem:$0x3FC9]  }
0x91: {  	s19 =	sld [smem:$0x3FC8]  }
0x92: {  	s4 =	sld [smem:$0x3FD0];
	(tm) =	ssettm $0x1  }
0x93: {  	s5 =	sld [smem:$0x3FFB];
	_ =	sdelay $0x3  }
0x94: {  	_ =	strace s5  }
0x95: {  	s5 =	sld [smem:$0x3FFC];
	_ =	sdelay $0x3  }
0x96: {  	_ =	strace s5  }
0x97: {  	s5 =	sld [smem:$0x3FFD];
	_ =	sdelay $0x3  }
0x98: {  	_ =	strace s5  }
0x99: {  	_ =	strace $0x8FFFFFFF  }
0x9a: {  	s20 =	sld [smem:$0x3FDB];
	_ =	sdelay $0x1  }
0x9b: {  	s6 =	simm.s32 $_scs_section_size  }
0x9c: {  	s7 =	simm.s32 $_size__tile_overlayer_lowered;
	s8 =	simm.s32 $_tile_overlayer_lowered  }
0x9d: {  	s23 =	simm.s32 $0x1BFF;
	s22 =	sshll.u32 s8, $0x1;
	s5 =	sadd.s32 s6, s20  }
0x9e: {  	s9 =	simm.s32 $0x0;
	s21 =	sshll.u32 s7, $0x1;
	s7 =	sadd.s32 s22, s5  }
0x9f: {  	[timem:s9], [sflag:s23] =	dma.local [hbm:s7], s21  }
0xa0: {  	_ =	swait.ge [sflag:s23], s21  }
0xa1: {  	s6 =	ssub.s32 $0x0, s21;
	[sflag:s23] =	ssyncset.done $0x0  }
0xa2: {  	[sflag:s23] =	ssyncadd.s32 s6;
	_ =	sdelay $0x1  }
0xa3: {  	s24 =	simm.s32 $0x1B8B  }
0xa4: {  	_ =	swait.ge [sflag:s24], $0x1  }
0xa5: {  	[sflag:s24] =	ssyncset.done $0x0  }
0xa6: {  	s25 =	simm.s32 $0x1B8E;
	[sflag:s24] =	ssyncadd.s32 $0xFFFFFFFF  }
0xa7: {  	s26 =	simm.s32 $execute0_lowered;
	[smem:$0x3FD2] =	sst s25  }
0xa8: {  	s6 =	sshll.u32 s26, $0x1;
	_ =	strace $0x80000046;
	[dreg:$0x1] =	wrdreg $0xFFFFFFFF  }
0xa9: {  	s28 =	simm.s32 $_size_execute0_lowered;
	s5 =	sadd.s32 s5, s6;
	[dreg:$0x0] =	wrdreg $0x0  }
0xaa: {  	s6 =	sshll.u32 s28, $0x1;
	[dreg:$0x2] =	wrdreg s5  }
0xab: {  	[dreg:$0x3] =	wrdreg s6  }
0xac: {  	[dreg:$0x4] =	wrdreg $0xC0  }
0xad: {  	_ =	task [dreg:s9], $0x5FFFF  }
0xae: {  	[dreg:$0x1] =	wrdreg $0xFFFFFFFF  }
0xaf: {  	[dreg:$0x0] =	wrdreg $0x60  }
0xb0: {  	[dreg:$0x2] =	wrdreg s2  }
0xb1: {  	[dreg:$0x3] =	wrdreg s19  }
0xb2: {  	[dreg:$0x4] =	wrdreg s4  }
0xb3: {  	[dreg:$0x5] =	wrdreg $0x9  }
0xb4: {  	_ =	task.clear_ibuf [dreg:s9], $0x6FFFF;
	_ =	strace $0x90000046  }
0xb5: {  	s29 =	simm.s32 $0x9;
	_ =	strace $0x80000048  }
0xb6: {  	_ =	swait.ge [sflag:s29], $0x1  }
0xb7: {  	[sflag:s29] =	ssyncadd.s32 $0xFFFFFFFF  }
0xb8: {  	_ =	strace $0x90000048  }
0xb9: {  	_ =	sfence  }
0xba: {  	s30 =	sld [smem:$0x0];
	_ =	sdelay $0x2  }
0xbb: {  	s31 =	sshll.u32 s1, $0xD;
	s1 =	sshrl.u32 s1, $0x2  }
0xbc: {  	s3 =	sand.u32 $0x4000, s31;
	s1 =	sadd.s32 s1, s30  }
0xbd: {  	s0 =	sor.u32 s3, s0;
	s1 =	sshll.u32 s1, $0x11  }
0xbe: {  	s0 =	sor.u32 s1, s0  }
0xbf: {  	s0 =	sadd.s32 $0x8F2B, s0  }
0xc0: {  	[sflag:s0] =	ssyncadd.remote.s32 $0x1  }
0xc1: {  	_ =	sfence.sel $0xFFFF  }
0xc2: {  	[dreg:$0x0] =	wrdreg $0xFFFFFFFF;
	(pc) =	sbr.abs _section_cstart, $3  }
0xc3: {  	[dreg:$0x1] =	wrdreg $0xFFFFFFFF  }
0xc4: {  	_ =	task.clear_ibuf [dreg:s9], $0x2FFFF;
	_ =	strace $0x9FFFFFFF  }
0xc5: {  	(tm) =	ssettm $0x7FFFFFFF  }
tec
execute0_lowered:
.L_overlay_start_1:
0x0: {  	(tag) =	ssettag $0x1  }
0x1: {  	s1 =	rddreg [dreg:$0x0];
	s0 =	srdreg.scid  }
0x2: {  	s5 =	stileid.u32;
	s3 =	rddreg [dreg:$0x1]  }
0x3: {  	s4 =	rddreg [dreg:$0x2];
	s19 =	simm.s32 $0x80;
	s20 =	simm.s32 $0x400  }
0x4: {  	s21 =	simm.s32 $0x1;
	s22 =	simm.s32 $0x2;
	s23 =	simm.s32 $0x3  }
0x5: {  	s24 =	simm.s32 $0x4;
	s25 =	simm.s32 $0x0;
	s0 =	sand.u32 $0x1, s0  }
0x6: {  	s2 =	sshll.u32 s5, $0x1;
	s7 =	sshrl.u32 s5, $0x2;
	s5 =	simm.s32 $0x0  }
0x7: {  	s9 =	sadd.s32 $0x5050, s1;
	s11 =	sadd.s32 $0x2000, s1;
	s12 =	sadd.s32 $0x3000, s1  }
0x8: {  	s13 =	sadd.s32 $0x1000, s4;
	s14 =	sadd.s32 $0x2000, s4;
	s15 =	sadd.s32 $0x1000, s1  }
0x9: {  	s16 =	sadd.s32 $0x3000, s4;
	s2 =	sor.u32 s0, s2;
	s6 =	smul.u32 $0xC3800, s7  }
0xa: {  	s0 =	ssub.s32 $0x2, s0;
	[smem:$0x7FF] =	sst s5;
	s8 =	sshll.u32 s2, $0x7  }
.Ltmp0:
0xb: {  	s7 =	sshll.u32 s7, $0x11;
	s17 =	sand.u32 $0x380, s8;
	(pc) =	sbr.rel .LBB2_1-.Ltmp0, $4  }
0xc: {  	s30 =	sshrl.u32 s0, $0x1;
	_ =	strace $0x80000047;
	s6 =	sor.u32 s6, s17  }
0xd: {  	s10 =	sadd.s32 $0xD, s2;
	p0 =	sgt.u32 s2, $0xC;
	s31 =	sshrl.u32 s6, $0x3  }
0xe: {  	s0 =	ssub.s32 s0, s30;
	s17 =	sor.u32 s17, s7;
	s8 =	sadd.s32 s3, s31  }
0xf: {  	s18 =	smax.u32 s0, $0x1;
	[dreg:$0x4] =	wrdreg s8;
	s8 =	sadd.s32 $0x4050, s1  }
.LBB2_43:
0x10: {  	s25 =	sadd.s32 $0x1, s25  }
0x11: {  	p1 =	sne.s32 s25, s18  }
.Ltmp1:
0x12: {  	_ = 	snop;
	(pc) =	sbr.rel @!p1 .LBB2_44-.Ltmp1, $1  }
0x13: {  	_ =	sdelay $0x3  }
.LBB2_1:
0x14: {  	s0 =	rddreg [dreg:$0x4];
	s2 =	simm.s32 $0x80  }
0x15: {  	[tilespmem:s5], [sflag:$0x1] =	stream.strided.gather [hbm4b:s0+s19], $0x18700, s20, s19, $0x38;
	[tilespmem:$0x1C700] =	vst v63  }
0x16: {  	s28 =	sadd.s32 $0x0, s8;
	s26 =	simm.s32 $0x18800;
	s0 =	simm.s32 $0x18700  }
.LBB2_2:
0x17: {  	[tilespmem:s0], [sflag:$0x2] =	stream.linear.gather [hbm4b:s28+s5], $0x80, $0x38;
	[tilespmem:$0x1C700] =	vst v63  }
0x18: {  	s7 =	smov.u32 s2;
	s0 =	smov.u32 s26;
	p1 =	sne.s32 s2, $0xF80  }
.Ltmp2:
0x19: {  	s2 =	sadd.s32 $0x80, s2;
	(pc) =	sbr.rel @p1 .LBB2_2-.Ltmp2, $2  }
0x1a: {  	_ =	sdelay $0x2  }
0x1b: {  	s26 =	sadd.s32 $0x100, s26;
	s28 =	sadd.s32 s7, s8  }
0x1c: {  	[tilespmem:s0], [sflag:$0x2] =	stream.linear.gather [hbm4b:s28+s5], $0x80, $0x38;
	[tilespmem:$0x1C700] =	vst v63  }
0x1d: {  	s29 =	simm.s32 $0x0;
	s0 =	simm.s32 $0x18780  }
0x1e: {  	s2 =	simm.s32 $0x80;
	s28 =	sadd.s32 $0x0, s9;
	s26 =	simm.s32 $0x18880  }
.LBB2_4:
0x1f: {  	[tilespmem:s0], [sflag:$0x2] =	stream.linear.gather [hbm4b:s28+s29], $0x80, $0x38;
	[tilespmem:$0x1C700] =	vst v63  }
0x20: {  	s7 =	smov.u32 s2;
	s0 =	smov.u32 s26;
	p1 =	seq.s32 s2, $0xF80  }
.Ltmp3:
0x21: {  	s2 =	sadd.s32 $0x80, s2;
	(pc) =	sbr.rel @!p1 .LBB2_4-.Ltmp3, $2  }
0x22: {  	_ =	sdelay $0x2  }
0x23: {  	s26 =	sadd.s32 $0x100, s26;
	s28 =	sadd.s32 s7, s9  }
0x24: {  	[tilespmem:s0], [sflag:$0x2] =	stream.linear.gather [hbm4b:s28+s29], $0x80, $0x38;
	[tilespmem:$0x1C700] =	vst v63  }
.LBB2_7:
0x25: {  	_ =	swait.ge [sflag:s21], $0x18700  }
0x26: {  	[sflag:s21] =	ssyncset.done $0x0  }
0x27: {  	[sflag:s21] =	ssyncadd.s32 $0xFFFE7900  }
0x28: {  	_ =	swait.ge [sflag:s22], $0x1000  }
0x29: {  	p1 =	seq.s32 s29, $0x0;
	[sflag:s22] =	ssyncset.done $0x0  }
0x2a: {  	s0 =	simm.s32 @!p1 $0x3;
	[sflag:s22] =	ssyncadd.s32 $0xFFFFF000  }
0x2b: {  	_ =	swait.ge @!p1 [sflag:s0], $0x1000  }
0x2c: {  	[sflag:s0] =	ssyncset.done @!p1 $0x0  }
0x2d: {  	s26 =	smov.u32 s29;
	s29 =	simm.s32 $0x0;
	[sflag:s0] =	ssyncadd.s32 @!p1 $0xFFFFF000  }
0x2e: {  	v0 =	vld [tilespmem:s29+$0x18700];
	_ =	sdelay $0x4  }
0x2f: {  	v0 =	vtrunc.f32 v0  }
0x30: {  	v1 =	vld [tilespmem:s29+$0x18710];
	v0 =	vcvt.f32.s32 v0;
	_ =	sdelay $0x4  }
0x31: {  	v1 =	vtrunc.f32 v1  }
0x32: {  	v1 =	vcvt.f32.s32 v1;
	v0 =	vld.idx.msk [tilespmem:v0+s5+$0x0], $0xffff  }
0x33: {  	v2 =	vld [tilespmem:s29+$0x18720];
	_ =	sdelay $0x3  }
0x34: {  	[tilespmem:s29+$0x1A700] =	vst v0  }
0x35: {  	v0 =	vld.idx.msk [tilespmem:v1+s5+$0x0], $0xffff;
	v1 =	vtrunc.f32 v2  }
0x36: {  	v2 =	vld [tilespmem:s29+$0x18730];
	v1 =	vcvt.f32.s32 v1;
	_ =	sdelay $0x4  }
0x37: {  	[tilespmem:s29+$0x1A710] =	vst v0;
	v0 =	vtrunc.f32 v2;
	v2 =	vld [tilespmem:s29+$0x18740]  }
0x38: {  	v0 =	vcvt.f32.s32 v0;
	v1 =	vld.idx.msk [tilespmem:v1+s5+$0x0], $0xffff;
	_ =	sdelay $0x4  }
0x39: {  	[tilespmem:s29+$0x1A720] =	vst v1;
	v1 =	vtrunc.f32 v2;
	v2 =	vld [tilespmem:s29+$0x18750]  }
0x3a: {  	v0 =	vld.idx.msk [tilespmem:v0+s5+$0x0], $0xffff;
	v1 =	vcvt.f32.s32 v1;
	_ =	sdelay $0x4  }
0x3b: {  	[tilespmem:s29+$0x1A730] =	vst v0;
	v0 =	vtrunc.f32 v2;
	v2 =	vld [tilespmem:s29+$0x18760]  }
0x3c: {  	v1 =	vld.idx.msk [tilespmem:v1+s5+$0x0], $0xffff;
	v0 =	vcvt.f32.s32 v0;
	_ =	sdelay $0x4  }
0x3d: {  	[tilespmem:s29+$0x1A740] =	vst v1;
	v1 =	vtrunc.f32 v2;
	v2 =	vld [tilespmem:s29+$0x18770]  }
0x3e: {  	v0 =	vld.idx.msk [tilespmem:v0+s5+$0x0], $0xffff;
	v1 =	vcvt.f32.s32 v1;
	_ =	sdelay $0x4  }
0x3f: {  	[tilespmem:s29+$0x1A750] =	vst v0;
	v0 =	vtrunc.f32 v2;
	v2 =	vld [tilespmem:s29+$0x18800]  }
0x40: {  	v1 =	vld.idx.msk [tilespmem:v1+s5+$0x0], $0xffff;
	v0 =	vcvt.f32.s32 v0;
	_ =	sdelay $0x4  }
0x41: {  	[tilespmem:s29+$0x1A760] =	vst v1;
	v1 =	vtrunc.f32 v2;
	v2 =	vld [tilespmem:s29+$0x18810]  }
0x42: {  	v0 =	vld.idx.msk [tilespmem:v0+s5+$0x0], $0xffff;
	v1 =	vcvt.f32.s32 v1;
	_ =	sdelay $0x4  }
0x43: {  	[tilespmem:s29+$0x1A770] =	vst v0;
	v0 =	vtrunc.f32 v2;
	v2 =	vld [tilespmem:s29+$0x18820]  }
0x44: {  	v1 =	vld.idx.msk [tilespmem:v1+s5+$0x0], $0xffff;
	v0 =	vcvt.f32.s32 v0;
	_ =	sdelay $0x4  }
0x45: {  	[tilespmem:s29+$0x1A800] =	vst v1;
	v1 =	vtrunc.f32 v2;
	v2 =	vld [tilespmem:s29+$0x18830]  }
0x46: {  	v0 =	vld.idx.msk [tilespmem:v0+s5+$0x0], $0xffff;
	v1 =	vcvt.f32.s32 v1;
	_ =	sdelay $0x4  }
0x47: {  	[tilespmem:s29+$0x1A810] =	vst v0;
	v0 =	vtrunc.f32 v2;
	v2 =	vld [tilespmem:s29+$0x18840]  }
0x48: {  	v1 =	vld.idx.msk [tilespmem:v1+s5+$0x0], $0xffff;
	v0 =	vcvt.f32.s32 v0;
	_ =	sdelay $0x4  }
0x49: {  	[tilespmem:s29+$0x1A820] =	vst v1;
	v1 =	vtrunc.f32 v2;
	v2 =	vld [tilespmem:s29+$0x18850]  }
0x4a: {  	v0 =	vld.idx.msk [tilespmem:v0+s5+$0x0], $0xffff;
	v1 =	vcvt.f32.s32 v1;
	_ =	sdelay $0x4  }
0x4b: {  	[tilespmem:s29+$0x1A830] =	vst v0;
	v0 =	vtrunc.f32 v2;
	v2 =	vld [tilespmem:s29+$0x18860]  }
0x4c: {  	v1 =	vld.idx.msk [tilespmem:v1+s5+$0x0], $0xffff;
	v0 =	vcvt.f32.s32 v0;
	_ =	sdelay $0x4  }
0x4d: {  	[tilespmem:s29+$0x1A840] =	vst v1;
	v1 =	vtrunc.f32 v2;
	v2 =	vld [tilespmem:s29+$0x18870]  }
0x4e: {  	v0 =	vld.idx.msk [tilespmem:v0+s5+$0x0], $0xffff;
	v1 =	vcvt.f32.s32 v1;
	_ =	sdelay $0x2  }
0x4f: {  	s2 =	sshll.u32 s26, $0x5  }
0x50: {  	s28 =	sadd.s32 s2, s10;
	s0 =	sadd.s32 $0xD, s26  }
0x51: {  	s2 =	simm.s32 $0x1000;
	s7 =	sshll.u32 s0, $0xB;
	s0 =	sshll.u32 s0, $0x4;
	v2 =	vtrunc.f32 v2;
	[tilespmem:s29+$0x1A850] =	vst v0  }
0x52: {  	s30 =	sand.u32 $0x1C000, s7;
	s31 =	sand.u32 $0x70, s0;
	s0 =	simm.s32 $0x200;
	v0 =	vld.idx.msk [tilespmem:v1+s5+$0x0], $0xffff;
	v1 =	vcvt.f32.s32 v2  }
.LBB2_8:
0x53: {  	p2 =	sne.s32 s2, $0x7800;
	v2 =	vld [tilespmem:s0+$0x18700];
	_ =	sdelay $0x3  }
0x54: {  	[tilespmem:s29+$0x1A860] =	vst v0  }
0x55: {  	v0 =	vtrunc.f32 v2;
	v1 =	vld.idx.msk [tilespmem:v1+s5+$0x0], $0xffff  }
0x56: {  	v0 =	vcvt.f32.s32 v0  }
0x57: {  	v2 =	vld [tilespmem:s0+$0x18710];
	_ =	sdelay $0x3  }
0x58: {  	[tilespmem:s29+$0x1A870] =	vst v1;
	s29 =	smov.u32 s0  }
0x59: {  	v0 =	vld.idx.msk [tilespmem:v0+s5+$0x0], $0xffff;
	v1 =	vtrunc.f32 v2  }
0x5a: {  	v1 =	vcvt.f32.s32 v1  }
0x5b: {  	v2 =	vld [tilespmem:s29+$0x18720];
	_ =	sdelay $0x3  }
0x5c: {  	[tilespmem:s29+$0x1A700] =	vst v0  }
0x5d: {  	v0 =	vld.idx.msk [tilespmem:v1+s5+$0x0], $0xffff;
	v1 =	vtrunc.f32 v2  }
0x5e: {  	v1 =	vcvt.f32.s32 v1  }
0x5f: {  	v2 =	vld [tilespmem:s29+$0x18730];
	_ =	sdelay $0x3  }
0x60: {  	[tilespmem:s29+$0x1A710] =	vst v0  }
0x61: {  	v0 =	vld.idx.msk [tilespmem:v1+s5+$0x0], $0xffff;
	v1 =	vtrunc.f32 v2  }
0x62: {  	v1 =	vcvt.f32.s32 v1  }
0x63: {  	v2 =	vld [tilespmem:s29+$0x18740];
	_ =	sdelay $0x3  }
0x64: {  	[tilespmem:s29+$0x1A720] =	vst v0  }
0x65: {  	v0 =	vld.idx.msk [tilespmem:v1+s5+$0x0], $0xffff;
	v1 =	vtrunc.f32 v2  }
0x66: {  	v1 =	vcvt.f32.s32 v1  }
0x67: {  	v2 =	vld [tilespmem:s29+$0x18750];
	_ =	sdelay $0x3  }
0x68: {  	[tilespmem:s29+$0x1A730] =	vst v0  }
0x69: {  	v0 =	vld.idx.msk [tilespmem:v1+s5+$0x0], $0xffff;
	v1 =	vtrunc.f32 v2  }
0x6a: {  	v1 =	vcvt.f32.s32 v1  }
0x6b: {  	v2 =	vld [tilespmem:s29+$0x18760];
	_ =	sdelay $0x3  }
0x6c: {  	[tilespmem:s29+$0x1A740] =	vst v0  }
0x6d: {  	v0 =	vld.idx.msk [tilespmem:v1+s5+$0x0], $0xffff;
	v1 =	vtrunc.f32 v2  }
0x6e: {  	v1 =	vcvt.f32.s32 v1  }
0x6f: {  	v2 =	vld [tilespmem:s29+$0x18770];
	_ =	sdelay $0x3  }
0x70: {  	[tilespmem:s29+$0x1A750] =	vst v0  }
0x71: {  	v0 =	vld.idx.msk [tilespmem:v1+s5+$0x0], $0xffff;
	v1 =	vtrunc.f32 v2  }
0x72: {  	v1 =	vcvt.f32.s32 v1  }
0x73: {  	v2 =	vld [tilespmem:s29+$0x18800];
	_ =	sdelay $0x3  }
0x74: {  	[tilespmem:s29+$0x1A760] =	vst v0  }
0x75: {  	v0 =	vld.idx.msk [tilespmem:v1+s5+$0x0], $0xffff;
	v1 =	vtrunc.f32 v2  }
0x76: {  	v1 =	vcvt.f32.s32 v1  }
0x77: {  	v2 =	vld [tilespmem:s29+$0x18810];
	_ =	sdelay $0x3  }
0x78: {  	[tilespmem:s29+$0x1A770] =	vst v0  }
0x79: {  	v0 =	vld.idx.msk [tilespmem:v1+s5+$0x0], $0xffff;
	v1 =	vtrunc.f32 v2  }
0x7a: {  	v1 =	vcvt.f32.s32 v1  }
0x7b: {  	v2 =	vld [tilespmem:s29+$0x18820];
	_ =	sdelay $0x3  }
0x7c: {  	[tilespmem:s29+$0x1A800] =	vst v0  }
0x7d: {  	v0 =	vld.idx.msk [tilespmem:v1+s5+$0x0], $0xffff;
	v1 =	vtrunc.f32 v2  }
0x7e: {  	v1 =	vcvt.f32.s32 v1  }
0x7f: {  	v2 =	vld [tilespmem:s29+$0x18830];
	_ =	sdelay $0x3  }
0x80: {  	[tilespmem:s29+$0x1A810] =	vst v0  }
0x81: {  	v0 =	vld.idx.msk [tilespmem:v1+s5+$0x0], $0xffff;
	v1 =	vtrunc.f32 v2  }
0x82: {  	v1 =	vcvt.f32.s32 v1  }
0x83: {  	v2 =	vld [tilespmem:s29+$0x18840];
	_ =	sdelay $0x3  }
0x84: {  	[tilespmem:s29+$0x1A820] =	vst v0  }
0x85: {  	v0 =	vld.idx.msk [tilespmem:v1+s5+$0x0], $0xffff;
	v1 =	vtrunc.f32 v2  }
0x86: {  	v1 =	vcvt.f32.s32 v1  }
0x87: {  	v2 =	vld [tilespmem:s29+$0x18850];
	_ =	sdelay $0x3  }
0x88: {  	[tilespmem:s29+$0x1A830] =	vst v0  }
0x89: {  	v0 =	vld.idx.msk [tilespmem:v1+s5+$0x0], $0xffff;
	v1 =	vtrunc.f32 v2  }
0x8a: {  	v1 =	vcvt.f32.s32 v1  }
0x8b: {  	v2 =	vld [tilespmem:s29+$0x18860];
	_ =	sdelay $0x3  }
0x8c: {  	[tilespmem:s29+$0x1A840] =	vst v0  }
0x8d: {  	v0 =	vld.idx.msk [tilespmem:v1+s5+$0x0], $0xffff;
	v1 =	vtrunc.f32 v2  }
0x8e: {  	v1 =	vcvt.f32.s32 v1  }
0x8f: {  	v2 =	vld [tilespmem:s29+$0x18870];
	_ =	sdelay $0x1  }
.Ltmp4:
0x90: {  	(pc) =	sbr.rel @p2 .LBB2_8-.Ltmp4, $4  }
0x91: {  	_ = 	snop  }
0x92: {  	[tilespmem:s29+$0x1A850] =	vst v0  }
0x93: {  	v0 =	vld.idx.msk [tilespmem:v1+s5+$0x0], $0xffff;
	v1 =	vtrunc.f32 v2  }
0x94: {  	s0 =	sshra.s32 s2, $0x2;
	s2 =	sadd.s32 $0x800, s2;
	v1 =	vcvt.f32.s32 v1  }
0x95: {  	v2 =	vld [tilespmem:s0+$0x18700];
	_ =	sdelay $0x3  }
0x96: {  	[tilespmem:s29+$0x1A860] =	vst v0  }
0x97: {  	v1 =	vld.idx.msk [tilespmem:v1+s5+$0x0], $0xffff;
	v33 =	vtrunc.f32 v2  }
0x98: {  	v34 =	vld [tilespmem:s0+$0x18710];
	v0 =	vcvt.f32.s32 v33;
	_ =	sdelay $0x3  }
0x99: {  	[tilespmem:s29+$0x1A870] =	vst v1  }
0x9a: {  	v35 =	vtrunc.f32 v34;
	v36 =	vld [tilespmem:s0+$0x18720]  }
0x9b: {  	v1 =	vcvt.f32.s32 v35;
	v0 =	vld.idx.msk [tilespmem:v0+s5+$0x0], $0xffff;
	_ =	sdelay $0x4  }
0x9c: {  	v38 =	vld [tilespmem:s0+$0x18730];
	v37 =	vtrunc.f32 v36;
	[tilespmem:s0+$0x1A700] =	vst v0  }
0x9d: {  	v0 =	vld.idx.msk [tilespmem:v1+s5+$0x0], $0xffff;
	v1 =	vcvt.f32.s32 v37;
	_ =	sdelay $0x4  }
0x9e: {  	v40 =	vld [tilespmem:s0+$0x18740];
	v39 =	vtrunc.f32 v38;
	[tilespmem:s0+$0x1A710] =	vst v0  }
0x9f: {  	v0 =	vcvt.f32.s32 v39;
	v1 =	vld.idx.msk [tilespmem:v1+s5+$0x0], $0xffff;
	_ =	sdelay $0x4  }
0xa0: {  	v42 =	vld [tilespmem:s0+$0x18750];
	v41 =	vtrunc.f32 v40;
	[tilespmem:s0+$0x1A720] =	vst v1  }
0xa1: {  	v1 =	vcvt.f32.s32 v41;
	v0 =	vld.idx.msk [tilespmem:v0+s5+$0x0], $0xffff;
	_ =	sdelay $0x4  }
0xa2: {  	v44 =	vld [tilespmem:s0+$0x18760];
	v43 =	vtrunc.f32 v42;
	[tilespmem:s0+$0x1A730] =	vst v0  }
0xa3: {  	v0 =	vcvt.f32.s32 v43;
	v1 =	vld.idx.msk [tilespmem:v1+s5+$0x0], $0xffff;
	_ =	sdelay $0x4  }
0xa4: {  	v46 =	vld [tilespmem:s0+$0x18770];
	v45 =	vtrunc.f32 v44;
	[tilespmem:s0+$0x1A740] =	vst v1  }
0xa5: {  	v1 =	vcvt.f32.s32 v45;
	v0 =	vld.idx.msk [tilespmem:v0+s5+$0x0], $0xffff;
	_ =	sdelay $0x4  }
0xa6: {  	v48 =	vld [tilespmem:s0+$0x18800];
	v47 =	vtrunc.f32 v46;
	[tilespmem:s0+$0x1A750] =	vst v0  }
0xa7: {  	v0 =	vcvt.f32.s32 v47;
	v1 =	vld.idx.msk [tilespmem:v1+s5+$0x0], $0xffff;
	_ =	sdelay $0x4  }
0xa8: {  	v50 =	vld [tilespmem:s0+$0x18810];
	v49 =	vtrunc.f32 v48;
	[tilespmem:s0+$0x1A760] =	vst v1  }
0xa9: {  	v1 =	vcvt.f32.s32 v49;
	v0 =	vld.idx.msk [tilespmem:v0+s5+$0x0], $0xffff;
	_ =	sdelay $0x4  }
0xaa: {  	v52 =	vld [tilespmem:s0+$0x18820];
	v51 =	vtrunc.f32 v50;
	[tilespmem:s0+$0x1A770] =	vst v0  }
0xab: {  	v0 =	vcvt.f32.s32 v51;
	v1 =	vld.idx.msk [tilespmem:v1+s5+$0x0], $0xffff;
	_ =	sdelay $0x4  }
0xac: {  	v54 =	vld [tilespmem:s0+$0x18830];
	v53 =	vtrunc.f32 v52;
	[tilespmem:s0+$0x1A800] =	vst v1  }
0xad: {  	v1 =	vcvt.f32.s32 v53;
	v0 =	vld.idx.msk [tilespmem:v0+s5+$0x0], $0xffff;
	_ =	sdelay $0x4  }
0xae: {  	v56 =	vld [tilespmem:s0+$0x18840];
	v55 =	vtrunc.f32 v54;
	[tilespmem:s0+$0x1A810] =	vst v0  }
0xaf: {  	v0 =	vcvt.f32.s32 v55;
	v1 =	vld.idx.msk [tilespmem:v1+s5+$0x0], $0xffff;
	_ =	sdelay $0x4  }
0xb0: {  	v58 =	vld [tilespmem:s0+$0x18850];
	v57 =	vtrunc.f32 v56;
	[tilespmem:s0+$0x1A820] =	vst v1  }
0xb1: {  	v1 =	vcvt.f32.s32 v57;
	v0 =	vld.idx.msk [tilespmem:v0+s5+$0x0], $0xffff;
	_ =	sdelay $0x4  }
0xb2: {  	v60 =	vld [tilespmem:s0+$0x18860];
	v59 =	vtrunc.f32 v58;
	[tilespmem:s0+$0x1A830] =	vst v0  }
0xb3: {  	v0 =	vcvt.f32.s32 v59;
	v1 =	vld.idx.msk [tilespmem:v1+s5+$0x0], $0xffff;
	_ =	sdelay $0x4  }
0xb4: {  	v62 =	vld [tilespmem:s0+$0x18870];
	v61 =	vtrunc.f32 v60;
	[tilespmem:s0+$0x1A840] =	vst v1  }
0xb5: {  	v1 =	vcvt.f32.s32 v61;
	v0 =	vld.idx.msk [tilespmem:v0+s5+$0x0], $0xffff;
	_ =	sdelay $0x4  }
0xb6: {  	v63 =	vtrunc.f32 v62;
	[tilespmem:s0+$0x1A850] =	vst v0  }
0xb7: {  	v0 =	vcvt.f32.s32 v63;
	v1 =	vld.idx.msk [tilespmem:v1+s5+$0x0], $0xffff;
	_ =	sdelay $0x4  }
0xb8: {  	[tilespmem:s0+$0x1A860] =	vst v1  }
0xb9: {  	v0 =	vld.idx.msk [tilespmem:v0+s5+$0x0], $0xffff;
	_ =	sdelay $0x2  }
0xba: {  	s29 =	sor.u32 s31, s30  }
0xbb: {  	s30 =	simm.s32 $0x18700;
	s2 =	sadd.s32 s29, s11  }
0xbc: {  	s31 =	simm.s32 $0x18800;
	s7 =	sadd.s32 $0x0, s2;
	[tilespmem:s0+$0x1A870] =	vst v0;
	s0 =	simm.s32 $0x80  }
.LBB2_10:
0xbd: {  	[tilespmem:s30], [sflag:$0x2] =	stream.linear.gather [hbm4b:s7+s5], $0x80, $0x38;
	[tilespmem:$0x1C700] =	vst v63  }
0xbe: {  	s7 =	smov.u32 s0;
	s30 =	smov.u32 s31;
	p2 =	sne.s32 s0, $0xF80  }
.Ltmp5:
0xbf: {  	s0 =	sadd.s32 $0x80, s0;
	(pc) =	sbr.rel @p2 .LBB2_10-.Ltmp5, $2  }
0xc0: {  	_ =	sdelay $0x2  }
0xc1: {  	s31 =	sadd.s32 $0x100, s31;
	s7 =	sadd.s32 s7, s2  }
0xc2: {  	[tilespmem:s30], [sflag:$0x2] =	stream.linear.gather [hbm4b:s7+s5], $0x80, $0x38;
	[tilespmem:$0x1C700] =	vst v63  }
0xc3: {  	s0 =	sshll.u32 s28, $0xB;
	s2 =	sshll.u32 s28, $0x4  }
0xc4: {  	s0 =	sand.u32 $0x3FC000, s0;
	s2 =	sand.u32 $0x70, s2  }
0xc5: {  	s28 =	sor.u32 s2, s0  }
0xc6: {  	s30 =	simm.s32 $0x80;
	s0 =	sadd.s32 s4, s28  }
0xc7: {  	s31 =	simm.s32 $0x1A800;
	s2 =	simm.s32 $0x1A700;
	s7 =	sadd.s32 $0x0, s0  }
.LBB2_12:
0xc8: {  	[hbm4b:s7+s5] =	stream.linear.scatter [tilespmem:s2], [sflag:$0x3], $0x80, $0x38;
	[tilespmem:$0x1C700] =	vst v63  }
0xc9: {  	s7 =	smov.u32 s30;
	s2 =	smov.u32 s31;
	p2 =	sne.s32 s30, $0xF80  }
.Ltmp6:
0xca: {  	s30 =	sadd.s32 $0x80, s30;
	(pc) =	sbr.rel @p2 .LBB2_12-.Ltmp6, $2  }
0xcb: {  	_ =	sdelay $0x2  }
0xcc: {  	s31 =	sadd.s32 $0x100, s31;
	s7 =	sadd.s32 s7, s0  }
0xcd: {  	[hbm4b:s7+s5] =	stream.linear.scatter [tilespmem:s2], [sflag:$0x3], $0x80, $0x38;
	[tilespmem:$0x1C700] =	vst v63  }
0xce: {  	_ =	swait.ge [sflag:s22], $0x1000  }
0xcf: {  	[sflag:s22] =	ssyncset.done $0x0  }
0xd0: {  	s0 =	simm.s32 @!p1 $0x3;
	[sflag:s22] =	ssyncadd.s32 $0xFFFFF000  }
0xd1: {  	_ =	swait.ge @!p1 [sflag:s0], $0x1000  }
0xd2: {  	[sflag:s0] =	ssyncset.done @!p1 $0x0  }
0xd3: {  	s30 =	simm.s32 $0x0;
	[sflag:s0] =	ssyncadd.s32 @!p1 $0xFFFFF000  }
0xd4: {  	v0 =	vld [tilespmem:s30+$0x18780];
	_ =	sdelay $0x4  }
0xd5: {  	v0 =	vtrunc.f32 v0  }
0xd6: {  	v1 =	vld [tilespmem:s30+$0x18790];
	v0 =	vcvt.f32.s32 v0;
	_ =	sdelay $0x4  }
0xd7: {  	v1 =	vtrunc.f32 v1  }
0xd8: {  	v1 =	vcvt.f32.s32 v1;
	v0 =	vld.idx.msk [tilespmem:v0+s5+$0x0], $0xffff  }
0xd9: {  	v2 =	vld [tilespmem:s30+$0x187A0];
	_ =	sdelay $0x3  }
0xda: {  	[tilespmem:s30+$0x1A780] =	vst v0  }
0xdb: {  	v0 =	vld.idx.msk [tilespmem:v1+s5+$0x0], $0xffff;
	v1 =	vtrunc.f32 v2  }
0xdc: {  	v2 =	vld [tilespmem:s30+$0x187B0];
	v1 =	vcvt.f32.s32 v1;
	_ =	sdelay $0x4  }
0xdd: {  	[tilespmem:s30+$0x1A790] =	vst v0;
	v0 =	vtrunc.f32 v2;
	v2 =	vld [tilespmem:s30+$0x187C0]  }
0xde: {  	v0 =	vcvt.f32.s32 v0;
	v1 =	vld.idx.msk [tilespmem:v1+s5+$0x0], $0xffff;
	_ =	sdelay $0x4  }
0xdf: {  	[tilespmem:s30+$0x1A7A0] =	vst v1;
	v1 =	vtrunc.f32 v2;
	v2 =	vld [tilespmem:s30+$0x187D0]  }
0xe0: {  	v0 =	vld.idx.msk [tilespmem:v0+s5+$0x0], $0xffff;
	v1 =	vcvt.f32.s32 v1;
	_ =	sdelay $0x4  }
0xe1: {  	[tilespmem:s30+$0x1A7B0] =	vst v0;
	v0 =	vtrunc.f32 v2;
	v2 =	vld [tilespmem:s30+$0x187E0]  }
0xe2: {  	v1 =	vld.idx.msk [tilespmem:v1+s5+$0x0], $0xffff;
	v0 =	vcvt.f32.s32 v0;
	_ =	sdelay $0x4  }
0xe3: {  	[tilespmem:s30+$0x1A7C0] =	vst v1;
	v1 =	vtrunc.f32 v2;
	v2 =	vld [tilespmem:s30+$0x187F0]  }
0xe4: {  	v0 =	vld.idx.msk [tilespmem:v0+s5+$0x0], $0xffff;
	v1 =	vcvt.f32.s32 v1;
	_ =	sdelay $0x4  }
0xe5: {  	[tilespmem:s30+$0x1A7D0] =	vst v0;
	v0 =	vtrunc.f32 v2;
	v2 =	vld [tilespmem:s30+$0x18880]  }
0xe6: {  	v1 =	vld.idx.msk [tilespmem:v1+s5+$0x0], $0xffff;
	v0 =	vcvt.f32.s32 v0;
	_ =	sdelay $0x4  }
0xe7: {  	[tilespmem:s30+$0x1A7E0] =	vst v1;
	v1 =	vtrunc.f32 v2;
	v2 =	vld [tilespmem:s30+$0x18890]  }
0xe8: {  	v0 =	vld.idx.msk [tilespmem:v0+s5+$0x0], $0xffff;
	v1 =	vcvt.f32.s32 v1;
	_ =	sdelay $0x4  }
0xe9: {  	[tilespmem:s30+$0x1A7F0] =	vst v0;
	v0 =	vtrunc.f32 v2;
	v2 =	vld [tilespmem:s30+$0x188A0]  }
0xea: {  	v1 =	vld.idx.msk [tilespmem:v1+s5+$0x0], $0xffff;
	v0 =	vcvt.f32.s32 v0;
	_ =	sdelay $0x4  }
0xeb: {  	[tilespmem:s30+$0x1A880] =	vst v1;
	v1 =	vtrunc.f32 v2;
	v2 =	vld [tilespmem:s30+$0x188B0]  }
0xec: {  	v0 =	vld.idx.msk [tilespmem:v0+s5+$0x0], $0xffff;
	v1 =	vcvt.f32.s32 v1;
	_ =	sdelay $0x4  }
0xed: {  	[tilespmem:s30+$0x1A890] =	vst v0;
	v0 =	vtrunc.f32 v2;
	v2 =	vld [tilespmem:s30+$0x188C0]  }
0xee: {  	v1 =	vld.idx.msk [tilespmem:v1+s5+$0x0], $0xffff;
	v0 =	vcvt.f32.s32 v0;
	_ =	sdelay $0x4  }
0xef: {  	[tilespmem:s30+$0x1A8A0] =	vst v1;
	v1 =	vtrunc.f32 v2;
	v2 =	vld [tilespmem:s30+$0x188D0]  }
0xf0: {  	v0 =	vld.idx.msk [tilespmem:v0+s5+$0x0], $0xffff;
	v1 =	vcvt.f32.s32 v1;
	_ =	sdelay $0x4  }
0xf1: {  	[tilespmem:s30+$0x1A8B0] =	vst v0;
	v0 =	vtrunc.f32 v2;
	v2 =	vld [tilespmem:s30+$0x188E0]  }
0xf2: {  	v1 =	vld.idx.msk [tilespmem:v1+s5+$0x0], $0xffff;
	v0 =	vcvt.f32.s32 v0;
	_ =	sdelay $0x4  }
0xf3: {  	[tilespmem:s30+$0x1A8C0] =	vst v1;
	v1 =	vtrunc.f32 v2;
	v2 =	vld [tilespmem:s30+$0x188F0]  }
0xf4: {  	v0 =	vld.idx.msk [tilespmem:v0+s5+$0x0], $0xffff;
	v1 =	vcvt.f32.s32 v1;
	_ =	sdelay $0x4  }
0xf5: {  	v2 =	vtrunc.f32 v2;
	[tilespmem:s30+$0x1A8D0] =	vst v0  }
0xf6: {  	s2 =	simm.s32 $0x1000;
	s0 =	simm.s32 $0x200;
	v0 =	vld.idx.msk [tilespmem:v1+s5+$0x0], $0xffff;
	v1 =	vcvt.f32.s32 v2  }
.LBB2_14:
0xf7: {  	p1 =	sne.s32 s2, $0x7800;
	v2 =	vld [tilespmem:s0+$0x18780];
	_ =	sdelay $0x3  }
0xf8: {  	[tilespmem:s30+$0x1A8E0] =	vst v0  }
0xf9: {  	v0 =	vtrunc.f32 v2;
	v1 =	vld.idx.msk [tilespmem:v1+s5+$0x0], $0xffff  }
0xfa: {  	v0 =	vcvt.f32.s32 v0  }
0xfb: {  	v2 =	vld [tilespmem:s0+$0x18790];
	_ =	sdelay $0x3  }
0xfc: {  	[tilespmem:s30+$0x1A8F0] =	vst v1;
	s30 =	smov.u32 s0  }
0xfd: {  	v0 =	vld.idx.msk [tilespmem:v0+s5+$0x0], $0xffff;
	v1 =	vtrunc.f32 v2  }
0xfe: {  	v1 =	vcvt.f32.s32 v1  }
0xff: {  	v2 =	vld [tilespmem:s30+$0x187A0];
	_ =	sdelay $0x3  }
0x100: {  	[tilespmem:s30+$0x1A780] =	vst v0  }
0x101: {  	v0 =	vld.idx.msk [tilespmem:v1+s5+$0x0], $0xffff;
	v1 =	vtrunc.f32 v2  }
0x102: {  	v1 =	vcvt.f32.s32 v1  }
0x103: {  	v2 =	vld [tilespmem:s30+$0x187B0];
	_ =	sdelay $0x3  }
0x104: {  	[tilespmem:s30+$0x1A790] =	vst v0  }
0x105: {  	v0 =	vld.idx.msk [tilespmem:v1+s5+$0x0], $0xffff;
	v1 =	vtrunc.f32 v2  }
0x106: {  	v1 =	vcvt.f32.s32 v1  }
0x107: {  	v2 =	vld [tilespmem:s30+$0x187C0];
	_ =	sdelay $0x3  }
0x108: {  	[tilespmem:s30+$0x1A7A0] =	vst v0  }
0x109: {  	v0 =	vld.idx.msk [tilespmem:v1+s5+$0x0], $0xffff;
	v1 =	vtrunc.f32 v2  }
0x10a: {  	v1 =	vcvt.f32.s32 v1  }
0x10b: {  	v2 =	vld [tilespmem:s30+$0x187D0];
	_ =	sdelay $0x3  }
0x10c: {  	[tilespmem:s30+$0x1A7B0] =	vst v0  }
0x10d: {  	v0 =	vld.idx.msk [tilespmem:v1+s5+$0x0], $0xffff;
	v1 =	vtrunc.f32 v2  }
0x10e: {  	v1 =	vcvt.f32.s32 v1  }
0x10f: {  	v2 =	vld [tilespmem:s30+$0x187E0];
	_ =	sdelay $0x3  }
0x110: {  	[tilespmem:s30+$0x1A7C0] =	vst v0  }
0x111: {  	v0 =	vld.idx.msk [tilespmem:v1+s5+$0x0], $0xffff;
	v1 =	vtrunc.f32 v2  }
0x112: {  	v1 =	vcvt.f32.s32 v1  }
0x113: {  	v2 =	vld [tilespmem:s30+$0x187F0];
	_ =	sdelay $0x3  }
0x114: {  	[tilespmem:s30+$0x1A7D0] =	vst v0  }
0x115: {  	v0 =	vld.idx.msk [tilespmem:v1+s5+$0x0], $0xffff;
	v1 =	vtrunc.f32 v2  }
0x116: {  	v1 =	vcvt.f32.s32 v1  }
0x117: {  	v2 =	vld [tilespmem:s30+$0x18880];
	_ =	sdelay $0x3  }
0x118: {  	[tilespmem:s30+$0x1A7E0] =	vst v0  }
0x119: {  	v0 =	vld.idx.msk [tilespmem:v1+s5+$0x0], $0xffff;
	v1 =	vtrunc.f32 v2  }
0x11a: {  	v1 =	vcvt.f32.s32 v1  }
0x11b: {  	v2 =	vld [tilespmem:s30+$0x18890];
	_ =	sdelay $0x3  }
0x11c: {  	[tilespmem:s30+$0x1A7F0] =	vst v0  }
0x11d: {  	v0 =	vld.idx.msk [tilespmem:v1+s5+$0x0], $0xffff;
	v1 =	vtrunc.f32 v2  }
0x11e: {  	v1 =	vcvt.f32.s32 v1  }
0x11f: {  	v2 =	vld [tilespmem:s30+$0x188A0];
	_ =	sdelay $0x3  }
0x120: {  	[tilespmem:s30+$0x1A880] =	vst v0  }
0x121: {  	v0 =	vld.idx.msk [tilespmem:v1+s5+$0x0], $0xffff;
	v1 =	vtrunc.f32 v2  }
0x122: {  	v1 =	vcvt.f32.s32 v1  }
0x123: {  	v2 =	vld [tilespmem:s30+$0x188B0];
	_ =	sdelay $0x3  }
0x124: {  	[tilespmem:s30+$0x1A890] =	vst v0  }
0x125: {  	v0 =	vld.idx.msk [tilespmem:v1+s5+$0x0], $0xffff;
	v1 =	vtrunc.f32 v2  }
0x126: {  	v1 =	vcvt.f32.s32 v1  }
0x127: {  	v2 =	vld [tilespmem:s30+$0x188C0];
	_ =	sdelay $0x3  }
0x128: {  	[tilespmem:s30+$0x1A8A0] =	vst v0  }
0x129: {  	v0 =	vld.idx.msk [tilespmem:v1+s5+$0x0], $0xffff;
	v1 =	vtrunc.f32 v2  }
0x12a: {  	v1 =	vcvt.f32.s32 v1  }
0x12b: {  	v2 =	vld [tilespmem:s30+$0x188D0];
	_ =	sdelay $0x3  }
0x12c: {  	[tilespmem:s30+$0x1A8B0] =	vst v0  }
0x12d: {  	v0 =	vld.idx.msk [tilespmem:v1+s5+$0x0], $0xffff;
	v1 =	vtrunc.f32 v2  }
0x12e: {  	v1 =	vcvt.f32.s32 v1  }
0x12f: {  	v2 =	vld [tilespmem:s30+$0x188E0];
	_ =	sdelay $0x3  }
0x130: {  	[tilespmem:s30+$0x1A8C0] =	vst v0  }
0x131: {  	v0 =	vld.idx.msk [tilespmem:v1+s5+$0x0], $0xffff;
	v1 =	vtrunc.f32 v2  }
0x132: {  	v1 =	vcvt.f32.s32 v1  }
0x133: {  	v2 =	vld [tilespmem:s30+$0x188F0];
	_ =	sdelay $0x1  }
.Ltmp7:
0x134: {  	(pc) =	sbr.rel @p1 .LBB2_14-.Ltmp7, $4  }
0x135: {  	_ = 	snop  }
0x136: {  	[tilespmem:s30+$0x1A8D0] =	vst v0  }
0x137: {  	v0 =	vld.idx.msk [tilespmem:v1+s5+$0x0], $0xffff;
	v1 =	vtrunc.f32 v2  }
0x138: {  	s0 =	sshra.s32 s2, $0x2;
	s2 =	sadd.s32 $0x800, s2;
	v1 =	vcvt.f32.s32 v1  }
0x139: {  	v2 =	vld [tilespmem:s0+$0x18780];
	_ =	sdelay $0x3  }
0x13a: {  	[tilespmem:s30+$0x1A8E0] =	vst v0  }
0x13b: {  	v1 =	vld.idx.msk [tilespmem:v1+s5+$0x0], $0xffff;
	v33 =	vtrunc.f32 v2  }
0x13c: {  	v34 =	vld [tilespmem:s0+$0x18790];
	v0 =	vcvt.f32.s32 v33;
	_ =	sdelay $0x3  }
0x13d: {  	[tilespmem:s30+$0x1A8F0] =	vst v1  }
0x13e: {  	v35 =	vtrunc.f32 v34;
	v36 =	vld [tilespmem:s0+$0x187A0]  }
0x13f: {  	v1 =	vcvt.f32.s32 v35;
	v0 =	vld.idx.msk [tilespmem:v0+s5+$0x0], $0xffff;
	_ =	sdelay $0x4  }
0x140: {  	v38 =	vld [tilespmem:s0+$0x187B0];
	v37 =	vtrunc.f32 v36;
	[tilespmem:s0+$0x1A780] =	vst v0  }
0x141: {  	v0 =	vld.idx.msk [tilespmem:v1+s5+$0x0], $0xffff;
	v1 =	vcvt.f32.s32 v37;
	_ =	sdelay $0x4  }
0x142: {  	v40 =	vld [tilespmem:s0+$0x187C0];
	v39 =	vtrunc.f32 v38;
	[tilespmem:s0+$0x1A790] =	vst v0  }
0x143: {  	v0 =	vcvt.f32.s32 v39;
	v1 =	vld.idx.msk [tilespmem:v1+s5+$0x0], $0xffff;
	_ =	sdelay $0x4  }
0x144: {  	v42 =	vld [tilespmem:s0+$0x187D0];
	v41 =	vtrunc.f32 v40;
	[tilespmem:s0+$0x1A7A0] =	vst v1  }
0x145: {  	v1 =	vcvt.f32.s32 v41;
	v0 =	vld.idx.msk [tilespmem:v0+s5+$0x0], $0xffff;
	_ =	sdelay $0x4  }
0x146: {  	v44 =	vld [tilespmem:s0+$0x187E0];
	v43 =	vtrunc.f32 v42;
	[tilespmem:s0+$0x1A7B0] =	vst v0  }
0x147: {  	v0 =	vcvt.f32.s32 v43;
	v1 =	vld.idx.msk [tilespmem:v1+s5+$0x0], $0xffff;
	_ =	sdelay $0x4  }
0x148: {  	v46 =	vld [tilespmem:s0+$0x187F0];
	v45 =	vtrunc.f32 v44;
	[tilespmem:s0+$0x1A7C0] =	vst v1  }
0x149: {  	v1 =	vcvt.f32.s32 v45;
	v0 =	vld.idx.msk [tilespmem:v0+s5+$0x0], $0xffff;
	_ =	sdelay $0x4  }
0x14a: {  	v48 =	vld [tilespmem:s0+$0x18880];
	v47 =	vtrunc.f32 v46;
	[tilespmem:s0+$0x1A7D0] =	vst v0  }
0x14b: {  	v0 =	vcvt.f32.s32 v47;
	v1 =	vld.idx.msk [tilespmem:v1+s5+$0x0], $0xffff;
	_ =	sdelay $0x4  }
0x14c: {  	v50 =	vld [tilespmem:s0+$0x18890];
	v49 =	vtrunc.f32 v48;
	[tilespmem:s0+$0x1A7E0] =	vst v1  }
0x14d: {  	v1 =	vcvt.f32.s32 v49;
	v0 =	vld.idx.msk [tilespmem:v0+s5+$0x0], $0xffff;
	_ =	sdelay $0x4  }
0x14e: {  	v52 =	vld [tilespmem:s0+$0x188A0];
	v51 =	vtrunc.f32 v50;
	[tilespmem:s0+$0x1A7F0] =	vst v0  }
0x14f: {  	v0 =	vcvt.f32.s32 v51;
	v1 =	vld.idx.msk [tilespmem:v1+s5+$0x0], $0xffff;
	_ =	sdelay $0x4  }
0x150: {  	v54 =	vld [tilespmem:s0+$0x188B0];
	v53 =	vtrunc.f32 v52;
	[tilespmem:s0+$0x1A880] =	vst v1  }
0x151: {  	v1 =	vcvt.f32.s32 v53;
	v0 =	vld.idx.msk [tilespmem:v0+s5+$0x0], $0xffff;
	_ =	sdelay $0x4  }
0x152: {  	v56 =	vld [tilespmem:s0+$0x188C0];
	v55 =	vtrunc.f32 v54;
	[tilespmem:s0+$0x1A890] =	vst v0  }
0x153: {  	v0 =	vcvt.f32.s32 v55;
	v1 =	vld.idx.msk [tilespmem:v1+s5+$0x0], $0xffff;
	_ =	sdelay $0x4  }
0x154: {  	v58 =	vld [tilespmem:s0+$0x188D0];
	v57 =	vtrunc.f32 v56;
	[tilespmem:s0+$0x1A8A0] =	vst v1  }
0x155: {  	v1 =	vcvt.f32.s32 v57;
	v0 =	vld.idx.msk [tilespmem:v0+s5+$0x0], $0xffff;
	_ =	sdelay $0x4  }
0x156: {  	v60 =	vld [tilespmem:s0+$0x188E0];
	v59 =	vtrunc.f32 v58;
	[tilespmem:s0+$0x1A8B0] =	vst v0  }
0x157: {  	v0 =	vcvt.f32.s32 v59;
	v1 =	vld.idx.msk [tilespmem:v1+s5+$0x0], $0xffff;
	_ =	sdelay $0x4  }
0x158: {  	v62 =	vld [tilespmem:s0+$0x188F0];
	v61 =	vtrunc.f32 v60;
	[tilespmem:s0+$0x1A8C0] =	vst v1  }
0x159: {  	v1 =	vcvt.f32.s32 v61;
	v0 =	vld.idx.msk [tilespmem:v0+s5+$0x0], $0xffff;
	_ =	sdelay $0x4  }
0x15a: {  	v63 =	vtrunc.f32 v62;
	[tilespmem:s0+$0x1A8D0] =	vst v0  }
0x15b: {  	v0 =	vcvt.f32.s32 v63;
	v1 =	vld.idx.msk [tilespmem:v1+s5+$0x0], $0xffff;
	_ =	sdelay $0x4  }
0x15c: {  	[tilespmem:s0+$0x1A8E0] =	vst v1  }
0x15d: {  	v0 =	vld.idx.msk [tilespmem:v0+s5+$0x0], $0xffff;
	_ =	sdelay $0x3  }
0x15e: {  	s2 =	sadd.s32 s29, s12;
	s29 =	simm.s32 $0x18780  }
0x15f: {  	s7 =	sadd.s32 $0x0, s2;
	s30 =	simm.s32 $0x18880;
	[tilespmem:s0+$0x1A8F0] =	vst v0;
	s0 =	simm.s32 $0x80  }
.LBB2_16:
0x160: {  	[tilespmem:s29], [sflag:$0x2] =	stream.linear.gather [hbm4b:s7+s5], $0x80, $0x38;
	[tilespmem:$0x1C700] =	vst v63  }
0x161: {  	s7 =	smov.u32 s0;
	s29 =	smov.u32 s30;
	p1 =	sne.s32 s0, $0xF80  }
.Ltmp8:
0x162: {  	s0 =	sadd.s32 $0x80, s0;
	(pc) =	sbr.rel @p1 .LBB2_16-.Ltmp8, $2  }
0x163: {  	_ =	sdelay $0x2  }
0x164: {  	s30 =	sadd.s32 $0x100, s30;
	s7 =	sadd.s32 s7, s2  }
0x165: {  	[tilespmem:s29], [sflag:$0x2] =	stream.linear.gather [hbm4b:s7+s5], $0x80, $0x38;
	[tilespmem:$0x1C700] =	vst v63  }
0x166: {  	s0 =	sadd.s32 s28, s13;
	s2 =	simm.s32 $0x1A780  }
0x167: {  	s29 =	simm.s32 $0x80;
	s30 =	simm.s32 $0x1A880;
	s7 =	sadd.s32 $0x0, s0  }
.LBB2_18:
0x168: {  	[hbm4b:s7+s5] =	stream.linear.scatter [tilespmem:s2], [sflag:$0x3], $0x80, $0x38;
	[tilespmem:$0x1C700] =	vst v63  }
0x169: {  	s7 =	smov.u32 s29;
	s2 =	smov.u32 s30;
	p1 =	sne.s32 s29, $0xF80  }
.Ltmp9:
0x16a: {  	s29 =	sadd.s32 $0x80, s29;
	(pc) =	sbr.rel @p1 .LBB2_18-.Ltmp9, $2  }
0x16b: {  	_ =	sdelay $0x2  }
0x16c: {  	s30 =	sadd.s32 $0x100, s30;
	s7 =	sadd.s32 s7, s0  }
0x16d: {  	[hbm4b:s7+s5] =	stream.linear.scatter [tilespmem:s2], [sflag:$0x3], $0x80, $0x38;
	[tilespmem:$0x1C700] =	vst v63  }
0x16e: {  	_ =	swait.ge [sflag:s22], $0x1000  }
0x16f: {  	[sflag:s22] =	ssyncset.done $0x0  }
0x170: {  	[sflag:s22] =	ssyncadd.s32 $0xFFFFF000  }
0x171: {  	_ =	swait.ge [sflag:s23], $0x1000  }
0x172: {  	[sflag:s23] =	ssyncset.done $0x0  }
0x173: {  	s29 =	simm.s32 $0x0;
	[sflag:s23] =	ssyncadd.s32 $0xFFFFF000  }
0x174: {  	v0 =	vld [tilespmem:s29+$0x18700];
	_ =	sdelay $0x4  }
0x175: {  	v0 =	vtrunc.f32 v0  }
0x176: {  	v1 =	vld [tilespmem:s29+$0x18710];
	v0 =	vcvt.f32.s32 v0;
	_ =	sdelay $0x4  }
0x177: {  	v1 =	vtrunc.f32 v1  }
0x178: {  	v1 =	vcvt.f32.s32 v1;
	v0 =	vld.idx.msk [tilespmem:v0+s5+$0x0], $0xffff  }
0x179: {  	v2 =	vld [tilespmem:s29+$0x18720];
	_ =	sdelay $0x3  }
0x17a: {  	[tilespmem:s29+$0x1A700] =	vst v0  }
0x17b: {  	v0 =	vld.idx.msk [tilespmem:v1+s5+$0x0], $0xffff;
	v1 =	vtrunc.f32 v2  }
0x17c: {  	v2 =	vld [tilespmem:s29+$0x18730];
	v1 =	vcvt.f32.s32 v1;
	_ =	sdelay $0x4  }
0x17d: {  	[tilespmem:s29+$0x1A710] =	vst v0;
	v0 =	vtrunc.f32 v2;
	v2 =	vld [tilespmem:s29+$0x18740]  }
0x17e: {  	v0 =	vcvt.f32.s32 v0;
	v1 =	vld.idx.msk [tilespmem:v1+s5+$0x0], $0xffff;
	_ =	sdelay $0x4  }
0x17f: {  	[tilespmem:s29+$0x1A720] =	vst v1;
	v1 =	vtrunc.f32 v2;
	v2 =	vld [tilespmem:s29+$0x18750]  }
0x180: {  	v0 =	vld.idx.msk [tilespmem:v0+s5+$0x0], $0xffff;
	v1 =	vcvt.f32.s32 v1;
	_ =	sdelay $0x4  }
0x181: {  	[tilespmem:s29+$0x1A730] =	vst v0;
	v0 =	vtrunc.f32 v2;
	v2 =	vld [tilespmem:s29+$0x18760]  }
0x182: {  	v1 =	vld.idx.msk [tilespmem:v1+s5+$0x0], $0xffff;
	v0 =	vcvt.f32.s32 v0;
	_ =	sdelay $0x4  }
0x183: {  	[tilespmem:s29+$0x1A740] =	vst v1;
	v1 =	vtrunc.f32 v2;
	v2 =	vld [tilespmem:s29+$0x18770]  }
0x184: {  	v0 =	vld.idx.msk [tilespmem:v0+s5+$0x0], $0xffff;
	v1 =	vcvt.f32.s32 v1;
	_ =	sdelay $0x4  }
0x185: {  	[tilespmem:s29+$0x1A750] =	vst v0;
	v0 =	vtrunc.f32 v2;
	v2 =	vld [tilespmem:s29+$0x18800]  }
0x186: {  	v1 =	vld.idx.msk [tilespmem:v1+s5+$0x0], $0xffff;
	v0 =	vcvt.f32.s32 v0;
	_ =	sdelay $0x4  }
0x187: {  	[tilespmem:s29+$0x1A760] =	vst v1;
	v1 =	vtrunc.f32 v2;
	v2 =	vld [tilespmem:s29+$0x18810]  }
0x188: {  	v0 =	vld.idx.msk [tilespmem:v0+s5+$0x0], $0xffff;
	v1 =	vcvt.f32.s32 v1;
	_ =	sdelay $0x4  }
0x189: {  	[tilespmem:s29+$0x1A770] =	vst v0;
	v0 =	vtrunc.f32 v2;
	v2 =	vld [tilespmem:s29+$0x18820]  }
0x18a: {  	v1 =	vld.idx.msk [tilespmem:v1+s5+$0x0], $0xffff;
	v0 =	vcvt.f32.s32 v0;
	_ =	sdelay $0x4  }
0x18b: {  	[tilespmem:s29+$0x1A800] =	vst v1;
	v1 =	vtrunc.f32 v2;
	v2 =	vld [tilespmem:s29+$0x18830]  }
0x18c: {  	v0 =	vld.idx.msk [tilespmem:v0+s5+$0x0], $0xffff;
	v1 =	vcvt.f32.s32 v1;
	_ =	sdelay $0x4  }
0x18d: {  	[tilespmem:s29+$0x1A810] =	vst v0;
	v0 =	vtrunc.f32 v2;
	v2 =	vld [tilespmem:s29+$0x18840]  }
0x18e: {  	v1 =	vld.idx.msk [tilespmem:v1+s5+$0x0], $0xffff;
	v0 =	vcvt.f32.s32 v0;
	_ =	sdelay $0x4  }
0x18f: {  	[tilespmem:s29+$0x1A820] =	vst v1;
	v1 =	vtrunc.f32 v2;
	v2 =	vld [tilespmem:s29+$0x18850]  }
0x190: {  	v0 =	vld.idx.msk [tilespmem:v0+s5+$0x0], $0xffff;
	v1 =	vcvt.f32.s32 v1;
	_ =	sdelay $0x4  }
0x191: {  	[tilespmem:s29+$0x1A830] =	vst v0;
	v0 =	vtrunc.f32 v2;
	v2 =	vld [tilespmem:s29+$0x18860]  }
0x192: {  	v1 =	vld.idx.msk [tilespmem:v1+s5+$0x0], $0xffff;
	v0 =	vcvt.f32.s32 v0;
	_ =	sdelay $0x4  }
0x193: {  	[tilespmem:s29+$0x1A840] =	vst v1;
	v1 =	vtrunc.f32 v2;
	v2 =	vld [tilespmem:s29+$0x18870]  }
0x194: {  	v0 =	vld.idx.msk [tilespmem:v0+s5+$0x0], $0xffff;
	v1 =	vcvt.f32.s32 v1;
	_ =	sdelay $0x4  }
0x195: {  	v2 =	vtrunc.f32 v2;
	[tilespmem:s29+$0x1A850] =	vst v0  }
0x196: {  	s0 =	simm.s32 $0x200;
	s2 =	simm.s32 $0x1000;
	v0 =	vld.idx.msk [tilespmem:v1+s5+$0x0], $0xffff;
	v1 =	vcvt.f32.s32 v2  }
.LBB2_20:
0x197: {  	p1 =	sne.s32 s2, $0x7800;
	v2 =	vld [tilespmem:s0+$0x18700];
	_ =	sdelay $0x3  }
0x198: {  	[tilespmem:s29+$0x1A860] =	vst v0  }
0x199: {  	v0 =	vtrunc.f32 v2;
	v1 =	vld.idx.msk [tilespmem:v1+s5+$0x0], $0xffff  }
0x19a: {  	v0 =	vcvt.f32.s32 v0  }
0x19b: {  	v2 =	vld [tilespmem:s0+$0x18710];
	_ =	sdelay $0x3  }
0x19c: {  	[tilespmem:s29+$0x1A870] =	vst v1;
	s29 =	smov.u32 s0  }
0x19d: {  	v0 =	vld.idx.msk [tilespmem:v0+s5+$0x0], $0xffff;
	v1 =	vtrunc.f32 v2  }
0x19e: {  	v1 =	vcvt.f32.s32 v1  }
0x19f: {  	v2 =	vld [tilespmem:s29+$0x18720];
	_ =	sdelay $0x3  }
0x1a0: {  	[tilespmem:s29+$0x1A700] =	vst v0  }
0x1a1: {  	v0 =	vld.idx.msk [tilespmem:v1+s5+$0x0], $0xffff;
	v1 =	vtrunc.f32 v2  }
0x1a2: {  	v1 =	vcvt.f32.s32 v1  }
0x1a3: {  	v2 =	vld [tilespmem:s29+$0x18730];
	_ =	sdelay $0x3  }
0x1a4: {  	[tilespmem:s29+$0x1A710] =	vst v0  }
0x1a5: {  	v0 =	vld.idx.msk [tilespmem:v1+s5+$0x0], $0xffff;
	v1 =	vtrunc.f32 v2  }
0x1a6: {  	v1 =	vcvt.f32.s32 v1  }
0x1a7: {  	v2 =	vld [tilespmem:s29+$0x18740];
	_ =	sdelay $0x3  }
0x1a8: {  	[tilespmem:s29+$0x1A720] =	vst v0  }
0x1a9: {  	v0 =	vld.idx.msk [tilespmem:v1+s5+$0x0], $0xffff;
	v1 =	vtrunc.f32 v2  }
0x1aa: {  	v1 =	vcvt.f32.s32 v1  }
0x1ab: {  	v2 =	vld [tilespmem:s29+$0x18750];
	_ =	sdelay $0x3  }
0x1ac: {  	[tilespmem:s29+$0x1A730] =	vst v0  }
0x1ad: {  	v0 =	vld.idx.msk [tilespmem:v1+s5+$0x0], $0xffff;
	v1 =	vtrunc.f32 v2  }
0x1ae: {  	v1 =	vcvt.f32.s32 v1  }
0x1af: {  	v2 =	vld [tilespmem:s29+$0x18760];
	_ =	sdelay $0x3  }
0x1b0: {  	[tilespmem:s29+$0x1A740] =	vst v0  }
0x1b1: {  	v0 =	vld.idx.msk [tilespmem:v1+s5+$0x0], $0xffff;
	v1 =	vtrunc.f32 v2  }
0x1b2: {  	v1 =	vcvt.f32.s32 v1  }
0x1b3: {  	v2 =	vld [tilespmem:s29+$0x18770];
	_ =	sdelay $0x3  }
0x1b4: {  	[tilespmem:s29+$0x1A750] =	vst v0  }
0x1b5: {  	v0 =	vld.idx.msk [tilespmem:v1+s5+$0x0], $0xffff;
	v1 =	vtrunc.f32 v2  }
0x1b6: {  	v1 =	vcvt.f32.s32 v1  }
0x1b7: {  	v2 =	vld [tilespmem:s29+$0x18800];
	_ =	sdelay $0x3  }
0x1b8: {  	[tilespmem:s29+$0x1A760] =	vst v0  }
0x1b9: {  	v0 =	vld.idx.msk [tilespmem:v1+s5+$0x0], $0xffff;
	v1 =	vtrunc.f32 v2  }
0x1ba: {  	v1 =	vcvt.f32.s32 v1  }
0x1bb: {  	v2 =	vld [tilespmem:s29+$0x18810];
	_ =	sdelay $0x3  }
0x1bc: {  	[tilespmem:s29+$0x1A770] =	vst v0  }
0x1bd: {  	v0 =	vld.idx.msk [tilespmem:v1+s5+$0x0], $0xffff;
	v1 =	vtrunc.f32 v2  }
0x1be: {  	v1 =	vcvt.f32.s32 v1  }
0x1bf: {  	v2 =	vld [tilespmem:s29+$0x18820];
	_ =	sdelay $0x3  }
0x1c0: {  	[tilespmem:s29+$0x1A800] =	vst v0  }
0x1c1: {  	v0 =	vld.idx.msk [tilespmem:v1+s5+$0x0], $0xffff;
	v1 =	vtrunc.f32 v2  }
0x1c2: {  	v1 =	vcvt.f32.s32 v1  }
0x1c3: {  	v2 =	vld [tilespmem:s29+$0x18830];
	_ =	sdelay $0x3  }
0x1c4: {  	[tilespmem:s29+$0x1A810] =	vst v0  }
0x1c5: {  	v0 =	vld.idx.msk [tilespmem:v1+s5+$0x0], $0xffff;
	v1 =	vtrunc.f32 v2  }
0x1c6: {  	v1 =	vcvt.f32.s32 v1  }
0x1c7: {  	v2 =	vld [tilespmem:s29+$0x18840];
	_ =	sdelay $0x3  }
0x1c8: {  	[tilespmem:s29+$0x1A820] =	vst v0  }
0x1c9: {  	v0 =	vld.idx.msk [tilespmem:v1+s5+$0x0], $0xffff;
	v1 =	vtrunc.f32 v2  }
0x1ca: {  	v1 =	vcvt.f32.s32 v1  }
0x1cb: {  	v2 =	vld [tilespmem:s29+$0x18850];
	_ =	sdelay $0x3  }
0x1cc: {  	[tilespmem:s29+$0x1A830] =	vst v0  }
0x1cd: {  	v0 =	vld.idx.msk [tilespmem:v1+s5+$0x0], $0xffff;
	v1 =	vtrunc.f32 v2  }
0x1ce: {  	v1 =	vcvt.f32.s32 v1  }
0x1cf: {  	v2 =	vld [tilespmem:s29+$0x18860];
	_ =	sdelay $0x3  }
0x1d0: {  	[tilespmem:s29+$0x1A840] =	vst v0  }
0x1d1: {  	v0 =	vld.idx.msk [tilespmem:v1+s5+$0x0], $0xffff;
	v1 =	vtrunc.f32 v2  }
0x1d2: {  	v1 =	vcvt.f32.s32 v1  }
0x1d3: {  	v2 =	vld [tilespmem:s29+$0x18870];
	_ =	sdelay $0x1  }
.Ltmp10:
0x1d4: {  	(pc) =	sbr.rel @p1 .LBB2_20-.Ltmp10, $4  }
0x1d5: {  	_ = 	snop  }
0x1d6: {  	[tilespmem:s29+$0x1A850] =	vst v0  }
0x1d7: {  	v0 =	vld.idx.msk [tilespmem:v1+s5+$0x0], $0xffff;
	v1 =	vtrunc.f32 v2  }
0x1d8: {  	s0 =	sshra.s32 s2, $0x2;
	s2 =	sadd.s32 $0x800, s2;
	v1 =	vcvt.f32.s32 v1  }
0x1d9: {  	v2 =	vld [tilespmem:s0+$0x18700];
	_ =	sdelay $0x3  }
0x1da: {  	[tilespmem:s29+$0x1A860] =	vst v0  }
0x1db: {  	v1 =	vld.idx.msk [tilespmem:v1+s5+$0x0], $0xffff;
	v33 =	vtrunc.f32 v2  }
0x1dc: {  	v34 =	vld [tilespmem:s0+$0x18710];
	v0 =	vcvt.f32.s32 v33;
	_ =	sdelay $0x3  }
0x1dd: {  	[tilespmem:s29+$0x1A870] =	vst v1  }
0x1de: {  	v35 =	vtrunc.f32 v34;
	v36 =	vld [tilespmem:s0+$0x18720]  }
0x1df: {  	v1 =	vcvt.f32.s32 v35;
	v0 =	vld.idx.msk [tilespmem:v0+s5+$0x0], $0xffff;
	_ =	sdelay $0x4  }
0x1e0: {  	v38 =	vld [tilespmem:s0+$0x18730];
	v37 =	vtrunc.f32 v36;
	[tilespmem:s0+$0x1A700] =	vst v0  }
0x1e1: {  	v0 =	vld.idx.msk [tilespmem:v1+s5+$0x0], $0xffff;
	v1 =	vcvt.f32.s32 v37;
	_ =	sdelay $0x4  }
0x1e2: {  	v40 =	vld [tilespmem:s0+$0x18740];
	v39 =	vtrunc.f32 v38;
	[tilespmem:s0+$0x1A710] =	vst v0  }
0x1e3: {  	v0 =	vcvt.f32.s32 v39;
	v1 =	vld.idx.msk [tilespmem:v1+s5+$0x0], $0xffff;
	_ =	sdelay $0x4  }
0x1e4: {  	v42 =	vld [tilespmem:s0+$0x18750];
	v41 =	vtrunc.f32 v40;
	[tilespmem:s0+$0x1A720] =	vst v1  }
0x1e5: {  	v1 =	vcvt.f32.s32 v41;
	v0 =	vld.idx.msk [tilespmem:v0+s5+$0x0], $0xffff;
	_ =	sdelay $0x4  }
0x1e6: {  	v44 =	vld [tilespmem:s0+$0x18760];
	v43 =	vtrunc.f32 v42;
	[tilespmem:s0+$0x1A730] =	vst v0  }
0x1e7: {  	v0 =	vcvt.f32.s32 v43;
	v1 =	vld.idx.msk [tilespmem:v1+s5+$0x0], $0xffff;
	_ =	sdelay $0x4  }
0x1e8: {  	v46 =	vld [tilespmem:s0+$0x18770];
	v45 =	vtrunc.f32 v44;
	[tilespmem:s0+$0x1A740] =	vst v1  }
0x1e9: {  	v1 =	vcvt.f32.s32 v45;
	v0 =	vld.idx.msk [tilespmem:v0+s5+$0x0], $0xffff;
	_ =	sdelay $0x4  }
0x1ea: {  	v48 =	vld [tilespmem:s0+$0x18800];
	v47 =	vtrunc.f32 v46;
	[tilespmem:s0+$0x1A750] =	vst v0  }
0x1eb: {  	v0 =	vcvt.f32.s32 v47;
	v1 =	vld.idx.msk [tilespmem:v1+s5+$0x0], $0xffff;
	_ =	sdelay $0x4  }
0x1ec: {  	v50 =	vld [tilespmem:s0+$0x18810];
	v49 =	vtrunc.f32 v48;
	[tilespmem:s0+$0x1A760] =	vst v1  }
0x1ed: {  	v1 =	vcvt.f32.s32 v49;
	v0 =	vld.idx.msk [tilespmem:v0+s5+$0x0], $0xffff;
	_ =	sdelay $0x4  }
0x1ee: {  	v52 =	vld [tilespmem:s0+$0x18820];
	v51 =	vtrunc.f32 v50;
	[tilespmem:s0+$0x1A770] =	vst v0  }
0x1ef: {  	v0 =	vcvt.f32.s32 v51;
	v1 =	vld.idx.msk [tilespmem:v1+s5+$0x0], $0xffff;
	_ =	sdelay $0x4  }
0x1f0: {  	v54 =	vld [tilespmem:s0+$0x18830];
	v53 =	vtrunc.f32 v52;
	[tilespmem:s0+$0x1A800] =	vst v1  }
0x1f1: {  	v1 =	vcvt.f32.s32 v53;
	v0 =	vld.idx.msk [tilespmem:v0+s5+$0x0], $0xffff;
	_ =	sdelay $0x4  }
0x1f2: {  	v56 =	vld [tilespmem:s0+$0x18840];
	v55 =	vtrunc.f32 v54;
	[tilespmem:s0+$0x1A810] =	vst v0  }
0x1f3: {  	v0 =	vcvt.f32.s32 v55;
	v1 =	vld.idx.msk [tilespmem:v1+s5+$0x0], $0xffff;
	_ =	sdelay $0x4  }
0x1f4: {  	v58 =	vld [tilespmem:s0+$0x18850];
	v57 =	vtrunc.f32 v56;
	[tilespmem:s0+$0x1A820] =	vst v1  }
0x1f5: {  	v1 =	vcvt.f32.s32 v57;
	v0 =	vld.idx.msk [tilespmem:v0+s5+$0x0], $0xffff;
	_ =	sdelay $0x4  }
0x1f6: {  	v60 =	vld [tilespmem:s0+$0x18860];
	v59 =	vtrunc.f32 v58;
	[tilespmem:s0+$0x1A830] =	vst v0  }
0x1f7: {  	v0 =	vcvt.f32.s32 v59;
	v1 =	vld.idx.msk [tilespmem:v1+s5+$0x0], $0xffff;
	_ =	sdelay $0x4  }
0x1f8: {  	v62 =	vld [tilespmem:s0+$0x18870];
	v61 =	vtrunc.f32 v60;
	[tilespmem:s0+$0x1A840] =	vst v1  }
0x1f9: {  	v1 =	vcvt.f32.s32 v61;
	v0 =	vld.idx.msk [tilespmem:v0+s5+$0x0], $0xffff;
	_ =	sdelay $0x4  }
0x1fa: {  	v63 =	vtrunc.f32 v62;
	[tilespmem:s0+$0x1A850] =	vst v0  }
0x1fb: {  	v0 =	vcvt.f32.s32 v63;
	v1 =	vld.idx.msk [tilespmem:v1+s5+$0x0], $0xffff;
	_ =	sdelay $0x4  }
0x1fc: {  	[tilespmem:s0+$0x1A860] =	vst v1  }
0x1fd: {  	p1 =	seq.s32 s26, $0x19;
	v0 =	vld.idx.msk [tilespmem:v0+s5+$0x0], $0xffff  }
.Ltmp11:
0x1fe: {  	_ = 	snop;
	(pc) =	sbr.rel @p1 .LBB2_25-.Ltmp11, $2  }
0x1ff: {  	_ =	sdelay $0x2  }
0x200: {  	[tilespmem:s0+$0x1A870] =	vst v0  }
0x201: {  	s0 =	sadd.s32 $0xE, s26  }
0x202: {  	s2 =	sshll.u32 s0, $0x4  }
0x203: {  	s0 =	sshll.u32 s0, $0xB;
	s2 =	sand.u32 $0x70, s2  }
0x204: {  	s0 =	sand.u32 $0x1C000, s0;
	s2 =	sadd.s32 s1, s2  }
0x205: {  	s29 =	simm.s32 $0x80;
	s0 =	sadd.s32 s0, s2  }
0x206: {  	s30 =	simm.s32 $0x18800;
	s2 =	simm.s32 $0x18700;
	s7 =	sadd.s32 $0x0, s0  }
.LBB2_23:
0x207: {  	[tilespmem:s2], [sflag:$0x2] =	stream.linear.gather [hbm4b:s7+s5], $0x80, $0x38;
	[tilespmem:$0x1C700] =	vst v63  }
0x208: {  	s7 =	smov.u32 s29;
	s2 =	smov.u32 s30;
	p2 =	sne.s32 s29, $0xF80  }
.Ltmp12:
0x209: {  	s29 =	sadd.s32 $0x80, s29;
	(pc) =	sbr.rel @p2 .LBB2_23-.Ltmp12, $2  }
0x20a: {  	_ =	sdelay $0x2  }
0x20b: {  	s30 =	sadd.s32 $0x100, s30;
	s7 =	sadd.s32 s7, s0  }
0x20c: {  	[tilespmem:s2], [sflag:$0x2] =	stream.linear.gather [hbm4b:s7+s5], $0x80, $0x38;
	[tilespmem:$0x1C700] =	vst v63  }
.LBB2_25:
0x20d: {  	s29 =	sadd.s32 $0x1, s26;
	s0 =	sadd.s32 s28, s14;
	s2 =	simm.s32 $0x1A700  }
0x20e: {  	s30 =	simm.s32 $0x80;
	s31 =	simm.s32 $0x1A800;
	s7 =	sadd.s32 $0x0, s0  }
.LBB2_26:
0x20f: {  	[hbm4b:s7+s5] =	stream.linear.scatter [tilespmem:s2], [sflag:$0x3], $0x80, $0x38;
	[tilespmem:$0x1C700] =	vst v63  }
0x210: {  	s7 =	smov.u32 s30;
	s2 =	smov.u32 s31;
	p2 =	sne.s32 s30, $0xF80  }
.Ltmp13:
0x211: {  	s30 =	sadd.s32 $0x80, s30;
	(pc) =	sbr.rel @p2 .LBB2_26-.Ltmp13, $2  }
0x212: {  	_ =	sdelay $0x2  }
0x213: {  	s31 =	sadd.s32 $0x100, s31;
	s7 =	sadd.s32 s7, s0  }
0x214: {  	[hbm4b:s7+s5] =	stream.linear.scatter [tilespmem:s2], [sflag:$0x3], $0x80, $0x38;
	[tilespmem:$0x1C700] =	vst v63  }
0x215: {  	_ =	swait.ge [sflag:s22], $0x1000  }
0x216: {  	[sflag:s22] =	ssyncset.done $0x0  }
0x217: {  	[sflag:s22] =	ssyncadd.s32 $0xFFFFF000  }
0x218: {  	_ =	swait.ge [sflag:s23], $0x1000  }
0x219: {  	[sflag:s23] =	ssyncset.done $0x0  }
0x21a: {  	s30 =	simm.s32 $0x0;
	[sflag:s23] =	ssyncadd.s32 $0xFFFFF000  }
0x21b: {  	v0 =	vld [tilespmem:s30+$0x18780];
	_ =	sdelay $0x4  }
0x21c: {  	v0 =	vtrunc.f32 v0  }
0x21d: {  	v1 =	vld [tilespmem:s30+$0x18790];
	v0 =	vcvt.f32.s32 v0;
	_ =	sdelay $0x4  }
0x21e: {  	v1 =	vtrunc.f32 v1  }
0x21f: {  	v1 =	vcvt.f32.s32 v1;
	v0 =	vld.idx.msk [tilespmem:v0+s5+$0x0], $0xffff  }
0x220: {  	v2 =	vld [tilespmem:s30+$0x187A0];
	_ =	sdelay $0x3  }
0x221: {  	[tilespmem:s30+$0x1A780] =	vst v0  }
0x222: {  	v0 =	vld.idx.msk [tilespmem:v1+s5+$0x0], $0xffff;
	v1 =	vtrunc.f32 v2  }
0x223: {  	v2 =	vld [tilespmem:s30+$0x187B0];
	v1 =	vcvt.f32.s32 v1;
	_ =	sdelay $0x4  }
0x224: {  	[tilespmem:s30+$0x1A790] =	vst v0;
	v0 =	vtrunc.f32 v2;
	v2 =	vld [tilespmem:s30+$0x187C0]  }
0x225: {  	v0 =	vcvt.f32.s32 v0;
	v1 =	vld.idx.msk [tilespmem:v1+s5+$0x0], $0xffff;
	_ =	sdelay $0x4  }
0x226: {  	[tilespmem:s30+$0x1A7A0] =	vst v1;
	v1 =	vtrunc.f32 v2;
	v2 =	vld [tilespmem:s30+$0x187D0]  }
0x227: {  	v0 =	vld.idx.msk [tilespmem:v0+s5+$0x0], $0xffff;
	v1 =	vcvt.f32.s32 v1;
	_ =	sdelay $0x4  }
0x228: {  	[tilespmem:s30+$0x1A7B0] =	vst v0;
	v0 =	vtrunc.f32 v2;
	v2 =	vld [tilespmem:s30+$0x187E0]  }
0x229: {  	v1 =	vld.idx.msk [tilespmem:v1+s5+$0x0], $0xffff;
	v0 =	vcvt.f32.s32 v0;
	_ =	sdelay $0x4  }
0x22a: {  	[tilespmem:s30+$0x1A7C0] =	vst v1;
	v1 =	vtrunc.f32 v2;
	v2 =	vld [tilespmem:s30+$0x187F0]  }
0x22b: {  	v0 =	vld.idx.msk [tilespmem:v0+s5+$0x0], $0xffff;
	v1 =	vcvt.f32.s32 v1;
	_ =	sdelay $0x4  }
0x22c: {  	[tilespmem:s30+$0x1A7D0] =	vst v0;
	v0 =	vtrunc.f32 v2;
	v2 =	vld [tilespmem:s30+$0x18880]  }
0x22d: {  	v1 =	vld.idx.msk [tilespmem:v1+s5+$0x0], $0xffff;
	v0 =	vcvt.f32.s32 v0;
	_ =	sdelay $0x4  }
0x22e: {  	[tilespmem:s30+$0x1A7E0] =	vst v1;
	v1 =	vtrunc.f32 v2;
	v2 =	vld [tilespmem:s30+$0x18890]  }
0x22f: {  	v0 =	vld.idx.msk [tilespmem:v0+s5+$0x0], $0xffff;
	v1 =	vcvt.f32.s32 v1;
	_ =	sdelay $0x4  }
0x230: {  	[tilespmem:s30+$0x1A7F0] =	vst v0;
	v0 =	vtrunc.f32 v2;
	v2 =	vld [tilespmem:s30+$0x188A0]  }
0x231: {  	v1 =	vld.idx.msk [tilespmem:v1+s5+$0x0], $0xffff;
	v0 =	vcvt.f32.s32 v0;
	_ =	sdelay $0x4  }
0x232: {  	[tilespmem:s30+$0x1A880] =	vst v1;
	v1 =	vtrunc.f32 v2;
	v2 =	vld [tilespmem:s30+$0x188B0]  }
0x233: {  	v0 =	vld.idx.msk [tilespmem:v0+s5+$0x0], $0xffff;
	v1 =	vcvt.f32.s32 v1;
	_ =	sdelay $0x4  }
0x234: {  	[tilespmem:s30+$0x1A890] =	vst v0;
	v0 =	vtrunc.f32 v2;
	v2 =	vld [tilespmem:s30+$0x188C0]  }
0x235: {  	v1 =	vld.idx.msk [tilespmem:v1+s5+$0x0], $0xffff;
	v0 =	vcvt.f32.s32 v0;
	_ =	sdelay $0x4  }
0x236: {  	[tilespmem:s30+$0x1A8A0] =	vst v1;
	v1 =	vtrunc.f32 v2;
	v2 =	vld [tilespmem:s30+$0x188D0]  }
0x237: {  	v0 =	vld.idx.msk [tilespmem:v0+s5+$0x0], $0xffff;
	v1 =	vcvt.f32.s32 v1;
	_ =	sdelay $0x4  }
0x238: {  	[tilespmem:s30+$0x1A8B0] =	vst v0;
	v0 =	vtrunc.f32 v2;
	v2 =	vld [tilespmem:s30+$0x188E0]  }
0x239: {  	v1 =	vld.idx.msk [tilespmem:v1+s5+$0x0], $0xffff;
	v0 =	vcvt.f32.s32 v0;
	_ =	sdelay $0x4  }
0x23a: {  	[tilespmem:s30+$0x1A8C0] =	vst v1;
	v1 =	vtrunc.f32 v2;
	v2 =	vld [tilespmem:s30+$0x188F0]  }
0x23b: {  	v0 =	vld.idx.msk [tilespmem:v0+s5+$0x0], $0xffff;
	v1 =	vcvt.f32.s32 v1;
	_ =	sdelay $0x4  }
0x23c: {  	v2 =	vtrunc.f32 v2;
	[tilespmem:s30+$0x1A8D0] =	vst v0  }
0x23d: {  	s0 =	simm.s32 $0x200;
	s2 =	simm.s32 $0x1000;
	v0 =	vld.idx.msk [tilespmem:v1+s5+$0x0], $0xffff;
	v1 =	vcvt.f32.s32 v2  }
.LBB2_28:
0x23e: {  	p2 =	sne.s32 s2, $0x7800;
	v2 =	vld [tilespmem:s0+$0x18780];
	_ =	sdelay $0x3  }
0x23f: {  	[tilespmem:s30+$0x1A8E0] =	vst v0  }
0x240: {  	v0 =	vtrunc.f32 v2;
	v1 =	vld.idx.msk [tilespmem:v1+s5+$0x0], $0xffff  }
0x241: {  	v0 =	vcvt.f32.s32 v0  }
0x242: {  	v2 =	vld [tilespmem:s0+$0x18790];
	_ =	sdelay $0x3  }
0x243: {  	[tilespmem:s30+$0x1A8F0] =	vst v1;
	s30 =	smov.u32 s0  }
0x244: {  	v0 =	vld.idx.msk [tilespmem:v0+s5+$0x0], $0xffff;
	v1 =	vtrunc.f32 v2  }
0x245: {  	v1 =	vcvt.f32.s32 v1  }
0x246: {  	v2 =	vld [tilespmem:s30+$0x187A0];
	_ =	sdelay $0x3  }
0x247: {  	[tilespmem:s30+$0x1A780] =	vst v0  }
0x248: {  	v0 =	vld.idx.msk [tilespmem:v1+s5+$0x0], $0xffff;
	v1 =	vtrunc.f32 v2  }
0x249: {  	v1 =	vcvt.f32.s32 v1  }
0x24a: {  	v2 =	vld [tilespmem:s30+$0x187B0];
	_ =	sdelay $0x3  }
0x24b: {  	[tilespmem:s30+$0x1A790] =	vst v0  }
0x24c: {  	v0 =	vld.idx.msk [tilespmem:v1+s5+$0x0], $0xffff;
	v1 =	vtrunc.f32 v2  }
0x24d: {  	v1 =	vcvt.f32.s32 v1  }
0x24e: {  	v2 =	vld [tilespmem:s30+$0x187C0];
	_ =	sdelay $0x3  }
0x24f: {  	[tilespmem:s30+$0x1A7A0] =	vst v0  }
0x250: {  	v0 =	vld.idx.msk [tilespmem:v1+s5+$0x0], $0xffff;
	v1 =	vtrunc.f32 v2  }
0x251: {  	v1 =	vcvt.f32.s32 v1  }
0x252: {  	v2 =	vld [tilespmem:s30+$0x187D0];
	_ =	sdelay $0x3  }
0x253: {  	[tilespmem:s30+$0x1A7B0] =	vst v0  }
0x254: {  	v0 =	vld.idx.msk [tilespmem:v1+s5+$0x0], $0xffff;
	v1 =	vtrunc.f32 v2  }
0x255: {  	v1 =	vcvt.f32.s32 v1  }
0x256: {  	v2 =	vld [tilespmem:s30+$0x187E0];
	_ =	sdelay $0x3  }
0x257: {  	[tilespmem:s30+$0x1A7C0] =	vst v0  }
0x258: {  	v0 =	vld.idx.msk [tilespmem:v1+s5+$0x0], $0xffff;
	v1 =	vtrunc.f32 v2  }
0x259: {  	v1 =	vcvt.f32.s32 v1  }
0x25a: {  	v2 =	vld [tilespmem:s30+$0x187F0];
	_ =	sdelay $0x3  }
0x25b: {  	[tilespmem:s30+$0x1A7D0] =	vst v0  }
0x25c: {  	v0 =	vld.idx.msk [tilespmem:v1+s5+$0x0], $0xffff;
	v1 =	vtrunc.f32 v2  }
0x25d: {  	v1 =	vcvt.f32.s32 v1  }
0x25e: {  	v2 =	vld [tilespmem:s30+$0x18880];
	_ =	sdelay $0x3  }
0x25f: {  	[tilespmem:s30+$0x1A7E0] =	vst v0  }
0x260: {  	v0 =	vld.idx.msk [tilespmem:v1+s5+$0x0], $0xffff;
	v1 =	vtrunc.f32 v2  }
0x261: {  	v1 =	vcvt.f32.s32 v1  }
0x262: {  	v2 =	vld [tilespmem:s30+$0x18890];
	_ =	sdelay $0x3  }
0x263: {  	[tilespmem:s30+$0x1A7F0] =	vst v0  }
0x264: {  	v0 =	vld.idx.msk [tilespmem:v1+s5+$0x0], $0xffff;
	v1 =	vtrunc.f32 v2  }
0x265: {  	v1 =	vcvt.f32.s32 v1  }
0x266: {  	v2 =	vld [tilespmem:s30+$0x188A0];
	_ =	sdelay $0x3  }
0x267: {  	[tilespmem:s30+$0x1A880] =	vst v0  }
0x268: {  	v0 =	vld.idx.msk [tilespmem:v1+s5+$0x0], $0xffff;
	v1 =	vtrunc.f32 v2  }
0x269: {  	v1 =	vcvt.f32.s32 v1  }
0x26a: {  	v2 =	vld [tilespmem:s30+$0x188B0];
	_ =	sdelay $0x3  }
0x26b: {  	[tilespmem:s30+$0x1A890] =	vst v0  }
0x26c: {  	v0 =	vld.idx.msk [tilespmem:v1+s5+$0x0], $0xffff;
	v1 =	vtrunc.f32 v2  }
0x26d: {  	v1 =	vcvt.f32.s32 v1  }
0x26e: {  	v2 =	vld [tilespmem:s30+$0x188C0];
	_ =	sdelay $0x3  }
0x26f: {  	[tilespmem:s30+$0x1A8A0] =	vst v0  }
0x270: {  	v0 =	vld.idx.msk [tilespmem:v1+s5+$0x0], $0xffff;
	v1 =	vtrunc.f32 v2  }
0x271: {  	v1 =	vcvt.f32.s32 v1  }
0x272: {  	v2 =	vld [tilespmem:s30+$0x188D0];
	_ =	sdelay $0x3  }
0x273: {  	[tilespmem:s30+$0x1A8B0] =	vst v0  }
0x274: {  	v0 =	vld.idx.msk [tilespmem:v1+s5+$0x0], $0xffff;
	v1 =	vtrunc.f32 v2  }
0x275: {  	v1 =	vcvt.f32.s32 v1  }
0x276: {  	v2 =	vld [tilespmem:s30+$0x188E0];
	_ =	sdelay $0x3  }
0x277: {  	[tilespmem:s30+$0x1A8C0] =	vst v0  }
0x278: {  	v0 =	vld.idx.msk [tilespmem:v1+s5+$0x0], $0xffff;
	v1 =	vtrunc.f32 v2  }
0x279: {  	v1 =	vcvt.f32.s32 v1  }
0x27a: {  	v2 =	vld [tilespmem:s30+$0x188F0];
	_ =	sdelay $0x1  }
.Ltmp14:
0x27b: {  	(pc) =	sbr.rel @p2 .LBB2_28-.Ltmp14, $4  }
0x27c: {  	_ = 	snop  }
0x27d: {  	[tilespmem:s30+$0x1A8D0] =	vst v0  }
0x27e: {  	v0 =	vld.idx.msk [tilespmem:v1+s5+$0x0], $0xffff;
	v1 =	vtrunc.f32 v2  }
0x27f: {  	s0 =	sshra.s32 s2, $0x2;
	s2 =	sadd.s32 $0x800, s2;
	v1 =	vcvt.f32.s32 v1  }
0x280: {  	v2 =	vld [tilespmem:s0+$0x18780];
	_ =	sdelay $0x3  }
0x281: {  	[tilespmem:s30+$0x1A8E0] =	vst v0  }
0x282: {  	v1 =	vld.idx.msk [tilespmem:v1+s5+$0x0], $0xffff;
	v33 =	vtrunc.f32 v2  }
0x283: {  	v34 =	vld [tilespmem:s0+$0x18790];
	v0 =	vcvt.f32.s32 v33;
	_ =	sdelay $0x3  }
0x284: {  	[tilespmem:s30+$0x1A8F0] =	vst v1  }
0x285: {  	v35 =	vtrunc.f32 v34;
	v36 =	vld [tilespmem:s0+$0x187A0]  }
0x286: {  	v1 =	vcvt.f32.s32 v35;
	v0 =	vld.idx.msk [tilespmem:v0+s5+$0x0], $0xffff;
	_ =	sdelay $0x4  }
0x287: {  	v38 =	vld [tilespmem:s0+$0x187B0];
	v37 =	vtrunc.f32 v36;
	[tilespmem:s0+$0x1A780] =	vst v0  }
0x288: {  	v0 =	vld.idx.msk [tilespmem:v1+s5+$0x0], $0xffff;
	v1 =	vcvt.f32.s32 v37;
	_ =	sdelay $0x4  }
0x289: {  	v40 =	vld [tilespmem:s0+$0x187C0];
	v39 =	vtrunc.f32 v38;
	[tilespmem:s0+$0x1A790] =	vst v0  }
0x28a: {  	v0 =	vcvt.f32.s32 v39;
	v1 =	vld.idx.msk [tilespmem:v1+s5+$0x0], $0xffff;
	_ =	sdelay $0x4  }
0x28b: {  	v42 =	vld [tilespmem:s0+$0x187D0];
	v41 =	vtrunc.f32 v40;
	[tilespmem:s0+$0x1A7A0] =	vst v1  }
0x28c: {  	v1 =	vcvt.f32.s32 v41;
	v0 =	vld.idx.msk [tilespmem:v0+s5+$0x0], $0xffff;
	_ =	sdelay $0x4  }
0x28d: {  	v44 =	vld [tilespmem:s0+$0x187E0];
	v43 =	vtrunc.f32 v42;
	[tilespmem:s0+$0x1A7B0] =	vst v0  }
0x28e: {  	v0 =	vcvt.f32.s32 v43;
	v1 =	vld.idx.msk [tilespmem:v1+s5+$0x0], $0xffff;
	_ =	sdelay $0x4  }
0x28f: {  	v46 =	vld [tilespmem:s0+$0x187F0];
	v45 =	vtrunc.f32 v44;
	[tilespmem:s0+$0x1A7C0] =	vst v1  }
0x290: {  	v1 =	vcvt.f32.s32 v45;
	v0 =	vld.idx.msk [tilespmem:v0+s5+$0x0], $0xffff;
	_ =	sdelay $0x4  }
0x291: {  	v48 =	vld [tilespmem:s0+$0x18880];
	v47 =	vtrunc.f32 v46;
	[tilespmem:s0+$0x1A7D0] =	vst v0  }
0x292: {  	v0 =	vcvt.f32.s32 v47;
	v1 =	vld.idx.msk [tilespmem:v1+s5+$0x0], $0xffff;
	_ =	sdelay $0x4  }
0x293: {  	v50 =	vld [tilespmem:s0+$0x18890];
	v49 =	vtrunc.f32 v48;
	[tilespmem:s0+$0x1A7E0] =	vst v1  }
0x294: {  	v1 =	vcvt.f32.s32 v49;
	v0 =	vld.idx.msk [tilespmem:v0+s5+$0x0], $0xffff;
	_ =	sdelay $0x4  }
0x295: {  	v52 =	vld [tilespmem:s0+$0x188A0];
	v51 =	vtrunc.f32 v50;
	[tilespmem:s0+$0x1A7F0] =	vst v0  }
0x296: {  	v0 =	vcvt.f32.s32 v51;
	v1 =	vld.idx.msk [tilespmem:v1+s5+$0x0], $0xffff;
	_ =	sdelay $0x4  }
0x297: {  	v54 =	vld [tilespmem:s0+$0x188B0];
	v53 =	vtrunc.f32 v52;
	[tilespmem:s0+$0x1A880] =	vst v1  }
0x298: {  	v1 =	vcvt.f32.s32 v53;
	v0 =	vld.idx.msk [tilespmem:v0+s5+$0x0], $0xffff;
	_ =	sdelay $0x4  }
0x299: {  	v56 =	vld [tilespmem:s0+$0x188C0];
	v55 =	vtrunc.f32 v54;
	[tilespmem:s0+$0x1A890] =	vst v0  }
0x29a: {  	v0 =	vcvt.f32.s32 v55;
	v1 =	vld.idx.msk [tilespmem:v1+s5+$0x0], $0xffff;
	_ =	sdelay $0x4  }
0x29b: {  	v58 =	vld [tilespmem:s0+$0x188D0];
	v57 =	vtrunc.f32 v56;
	[tilespmem:s0+$0x1A8A0] =	vst v1  }
0x29c: {  	v1 =	vcvt.f32.s32 v57;
	v0 =	vld.idx.msk [tilespmem:v0+s5+$0x0], $0xffff;
	_ =	sdelay $0x4  }
0x29d: {  	v60 =	vld [tilespmem:s0+$0x188E0];
	v59 =	vtrunc.f32 v58;
	[tilespmem:s0+$0x1A8B0] =	vst v0  }
0x29e: {  	v0 =	vcvt.f32.s32 v59;
	v1 =	vld.idx.msk [tilespmem:v1+s5+$0x0], $0xffff;
	_ =	sdelay $0x4  }
0x29f: {  	v62 =	vld [tilespmem:s0+$0x188F0];
	v61 =	vtrunc.f32 v60;
	[tilespmem:s0+$0x1A8C0] =	vst v1  }
0x2a0: {  	v1 =	vcvt.f32.s32 v61;
	v0 =	vld.idx.msk [tilespmem:v0+s5+$0x0], $0xffff;
	_ =	sdelay $0x4  }
0x2a1: {  	v63 =	vtrunc.f32 v62;
	[tilespmem:s0+$0x1A8D0] =	vst v0  }
0x2a2: {  	v0 =	vcvt.f32.s32 v63;
	v1 =	vld.idx.msk [tilespmem:v1+s5+$0x0], $0xffff;
	_ =	sdelay $0x4  }
0x2a3: {  	[tilespmem:s0+$0x1A8E0] =	vst v1  }
0x2a4: {  	v0 =	vld.idx.msk [tilespmem:v0+s5+$0x0], $0xffff  }
.Ltmp15:
0x2a5: {  	_ = 	snop;
	(pc) =	sbr.rel @p1 .LBB2_33-.Ltmp15, $2  }
0x2a6: {  	_ =	sdelay $0x2  }
0x2a7: {  	[tilespmem:s0+$0x1A8F0] =	vst v0  }
0x2a8: {  	s0 =	smul.u32 $0x30E000, s29;
	_ =	sdelay $0x1  }
0x2a9: {  	s0 =	sadd.s32 s6, s0  }
0x2aa: {  	s0 =	sshrl.u32 s0, $0x3  }
0x2ab: {  	s2 =	simm.s32 $0x0;
	s26 =	sadd.s32 $0xE, s26;
	s0 =	sadd.s32 s3, s0  }
0x2ac: {  	[tilespmem:s2], [sflag:$0x1] =	stream.strided.gather [hbm4b:s0+s19], $0x18700, s20, s19, $0x38;
	[tilespmem:$0x1C700] =	vst v63  }
0x2ad: {  	s31 =	sshll.u32 s26, $0xB;
	s0 =	sshll.u32 s26, $0x4  }
0x2ae: {  	s2 =	sand.u32 $0x1C000, s31;
	s0 =	sand.u32 $0x70, s0  }
0x2af: {  	s0 =	sor.u32 s0, s2  }
0x2b0: {  	s30 =	simm.s32 $0x18880;
	s0 =	sadd.s32 s0, s15  }
0x2b1: {  	s26 =	simm.s32 $0x80;
	s2 =	simm.s32 $0x18780;
	s7 =	sadd.s32 $0x0, s0  }
.LBB2_31:
0x2b2: {  	[tilespmem:s2], [sflag:$0x2] =	stream.linear.gather [hbm4b:s7+s5], $0x80, $0x38;
	[tilespmem:$0x1C700] =	vst v63  }
0x2b3: {  	s7 =	smov.u32 s26;
	s2 =	smov.u32 s30;
	p1 =	sne.s32 s26, $0xF80  }
.Ltmp16:
0x2b4: {  	s26 =	sadd.s32 $0x80, s26;
	(pc) =	sbr.rel @p1 .LBB2_31-.Ltmp16, $2  }
0x2b5: {  	_ =	sdelay $0x2  }
0x2b6: {  	s30 =	sadd.s32 $0x100, s30;
	s7 =	sadd.s32 s7, s0  }
0x2b7: {  	[tilespmem:s2], [sflag:$0x2] =	stream.linear.gather [hbm4b:s7+s5], $0x80, $0x38;
	[tilespmem:$0x1C700] =	vst v63  }
.LBB2_33:
0x2b8: {  	s0 =	sadd.s32 s28, s16;
	s2 =	simm.s32 $0x1A780  }
0x2b9: {  	s26 =	simm.s32 $0x80;
	s28 =	simm.s32 $0x1A880;
	s7 =	sadd.s32 $0x0, s0  }
.LBB2_34:
0x2ba: {  	[hbm4b:s7+s5] =	stream.linear.scatter [tilespmem:s2], [sflag:$0x3], $0x80, $0x38;
	[tilespmem:$0x1C700] =	vst v63  }
0x2bb: {  	s7 =	smov.u32 s26;
	s2 =	smov.u32 s28;
	p1 =	seq.s32 s26, $0xF80  }
.Ltmp17:
0x2bc: {  	s26 =	sadd.s32 $0x80, s26;
	(pc) =	sbr.rel @!p1 .LBB2_34-.Ltmp17, $2  }
0x2bd: {  	_ =	sdelay $0x2  }
0x2be: {  	s28 =	sadd.s32 $0x100, s28;
	s7 =	sadd.s32 s7, s0  }
0x2bf: {  	[hbm4b:s7+s5] =	stream.linear.scatter [tilespmem:s2], [sflag:$0x3], $0x80, $0x38;
	[tilespmem:$0x1C700] =	vst v63  }
0x2c0: {  	p1 =	seq.s32 s29, $0x1A  }
.Ltmp18:
0x2c1: {  	_ = 	snop;
	(pc) =	sbr.rel @!p1 .LBB2_7-.Ltmp18, $1  }
0x2c2: {  	_ =	sdelay $0x3  }
0x2c3: {  	_ =	swait.ge [sflag:s23], $0x1000  }
.Ltmp19:
0x2c4: {  	[sflag:s23] =	ssyncset.done $0x0;
	(pc) =	sbr.rel @p0 .LBB2_43-.Ltmp19, $4  }
0x2c5: {  	[sflag:s23] =	ssyncadd.s32 $0xFFFFF000  }
0x2c6: {  	_ =	swait.ge [sflag:s23], $0x1000  }
0x2c7: {  	[sflag:s23] =	ssyncset.done $0x0  }
0x2c8: {  	[sflag:s23] =	ssyncadd.s32 $0xFFFFF000  }
0x2c9: {  	s0 =	simm.s32 $0x0  }
.LBB2_38:
0x2ca: {  	s2 =	sshll.u32 s0, $0xF  }
0x2cb: {  	s2 =	sadd.s32 s17, s2  }
0x2cc: {  	s2 =	sshrl.u32 s2, $0x3  }
0x2cd: {  	s28 =	simm.s32 $0x1A700;
	s26 =	sadd.s32 s1, s2  }
0x2ce: {  	s29 =	simm.s32 $0x80;
	s30 =	simm.s32 $0x1A800;
	s7 =	sadd.s32 $0x0, s26  }
.LBB2_39:
0x2cf: {  	[tilespmem:s28], [sflag:$0x4] =	stream.linear.gather [hbm4b:s7+s5], $0x80, $0x38;
	[tilespmem:$0x1C700] =	vst v63  }
0x2d0: {  	s7 =	smov.u32 s29;
	s28 =	smov.u32 s30;
	p1 =	sne.s32 s29, $0xF80  }
.Ltmp20:
0x2d1: {  	s29 =	sadd.s32 $0x80, s29;
	(pc) =	sbr.rel @p1 .LBB2_39-.Ltmp20, $2  }
0x2d2: {  	_ =	sdelay $0x2  }
0x2d3: {  	s30 =	sadd.s32 $0x100, s30;
	s7 =	sadd.s32 s7, s26  }
0x2d4: {  	[tilespmem:s28], [sflag:$0x4] =	stream.linear.gather [hbm4b:s7+s5], $0x80, $0x38;
	[tilespmem:$0x1C700] =	vst v63  }
0x2d5: {  	s2 =	sadd.s32 s4, s2;
	_ =	swait.ge [sflag:s24], $0x1000  }
0x2d6: {  	s26 =	simm.s32 $0x1A700;
	s28 =	simm.s32 $0x80;
	[sflag:s24] =	ssyncset.done $0x0  }
0x2d7: {  	s29 =	simm.s32 $0x1A800;
	s7 =	sadd.s32 $0x0, s2;
	[sflag:s24] =	ssyncadd.s32 $0xFFFFF000  }
.LBB2_41:
0x2d8: {  	[hbm4b:s7+s5] =	stream.linear.scatter [tilespmem:s26], [sflag:$0x4], $0x80, $0x38;
	[tilespmem:$0x1C700] =	vst v63  }
0x2d9: {  	s7 =	smov.u32 s28;
	s26 =	smov.u32 s29;
	p1 =	sne.s32 s28, $0xF80  }
.Ltmp21:
0x2da: {  	s28 =	sadd.s32 $0x80, s28;
	(pc) =	sbr.rel @p1 .LBB2_41-.Ltmp21, $2  }
0x2db: {  	_ =	sdelay $0x2  }
0x2dc: {  	s29 =	sadd.s32 $0x100, s29;
	s7 =	sadd.s32 s7, s2  }
0x2dd: {  	[hbm4b:s7+s5] =	stream.linear.scatter [tilespmem:s26], [sflag:$0x4], $0x80, $0x38;
	[tilespmem:$0x1C700] =	vst v63  }
0x2de: {  	s0 =	sadd.s32 $0x1, s0  }
0x2df: {  	p1 =	sne.s32 s0, $0x4  }
.Ltmp22:
0x2e0: {  	_ = 	snop;
	(pc) =	sbr.rel @p1 .LBB2_38-.Ltmp22, $4  }
.Ltmp23:
0x2e1: {  	_ = 	snop;
	(pc) =	sbr.rel @!p1 .LBB2_43-.Ltmp23, $4  }
0x2e2: {  	_ =	swait.ge [sflag:s24], $0x1000  }
0x2e3: {  	[sflag:s24] =	ssyncset.done $0x0  }
0x2e4: {  	[sflag:s24] =	ssyncadd.s32 $0xFFFFF000  }
0x2e5: {  	_ = 	snop  }
.LBB2_44:
0x2e6: {  	_ =	sfence.sel $0x180000  }
0x2e7: {  	[bflag:$0x0] =	sbarrier.arrive $0xFFFF  }
0x2e8: {  	_ =	strace $0x90000047  }
0x2e9: {  	s0 =	stileid.u32;
	[bflag:$0x2] =	sbarrier.arrive $0xFFFF  }
0x2ea: {  	p0 =	sne.s32 s0, $0x0;
	s0 =	rddreg [dreg:$0x3]  }
0x2eb: {  	s0 =	sadd.s32 @!p0 $0x100000, s0  }
0x2ec: {  	[sflag:s0] =	ssyncadd.tile.s32 @!p0 $0x1;
	_ =	shalt  }
.Lfunc_end2:
_tile_overlayer_lowered:
.L_overlay_start_2:
0x2ed: {  	(tag) =	ssettag $0x2  }
0x2ee: {  	s0 =	rddreg [dreg:$0x0];
	s2 =	stileid.u32  }
0x2ef: {  	s1 =	rddreg [dreg:$0x1];
	p0 =	sne.s32 s2, $0x0  }
0x2f0: {  	s3 =	rddreg [dreg:$0x2];
	[bflag:$0x3] =	sbarrier.arrive $0xFFFF;
	s2 =	simm.s32 @!p0 $0x1C04  }
0x2f1: {  	[timem:s3], [sflag:s2] =	dma.local @!p0 [hbm:s0], s1  }
0x2f2: {  	s0 =	simm.s32 @!p0 $0x4  }
0x2f3: {  	_ =	swait.ge @!p0 [sflag:s0], s1  }
0x2f4: {  	s1 =	ssub.s32 @!p0 $0x0, s1;
	[sflag:s0] =	ssyncset.done @!p0 $0x0  }
0x2f5: {  	[sflag:s0] =	ssyncadd.s32 @!p0 s1  }
0x2f6: {  	[bflag:$0x3] =	sbarrier.arrive $0xFFFF  }
0x2f7: {  	_ =	shalt  }

</sc_bundles>
